<compile_context>
chip_gen: v7x
topology: tpu7x:2x2x1
jax: 0.10.2.dev20260603
libtpu: 0.0.44.dev20260713+nightly
codegen_flags: <defaults>
</compile_context>

<pallas_src>
import functools

import jax
import jax.numpy as jnp
from jax import lax
from jax.experimental import pallas as pl
from jax.experimental.pallas import tpu as pltpu
from jax.experimental.pallas import tpu_sc as plsc

N = 10000
E = 160000
D = 256
DHALF = 128
EPS = 1e-5

NUM_CORES = 2
NUM_SUBCORES = 16
EPB = 125
NB = E // NUM_SUBCORES // EPB
CHUNK = 40
ROWS_PER_TILE = N // NUM_SUBCORES

BR = 2000
GR = N // BR

_DN = (((1,), (1,)), ((), ()))


def _dot_t(a, b):
    return jax.lax.dot_general(a, b, _DN, preferred_element_type=jnp.float32)



@functools.cache
def _make_sc_seg_sum():
    mesh = plsc.VectorSubcoreMesh(core_axis_name="c", subcore_axis_name="s",
                                  num_cores=NUM_CORES)

    @functools.partial(
        pl.kernel,
        out_type=jax.ShapeDtypeStruct((2 * N, DHALF), jnp.float32),
        mesh=mesh,
        scratch_types=[
            pltpu.VMEM((CHUNK, EPB), jnp.int32),
            pltpu.VMEM((CHUNK, EPB), jnp.int32),
            pltpu.VMEM((EPB, DHALF), jnp.float32),
            pltpu.VMEM((EPB, DHALF), jnp.float32),
            pltpu.VMEM_SHARED((N, DHALF), jnp.float32),
            pltpu.SemaphoreType.DMA,
            pltpu.SemaphoreType.DMA,
            pltpu.SemaphoreType.DMA,
        ],
        compiler_params=pltpu.CompilerParams(use_tc_tiling_on_sc=False),
    )
    def seg_sum(h_hbm, src_hbm, dst_hbm, out_hbm,
                src_v, dst_v, rows_a, rows_b, acc_sh, sem_a, sem_b, sem_i):
        c = lax.axis_index("c")
        s = lax.axis_index("s")
        h_half = h_hbm.at[pl.ds(c * N, N)]

        row0 = s * ROWS_PER_TILE
        b0 = s * NB

        init_cp = pltpu.async_copy(
            h_half.at[pl.ds(row0, ROWS_PER_TILE)],
            acc_sh.at[pl.ds(row0, ROWS_PER_TILE)], sem_i)
        pltpu.sync_copy(src_hbm.at[pl.ds(b0, CHUNK)],
                        src_v)
        pltpu.sync_copy(dst_hbm.at[pl.ds(b0, CHUNK)], dst_v)
        pltpu.async_copy(h_half.at[src_v.at[0]], rows_a, sem_a)
        pltpu.async_copy(h_half.at[src_v.at[1]], rows_b, sem_b)
        init_cp.wait()
        plsc.subcore_barrier()

        @pl.loop(0, NB, step=CHUNK)
        def _(c0):
            @pl.when(c0 > 0)
            def _():
                pltpu.sync_copy(
                    src_hbm.at[pl.ds(b0 + c0, CHUNK)], src_v)
                pltpu.sync_copy(dst_hbm.at[pl.ds(b0 + c0, CHUNK)], dst_v)
                pltpu.async_copy(h_half.at[src_v.at[0]], rows_a, sem_a)
                pltpu.async_copy(h_half.at[src_v.at[1]], rows_b, sem_b)

            @pl.loop(0, CHUNK, step=2)
            def _(j):
                pltpu.make_async_copy(h_half.at[src_v.at[j]], rows_a,
                                      sem_a).wait()
                pltpu.sync_copy(rows_a, acc_sh.at[dst_v.at[j]], add=True)

                @pl.when(j + 2 < CHUNK)
                def _():
                    pltpu.async_copy(h_half.at[src_v.at[j + 2]], rows_a, sem_a)

                pltpu.make_async_copy(h_half.at[src_v.at[j + 1]], rows_b,
                                      sem_b).wait()
                pltpu.sync_copy(rows_b, acc_sh.at[dst_v.at[j + 1]], add=True)

                @pl.when(j + 3 < CHUNK)
                def _():
                    pltpu.async_copy(h_half.at[src_v.at[j + 3]], rows_b, sem_b)

        plsc.subcore_barrier()

        pltpu.sync_copy(acc_sh.at[pl.ds(row0, ROWS_PER_TILE)],
                        out_hbm.at[pl.ds(c * N + row0, ROWS_PER_TILE)])

    return seg_sum


def _sc_seg_sum(hflat, src_r, dst_r):
    return _make_sc_seg_sum()(hflat, src_r, dst_r)



def _dbn_coeffs(st, g2, be2, go, beo):
    m = st[0:1, :] * (1.0 / N)
    v = st[1:2, :] * (1.0 / N) - m * m
    a1 = g2 / jnp.sqrt(v + EPS)
    c1 = be2 - m * a1
    a2 = go / jnp.sqrt(a1 * a1 * v + EPS)
    c2 = beo - be2 * a2
    return a1 * a2, c1 * a2 + c2


def _bn1_coeffs(st, g, be):
    m = st[0:1, :] * (1.0 / N)
    v = st[1:2, :] * (1.0 / N) - m * m
    a = g / jnp.sqrt(v + EPS)
    return a, be - m * a


def _stats_update(st_ref, y, first):
    st = jnp.concatenate([jnp.sum(y, 0, keepdims=True),
                          jnp.sum(y * y, 0, keepdims=True)], 0)

    @pl.when(first)
    def _():
        st_ref[...] = st

    @pl.when(jnp.logical_not(first))
    def _():
        st_ref[...] += st


def _layer_body(u_lo, u_hi, w1, b1, g1, be1, w2, b2, g2, be2, go, beo,
                wfc, bfc, out_ref, y1_scr, y2_scr, st1_scr, st2_scr, *, last):
    p = pl.program_id(0)
    g = pl.program_id(1)
    rows = pl.ds(g * BR, BR)

    @pl.when(p == 0)
    def _():
        y = (_dot_t(u_lo[...], w1[:, :DHALF])
             + _dot_t(u_hi[...], w1[:, DHALF:]) + b1[...])
        y1_scr[rows, :] = y
        _stats_update(st1_scr, y, g == 0)

    @pl.when(p == 1)
    def _():
        a, cshift = _bn1_coeffs(st1_scr[...], g1[...], be1[...])
        z = jnp.maximum(y1_scr[rows, :] * a + cshift, 0.0)
        y = _dot_t(z, w2[...]) + b2[...]
        y2_scr[rows, :] = y
        _stats_update(st2_scr, y, g == 0)

    if last:
        @pl.when(p == 2)
        def _():
            a, cshift = _dbn_coeffs(st2_scr[...], g2[...], be2[...],
                                    go[...], beo[...])
            h = jnp.maximum(y2_scr[rows, :] * a + cshift, 0.0)
            out_ref[...] = _dot_t(h, wfc[...]) + bfc[...]
    else:
        @pl.when(p >= 2)
        def _():
            a, cshift = _dbn_coeffs(st2_scr[...], g2[...], be2[...],
                                    go[...], beo[...])
            off = jnp.where(p == 2, 0, DHALF)
            is_lo = p == 2
            ah = jnp.where(is_lo, a[:, :DHALF], a[:, DHALF:])
            ch = jnp.where(is_lo, cshift[:, :DHALF], cshift[:, DHALF:])
            h = jnp.maximum(y2_scr[rows, pl.ds(off, DHALF)] * ah + ch, 0.0)
            out_ref[...] = h


def _tc_layer(u, w1, b1, g1, be1, w2, b2, g2, be2, go, beo, wfc, bfc, last):
    nphase = 3 if last else 4
    const = pl.BlockSpec((1, D), lambda p, g: (0, 0))
    sq = pl.BlockSpec((D, D), lambda p, g: (0, 0))
    if last:
        out_spec = pl.BlockSpec((BR, D),
                                lambda p, g: (jnp.where(p == 2, g, 0), 0))
        out_shape = jax.ShapeDtypeStruct((N, D), jnp.float32)
    else:
        out_spec = pl.BlockSpec(
            (BR, DHALF),
            lambda p, g: (jnp.where(p < 2, 0, (p - 2) * GR + g), 0))
        out_shape = jax.ShapeDtypeStruct((2 * N, DHALF), jnp.float32)
    return pl.pallas_call(
        functools.partial(_layer_body, last=last),
        grid=(nphase, GR),
        in_specs=[
            pl.BlockSpec((BR, DHALF),
                         lambda p, g: (jnp.where(p == 0, g, GR - 1), 0)),
            pl.BlockSpec((BR, DHALF),
                         lambda p, g: (jnp.where(p == 0, g, GR - 1) + GR, 0)),
            sq, const, const, const, sq, const, const, const, const, const,
            sq, const,
        ],
        out_specs=out_spec,
        out_shape=out_shape,
        scratch_shapes=[
            pltpu.VMEM((N, D), jnp.float32),
            pltpu.VMEM((N, D), jnp.float32),
            pltpu.VMEM((2, D), jnp.float32),
            pltpu.VMEM((2, D), jnp.float32),
        ],
    )(u, u, w1, b1, g1, be1, w2, b2, g2, be2, go, beo, wfc, bfc)



def kernel(x, edge_index, params):
    hflat = jnp.concatenate([x[:, :DHALF], x[:, DHALF:]], axis=0)

    src = edge_index[0].reshape(NUM_SUBCORES * NB, EPB)
    dst = edge_index[1].reshape(NUM_SUBCORES * NB, EPB)

    row = lambda p: p.reshape(1, D)

    for i in range(3):
        u = _sc_seg_sum(hflat, src, dst)
        last = i == 2
        hflat = _tc_layer(
            u, params[f"W1_{i}"], row(params[f"b1_{i}"]),
            row(params[f"g1_{i}"]), row(params[f"be1_{i}"]),
            params[f"W2_{i}"], row(params[f"b2_{i}"]),
            row(params[f"g2_{i}"]), row(params[f"be2_{i}"]),
            row(params[f"go_{i}"]), row(params[f"beo_{i}"]),
            params["Wfc"], row(params["bfc"]), last)
    return hflat

# --- scband reference (transcript-rebuilt; emitter-appended) ---
"""Pipeline reference for scband-ginmodel-16063177687498 (READ-ONLY COPY).

The authoritative reference and input builder live on the scoring server;
editing this copy changes nothing except your own understanding.
"""

import jax, jax.numpy as jnp
import numpy as np

N = 10000
E = 160000
DIN = 256
DH = 256
DOUT = 256
L = 3


def setup_inputs(seed: int = 0) -> dict:
    key = jax.random.key(seed)
    ks = jax.random.split(key, 64)
    x = jax.random.normal(ks[0], (N, DIN), dtype=jnp.float32)
    edge_index = jax.random.randint(ks[1], (2, E), 0, N, dtype=jnp.int32)
    params = {}
    idx = 2
    for i in range(L):
        din = DIN if i == 0 else DH
        params[f"W1_{i}"] = jax.random.normal(ks[idx], (DH, din), dtype=jnp.float32) * 0.05; idx += 1
        params[f"b1_{i}"] = jnp.zeros((DH,), dtype=jnp.float32)
        params[f"g1_{i}"] = jnp.ones((DH,), dtype=jnp.float32)
        params[f"be1_{i}"] = jnp.zeros((DH,), dtype=jnp.float32)
        params[f"W2_{i}"] = jax.random.normal(ks[idx], (DH, DH), dtype=jnp.float32) * 0.05; idx += 1
        params[f"b2_{i}"] = jnp.zeros((DH,), dtype=jnp.float32)
        params[f"g2_{i}"] = jnp.ones((DH,), dtype=jnp.float32)
        params[f"be2_{i}"] = jnp.zeros((DH,), dtype=jnp.float32)
        params[f"go_{i}"] = jnp.ones((DH,), dtype=jnp.float32)
        params[f"beo_{i}"] = jnp.zeros((DH,), dtype=jnp.float32)
    params["Wfc"] = jax.random.normal(ks[idx], (DOUT, DH), dtype=jnp.float32) * 0.05
    params["bfc"] = jnp.zeros((DOUT,), dtype=jnp.float32)
    return {"x": x, "edge_index": edge_index, "params": params}


def _bn(h, g, b):
    m = jnp.mean(h, axis=0)
    v = jnp.var(h, axis=0)
    return g * (h - m) / jnp.sqrt(v + 1e-5) + b


def _forward(x, edge_index, params):
    src = edge_index[0]
    dst = edge_index[1]
    h = x
    for i in range(L):
        # GINConv with eps=0: (1+eps)*x + sum-aggregated neighbor messages
        agg = jax.ops.segment_sum(h[src], dst, num_segments=N)
        h = h + agg
        # MLP: relu(bn1(fc1)), bn2(fc2)
        h = h @ params[f"W1_{i}"].T + params[f"b1_{i}"]
        h = jax.nn.relu(_bn(h, params[f"g1_{i}"], params[f"be1_{i}"]))
        h = h @ params[f"W2_{i}"].T + params[f"b2_{i}"]
        h = _bn(h, params[f"g2_{i}"], params[f"be2_{i}"])
        # outer BatchNorm + relu
        h = _bn(h, params[f"go_{i}"], params[f"beo_{i}"])
        h = jax.nn.relu(h)
    out = h @ params["Wfc"].T + params["bfc"]
    return out


def reference(x, edge_index, params):
    return _forward(x, edge_index, params)

if __name__ == "__main__":
    import jax
    _d = setup_inputs()
    print(jax.jit(kernel)(*tuple(_d.values())))

</pallas_src>

<mosaic_0001>
#map = affine_map<(d0, d1) -> (0, 0)>
module attributes {stable_mosaic.version = 14 : i64} {
  func.func @seg_sum(%arg0: i32, %arg1: i32, %arg2: memref<20000x128xf32, #tpu.memory_space<hbm>>, %arg3: memref<1280x125xi32, #tpu.memory_space<hbm>>, %arg4: memref<1280x125xi32, #tpu.memory_space<hbm>>, %arg5: memref<20000x128xf32, #tpu.memory_space<hbm>>, %arg6: memref<40x125xi32, #tpu.memory_space<vmem>>, %arg7: memref<40x125xi32, #tpu.memory_space<vmem>>, %arg8: memref<125x128xf32, #tpu.memory_space<vmem>>, %arg9: memref<125x128xf32, #tpu.memory_space<vmem>>, %arg10: memref<10000x128xf32, #tpu.memory_space<vmem_shared>>, %arg11: memref<!tpu.dma_semaphore, #tpu.memory_space<semaphore_mem>>, %arg12: memref<!tpu.dma_semaphore, #tpu.memory_space<semaphore_mem>>, %arg13: memref<!tpu.dma_semaphore, #tpu.memory_space<semaphore_mem>>) attributes {dimension_semantics = [#tpu.dimension_semantics<core_parallel>, #tpu.dimension_semantics<subcore_parallel>], iteration_bounds = array<i64: 2, 16>, scalar_prefetch = 0 : i64, scratch_operands = 8 : i64, tpu.core_type = #tpu.core_type<sc_vector_subcore>, window_params = [{transform_indices = #map}, {transform_indices = #map}, {transform_indices = #map}, {transform_indices = #map}]} {
    %mul3A = arith.constant 10000 : i32
    %mul3A_0 = arith.muli %arg0, %mul3A : i32
    %mul3A_1 = arith.constant 625 : i32
    %mul3A_2 = arith.muli %arg1, %mul3A_1 : i32
    %mul3A_3 = arith.constant 80 : i32
    %mul3A_4 = arith.muli %arg1, %mul3A_3 : i32
    %dma_start3A = arith.constant 0 : i32
    %dma_start3A_5 = tpu.memref_slice %arg10[%mul3A_2, %dma_start3A] : memref<10000x128xf32, #tpu.memory_space<vmem_shared>> -> memref<625x128xf32, #tpu.memory_space<vmem_shared>>
    %dma_start3A_6 = arith.constant 0 : i32
    %dma_start3A_7 = tpu.memref_slice %arg2[%mul3A_0, %dma_start3A_6] : memref<20000x128xf32, #tpu.memory_space<hbm>> -> memref<10000x128xf32, #tpu.memory_space<hbm>>
    %dma_start3A_8 = arith.constant 0 : i32
    %dma_start3A_9 = tpu.memref_slice %dma_start3A_7[%mul3A_2, %dma_start3A_8] : memref<10000x128xf32, #tpu.memory_space<hbm>> -> memref<625x128xf32, #tpu.memory_space<hbm>>
    tpu.enqueue_dma source(%dma_start3A_9 : memref<625x128xf32, #tpu.memory_space<hbm>>) target(%dma_start3A_5 : memref<625x128xf32, #tpu.memory_space<vmem_shared>>) target_semaphore(%arg13 : memref<!tpu.dma_semaphore, #tpu.memory_space<semaphore_mem>>)
    "tpu.region"() ({
      %run_scoped3A = tpu.sem_alloc : memref<!tpu.dma_semaphore, #tpu.memory_space<semaphore_mem>>
      %dma_start3A_40 = arith.constant 0 : i32
      %dma_start3A_41 = tpu.memref_slice %arg3[%mul3A_4, %dma_start3A_40] : memref<1280x125xi32, #tpu.memory_space<hbm>> -> memref<40x125xi32, #tpu.memory_space<hbm>>
      %dma_start3A_42 = arith.constant 0 : i32
      %dma_start3A_43 = tpu.memref_slice %arg3[%mul3A_4, %dma_start3A_42] : memref<1280x125xi32, #tpu.memory_space<hbm>> -> memref<40x125xi32, #tpu.memory_space<hbm>>
      tpu.enqueue_dma source(%dma_start3A_43 : memref<40x125xi32, #tpu.memory_space<hbm>>) target(%arg6 : memref<40x125xi32, #tpu.memory_space<vmem>>) target_semaphore(%run_scoped3A : memref<!tpu.dma_semaphore, #tpu.memory_space<semaphore_mem>>)
      %dma_wait3A_44 = arith.constant 0 : i32
      %dma_wait3A_45 = tpu.memref_slice %arg3[%mul3A_4, %dma_wait3A_44] : memref<1280x125xi32, #tpu.memory_space<hbm>> -> memref<40x125xi32, #tpu.memory_space<hbm>>
      %dma_wait3A_46 = arith.constant 0 : i32
      %dma_wait3A_47 = tpu.memref_slice %arg3[%mul3A_4, %dma_wait3A_46] : memref<1280x125xi32, #tpu.memory_space<hbm>> -> memref<40x125xi32, #tpu.memory_space<hbm>>
      tpu.wait_dma2 semaphore(%run_scoped3A : memref<!tpu.dma_semaphore, #tpu.memory_space<semaphore_mem>>) src(%dma_wait3A_47 : memref<40x125xi32, #tpu.memory_space<hbm>>) dst(%arg6 : memref<40x125xi32, #tpu.memory_space<vmem>>)
      tpu.yield
    }) : () -> ()
    "tpu.region"() ({
      %run_scoped3A = tpu.sem_alloc : memref<!tpu.dma_semaphore, #tpu.memory_space<semaphore_mem>>
      %dma_start3A_40 = arith.constant 0 : i32
      %dma_start3A_41 = tpu.memref_slice %arg4[%mul3A_4, %dma_start3A_40] : memref<1280x125xi32, #tpu.memory_space<hbm>> -> memref<40x125xi32, #tpu.memory_space<hbm>>
      %dma_start3A_42 = arith.constant 0 : i32
      %dma_start3A_43 = tpu.memref_slice %arg4[%mul3A_4, %dma_start3A_42] : memref<1280x125xi32, #tpu.memory_space<hbm>> -> memref<40x125xi32, #tpu.memory_space<hbm>>
      tpu.enqueue_dma source(%dma_start3A_43 : memref<40x125xi32, #tpu.memory_space<hbm>>) target(%arg7 : memref<40x125xi32, #tpu.memory_space<vmem>>) target_semaphore(%run_scoped3A : memref<!tpu.dma_semaphore, #tpu.memory_space<semaphore_mem>>)
      %dma_wait3A_44 = arith.constant 0 : i32
      %dma_wait3A_45 = tpu.memref_slice %arg4[%mul3A_4, %dma_wait3A_44] : memref<1280x125xi32, #tpu.memory_space<hbm>> -> memref<40x125xi32, #tpu.memory_space<hbm>>
      %dma_wait3A_46 = arith.constant 0 : i32
      %dma_wait3A_47 = tpu.memref_slice %arg4[%mul3A_4, %dma_wait3A_46] : memref<1280x125xi32, #tpu.memory_space<hbm>> -> memref<40x125xi32, #tpu.memory_space<hbm>>
      tpu.wait_dma2 semaphore(%run_scoped3A : memref<!tpu.dma_semaphore, #tpu.memory_space<semaphore_mem>>) src(%dma_wait3A_47 : memref<40x125xi32, #tpu.memory_space<hbm>>) dst(%arg7 : memref<40x125xi32, #tpu.memory_space<vmem>>)
      tpu.yield
    }) : () -> ()
    %dma_start3A_10 = arith.constant 0 : i32
    %dma_start3A_11 = arith.constant 0 : i32
    %dma_start3A_12 = tpu.memref_slice %arg6[%dma_start3A_10, %dma_start3A_11] : memref<40x125xi32, #tpu.memory_space<vmem>> -> memref<1x125xi32, #tpu.memory_space<vmem>>
    %dma_start3A_13 = tpu.memref_squeeze %dma_start3A_12 : memref<1x125xi32, #tpu.memory_space<vmem>> -> memref<125xi32, #tpu.memory_space<vmem>>
    %dma_start3A_14 = arith.constant 0 : i32
    %dma_start3A_15 = tpu.memref_slice %arg2[%mul3A_0, %dma_start3A_14] : memref<20000x128xf32, #tpu.memory_space<hbm>> -> memref<10000x128xf32, #tpu.memory_space<hbm>>
    %dma_start3A_16 = arith.constant 0 : i32
    %dma_start3A_17 = arith.constant 0 : i32
    %dma_start3A_18 = tpu.memref_slice %dma_start3A_15[%dma_start3A_16, %dma_start3A_17] : memref<10000x128xf32, #tpu.memory_space<hbm>> -> memref<10000x128xf32, #tpu.memory_space<hbm>>
    tpu.enqueue_indirect_dma source(%dma_start3A_18 : memref<10000x128xf32, #tpu.memory_space<hbm>>) target(%arg8 : memref<125x128xf32, #tpu.memory_space<vmem>>) offsets(%dma_start3A_13 : memref<125xi32, #tpu.memory_space<vmem>>) semaphore(%arg11 : memref<!tpu.dma_semaphore, #tpu.memory_space<semaphore_mem>>)
    %dma_start3A_19 = arith.constant 1 : i32
    %dma_start3A_20 = arith.constant 0 : i32
    %dma_start3A_21 = tpu.memref_slice %arg6[%dma_start3A_19, %dma_start3A_20] : memref<40x125xi32, #tpu.memory_space<vmem>> -> memref<1x125xi32, #tpu.memory_space<vmem>>
    %dma_start3A_22 = tpu.memref_squeeze %dma_start3A_21 : memref<1x125xi32, #tpu.memory_space<vmem>> -> memref<125xi32, #tpu.memory_space<vmem>>
    %dma_start3A_23 = arith.constant 0 : i32
    %dma_start3A_24 = tpu.memref_slice %arg2[%mul3A_0, %dma_start3A_23] : memref<20000x128xf32, #tpu.memory_space<hbm>> -> memref<10000x128xf32, #tpu.memory_space<hbm>>
    %dma_start3A_25 = arith.constant 0 : i32
    %dma_start3A_26 = arith.constant 0 : i32
    %dma_start3A_27 = tpu.memref_slice %dma_start3A_24[%dma_start3A_25, %dma_start3A_26] : memref<10000x128xf32, #tpu.memory_space<hbm>> -> memref<10000x128xf32, #tpu.memory_space<hbm>>
    tpu.enqueue_indirect_dma source(%dma_start3A_27 : memref<10000x128xf32, #tpu.memory_space<hbm>>) target(%arg9 : memref<125x128xf32, #tpu.memory_space<vmem>>) offsets(%dma_start3A_22 : memref<125xi32, #tpu.memory_space<vmem>>) semaphore(%arg12 : memref<!tpu.dma_semaphore, #tpu.memory_space<semaphore_mem>>)
    %dma_wait3A = arith.constant 0 : i32
    %dma_wait3A_28 = tpu.memref_slice %arg10[%mul3A_2, %dma_wait3A] : memref<10000x128xf32, #tpu.memory_space<vmem_shared>> -> memref<625x128xf32, #tpu.memory_space<vmem_shared>>
    %dma_wait3A_29 = arith.constant 0 : i32
    %dma_wait3A_30 = tpu.memref_slice %arg2[%mul3A_0, %dma_wait3A_29] : memref<20000x128xf32, #tpu.memory_space<hbm>> -> memref<10000x128xf32, #tpu.memory_space<hbm>>
    %dma_wait3A_31 = arith.constant 0 : i32
    %dma_wait3A_32 = tpu.memref_slice %dma_wait3A_30[%mul3A_2, %dma_wait3A_31] : memref<10000x128xf32, #tpu.memory_space<hbm>> -> memref<625x128xf32, #tpu.memory_space<hbm>>
    tpu.wait_dma2 semaphore(%arg13 : memref<!tpu.dma_semaphore, #tpu.memory_space<semaphore_mem>>) src(%dma_wait3A_32 : memref<625x128xf32, #tpu.memory_space<hbm>>) dst(%dma_wait3A_28 : memref<625x128xf32, #tpu.memory_space<vmem_shared>>)
    %barrier3A = arith.constant 0 : index
    tpu.barrier barrier_id(%barrier3A)
    %scan3A = arith.constant 0 : i32
    %scan3A_33 = arith.constant 2 : i32
    %scan3A_34 = arith.addi %scan3A, %scan3A_33 : i32
    %scan3A_35 = arith.constant 1 : i32
    scf.for %scan3A_40 = %scan3A to %scan3A_34 step %scan3A_35  : i32 {
      %mul3A_41 = arith.constant 40 : i32
      %mul3A_42 = arith.muli %scan3A_40, %mul3A_41 : i32
      %add3A_43 = arith.constant 0 : i32
      %add3A_44 = arith.addi %add3A_43, %mul3A_42 : i32
      %gt3A = arith.constant 0 : i32
      %gt3A_45 = arith.cmpi sgt, %add3A_44, %gt3A : i32
      %convert_element_type3A = arith.extui %gt3A_45 : i1 to i32
      %cond3A = arith.constant 0 : i32
      %cond3A_46 = arith.cmpi ne, %convert_element_type3A, %cond3A : i32
      scf.if %cond3A_46 {
        %add3A_52 = arith.addi %mul3A_4, %add3A_44 : i32
        "tpu.region"() ({
          %run_scoped3A = tpu.sem_alloc : memref<!tpu.dma_semaphore, #tpu.memory_space<semaphore_mem>>
          %dma_start3A_72 = arith.constant 0 : i32
          %dma_start3A_73 = tpu.memref_slice %arg3[%add3A_52, %dma_start3A_72] : memref<1280x125xi32, #tpu.memory_space<hbm>> -> memref<40x125xi32, #tpu.memory_space<hbm>>
          %dma_start3A_74 = arith.constant 0 : i32
          %dma_start3A_75 = tpu.memref_slice %arg3[%add3A_52, %dma_start3A_74] : memref<1280x125xi32, #tpu.memory_space<hbm>> -> memref<40x125xi32, #tpu.memory_space<hbm>>
          tpu.enqueue_dma source(%dma_start3A_75 : memref<40x125xi32, #tpu.memory_space<hbm>>) target(%arg6 : memref<40x125xi32, #tpu.memory_space<vmem>>) target_semaphore(%run_scoped3A : memref<!tpu.dma_semaphore, #tpu.memory_space<semaphore_mem>>)
          %dma_wait3A_76 = arith.constant 0 : i32
          %dma_wait3A_77 = tpu.memref_slice %arg3[%add3A_52, %dma_wait3A_76] : memref<1280x125xi32, #tpu.memory_space<hbm>> -> memref<40x125xi32, #tpu.memory_space<hbm>>
          %dma_wait3A_78 = arith.constant 0 : i32
          %dma_wait3A_79 = tpu.memref_slice %arg3[%add3A_52, %dma_wait3A_78] : memref<1280x125xi32, #tpu.memory_space<hbm>> -> memref<40x125xi32, #tpu.memory_space<hbm>>
          tpu.wait_dma2 semaphore(%run_scoped3A : memref<!tpu.dma_semaphore, #tpu.memory_space<semaphore_mem>>) src(%dma_wait3A_79 : memref<40x125xi32, #tpu.memory_space<hbm>>) dst(%arg6 : memref<40x125xi32, #tpu.memory_space<vmem>>)
          tpu.yield
        }) : () -> ()
        %add3A_53 = arith.addi %mul3A_4, %add3A_44 : i32
        "tpu.region"() ({
          %run_scoped3A = tpu.sem_alloc : memref<!tpu.dma_semaphore, #tpu.memory_space<semaphore_mem>>
          %dma_start3A_72 = arith.constant 0 : i32
          %dma_start3A_73 = tpu.memref_slice %arg4[%add3A_53, %dma_start3A_72] : memref<1280x125xi32, #tpu.memory_space<hbm>> -> memref<40x125xi32, #tpu.memory_space<hbm>>
          %dma_start3A_74 = arith.constant 0 : i32
          %dma_start3A_75 = tpu.memref_slice %arg4[%add3A_53, %dma_start3A_74] : memref<1280x125xi32, #tpu.memory_space<hbm>> -> memref<40x125xi32, #tpu.memory_space<hbm>>
          tpu.enqueue_dma source(%dma_start3A_75 : memref<40x125xi32, #tpu.memory_space<hbm>>) target(%arg7 : memref<40x125xi32, #tpu.memory_space<vmem>>) target_semaphore(%run_scoped3A : memref<!tpu.dma_semaphore, #tpu.memory_space<semaphore_mem>>)
          %dma_wait3A_76 = arith.constant 0 : i32
          %dma_wait3A_77 = tpu.memref_slice %arg4[%add3A_53, %dma_wait3A_76] : memref<1280x125xi32, #tpu.memory_space<hbm>> -> memref<40x125xi32, #tpu.memory_space<hbm>>
          %dma_wait3A_78 = arith.constant 0 : i32
          %dma_wait3A_79 = tpu.memref_slice %arg4[%add3A_53, %dma_wait3A_78] : memref<1280x125xi32, #tpu.memory_space<hbm>> -> memref<40x125xi32, #tpu.memory_space<hbm>>
          tpu.wait_dma2 semaphore(%run_scoped3A : memref<!tpu.dma_semaphore, #tpu.memory_space<semaphore_mem>>) src(%dma_wait3A_79 : memref<40x125xi32, #tpu.memory_space<hbm>>) dst(%arg7 : memref<40x125xi32, #tpu.memory_space<vmem>>)
          tpu.yield
        }) : () -> ()
        %dma_start3A_54 = arith.constant 0 : i32
        %dma_start3A_55 = arith.constant 0 : i32
        %dma_start3A_56 = tpu.memref_slice %arg6[%dma_start3A_54, %dma_start3A_55] : memref<40x125xi32, #tpu.memory_space<vmem>> -> memref<1x125xi32, #tpu.memory_space<vmem>>
        %dma_start3A_57 = tpu.memref_squeeze %dma_start3A_56 : memref<1x125xi32, #tpu.memory_space<vmem>> -> memref<125xi32, #tpu.memory_space<vmem>>
        %dma_start3A_58 = arith.constant 0 : i32
        %dma_start3A_59 = tpu.memref_slice %arg2[%mul3A_0, %dma_start3A_58] : memref<20000x128xf32, #tpu.memory_space<hbm>> -> memref<10000x128xf32, #tpu.memory_space<hbm>>
        %dma_start3A_60 = arith.constant 0 : i32
        %dma_start3A_61 = arith.constant 0 : i32
        %dma_start3A_62 = tpu.memref_slice %dma_start3A_59[%dma_start3A_60, %dma_start3A_61] : memref<10000x128xf32, #tpu.memory_space<hbm>> -> memref<10000x128xf32, #tpu.memory_space<hbm>>
        tpu.enqueue_indirect_dma source(%dma_start3A_62 : memref<10000x128xf32, #tpu.memory_space<hbm>>) target(%arg8 : memref<125x128xf32, #tpu.memory_space<vmem>>) offsets(%dma_start3A_57 : memref<125xi32, #tpu.memory_space<vmem>>) semaphore(%arg11 : memref<!tpu.dma_semaphore, #tpu.memory_space<semaphore_mem>>)
        %dma_start3A_63 = arith.constant 1 : i32
        %dma_start3A_64 = arith.constant 0 : i32
        %dma_start3A_65 = tpu.memref_slice %arg6[%dma_start3A_63, %dma_start3A_64] : memref<40x125xi32, #tpu.memory_space<vmem>> -> memref<1x125xi32, #tpu.memory_space<vmem>>
        %dma_start3A_66 = tpu.memref_squeeze %dma_start3A_65 : memref<1x125xi32, #tpu.memory_space<vmem>> -> memref<125xi32, #tpu.memory_space<vmem>>
        %dma_start3A_67 = arith.constant 0 : i32
        %dma_start3A_68 = tpu.memref_slice %arg2[%mul3A_0, %dma_start3A_67] : memref<20000x128xf32, #tpu.memory_space<hbm>> -> memref<10000x128xf32, #tpu.memory_space<hbm>>
        %dma_start3A_69 = arith.constant 0 : i32
        %dma_start3A_70 = arith.constant 0 : i32
        %dma_start3A_71 = tpu.memref_slice %dma_start3A_68[%dma_start3A_69, %dma_start3A_70] : memref<10000x128xf32, #tpu.memory_space<hbm>> -> memref<10000x128xf32, #tpu.memory_space<hbm>>
        tpu.enqueue_indirect_dma source(%dma_start3A_71 : memref<10000x128xf32, #tpu.memory_space<hbm>>) target(%arg9 : memref<125x128xf32, #tpu.memory_space<vmem>>) offsets(%dma_start3A_66 : memref<125xi32, #tpu.memory_space<vmem>>) semaphore(%arg12 : memref<!tpu.dma_semaphore, #tpu.memory_space<semaphore_mem>>)
      } else {
      }
      %scan3A_47 = arith.constant 0 : i32
      %scan3A_48 = arith.constant 20 : i32
      %scan3A_49 = arith.addi %scan3A_47, %scan3A_48 : i32
      %scan3A_50 = arith.constant 1 : i32
      scf.for %scan3A_52 = %scan3A_47 to %scan3A_49 step %scan3A_50  : i32 {
        %mul3A_53 = arith.constant 2 : i32
        %mul3A_54 = arith.muli %scan3A_52, %mul3A_53 : i32
        %add3A_55 = arith.constant 0 : i32
        %add3A_56 = arith.addi %add3A_55, %mul3A_54 : i32
        %dma_wait3A_57 = arith.constant 0 : i32
        %dma_wait3A_58 = tpu.memref_slice %arg6[%add3A_56, %dma_wait3A_57] : memref<40x125xi32, #tpu.memory_space<vmem>> -> memref<1x125xi32, #tpu.memory_space<vmem>>
        %dma_wait3A_59 = tpu.memref_squeeze %dma_wait3A_58 : memref<1x125xi32, #tpu.memory_space<vmem>> -> memref<125xi32, #tpu.memory_space<vmem>>
        %dma_wait3A_60 = arith.constant 0 : i32
        %dma_wait3A_61 = tpu.memref_slice %arg2[%mul3A_0, %dma_wait3A_60] : memref<20000x128xf32, #tpu.memory_space<hbm>> -> memref<10000x128xf32, #tpu.memory_space<hbm>>
        %dma_wait3A_62 = arith.constant 0 : i32
        %dma_wait3A_63 = arith.constant 0 : i32
        %dma_wait3A_64 = tpu.memref_slice %dma_wait3A_61[%dma_wait3A_62, %dma_wait3A_63] : memref<10000x128xf32, #tpu.memory_space<hbm>> -> memref<10000x128xf32, #tpu.memory_space<hbm>>
        tpu.wait_indirect_dma semaphore(%arg11 : memref<!tpu.dma_semaphore, #tpu.memory_space<semaphore_mem>>) src(%dma_wait3A_64 : memref<10000x128xf32, #tpu.memory_space<hbm>>) dst(%arg8 : memref<125x128xf32, #tpu.memory_space<vmem>>)
        "tpu.region"() ({
          %run_scoped3A = tpu.sem_alloc : memref<!tpu.dma_semaphore, #tpu.memory_space<semaphore_mem>>
          %dma_start3A_90 = arith.constant 0 : i32
          %dma_start3A_91 = tpu.memref_slice %arg7[%add3A_56, %dma_start3A_90] : memref<40x125xi32, #tpu.memory_space<vmem>> -> memref<1x125xi32, #tpu.memory_space<vmem>>
          %dma_start3A_92 = tpu.memref_squeeze %dma_start3A_91 : memref<1x125xi32, #tpu.memory_space<vmem>> -> memref<125xi32, #tpu.memory_space<vmem>>
          %dma_start3A_93 = arith.constant 0 : i32
          %dma_start3A_94 = arith.constant 0 : i32
          %dma_start3A_95 = tpu.memref_slice %arg10[%dma_start3A_93, %dma_start3A_94] : memref<10000x128xf32, #tpu.memory_space<vmem_shared>> -> memref<10000x128xf32, #tpu.memory_space<vmem_shared>>
          tpu.enqueue_indirect_dma source(%arg8 : memref<125x128xf32, #tpu.memory_space<vmem>>) target(%dma_start3A_95 : memref<10000x128xf32, #tpu.memory_space<vmem_shared>>) offsets(%dma_start3A_92 : memref<125xi32, #tpu.memory_space<vmem>>) semaphore(%run_scoped3A : memref<!tpu.dma_semaphore, #tpu.memory_space<semaphore_mem>>) {add = true}
          %dma_wait3A_96 = arith.constant 0 : i32
          %dma_wait3A_97 = tpu.memref_slice %arg7[%add3A_56, %dma_wait3A_96] : memref<40x125xi32, #tpu.memory_space<vmem>> -> memref<1x125xi32, #tpu.memory_space<vmem>>
          %dma_wait3A_98 = tpu.memref_squeeze %dma_wait3A_97 : memref<1x125xi32, #tpu.memory_space<vmem>> -> memref<125xi32, #tpu.memory_space<vmem>>
          %dma_wait3A_99 = arith.constant 0 : i32
          %dma_wait3A_100 = arith.constant 0 : i32
          %dma_wait3A_101 = tpu.memref_slice %arg10[%dma_wait3A_99, %dma_wait3A_100] : memref<10000x128xf32, #tpu.memory_space<vmem_shared>> -> memref<10000x128xf32, #tpu.memory_space<vmem_shared>>
          tpu.wait_indirect_dma semaphore(%run_scoped3A : memref<!tpu.dma_semaphore, #tpu.memory_space<semaphore_mem>>) src(%arg8 : memref<125x128xf32, #tpu.memory_space<vmem>>) dst(%dma_wait3A_101 : memref<10000x128xf32, #tpu.memory_space<vmem_shared>>)
          tpu.yield
        }) : () -> ()
        %add3A_65 = arith.constant 2 : i32
        %add3A_66 = arith.addi %add3A_56, %add3A_65 : i32
        %lt3A = arith.constant 40 : i32
        %lt3A_67 = arith.cmpi slt, %add3A_66, %lt3A : i32
        %convert_element_type3A_68 = arith.extui %lt3A_67 : i1 to i32
        %cond3A_69 = arith.constant 0 : i32
        %cond3A_70 = arith.cmpi ne, %convert_element_type3A_68, %cond3A_69 : i32
        scf.if %cond3A_70 {
          %add3A_90 = arith.constant 2 : i32
          %add3A_91 = arith.addi %add3A_56, %add3A_90 : i32
          %dma_start3A_92 = arith.constant 0 : i32
          %dma_start3A_93 = tpu.memref_slice %arg6[%add3A_91, %dma_start3A_92] : memref<40x125xi32, #tpu.memory_space<vmem>> -> memref<1x125xi32, #tpu.memory_space<vmem>>
          %dma_start3A_94 = tpu.memref_squeeze %dma_start3A_93 : memref<1x125xi32, #tpu.memory_space<vmem>> -> memref<125xi32, #tpu.memory_space<vmem>>
          %dma_start3A_95 = arith.constant 0 : i32
          %dma_start3A_96 = tpu.memref_slice %arg2[%mul3A_0, %dma_start3A_95] : memref<20000x128xf32, #tpu.memory_space<hbm>> -> memref<10000x128xf32, #tpu.memory_space<hbm>>
          %dma_start3A_97 = arith.constant 0 : i32
          %dma_start3A_98 = arith.constant 0 : i32
          %dma_start3A_99 = tpu.memref_slice %dma_start3A_96[%dma_start3A_97, %dma_start3A_98] : memref<10000x128xf32, #tpu.memory_space<hbm>> -> memref<10000x128xf32, #tpu.memory_space<hbm>>
          tpu.enqueue_indirect_dma source(%dma_start3A_99 : memref<10000x128xf32, #tpu.memory_space<hbm>>) target(%arg8 : memref<125x128xf32, #tpu.memory_space<vmem>>) offsets(%dma_start3A_94 : memref<125xi32, #tpu.memory_space<vmem>>) semaphore(%arg11 : memref<!tpu.dma_semaphore, #tpu.memory_space<semaphore_mem>>)
        } else {
        }
        %add3A_71 = arith.constant 1 : i32
        %add3A_72 = arith.addi %add3A_56, %add3A_71 : i32
        %dma_wait3A_73 = arith.constant 0 : i32
        %dma_wait3A_74 = tpu.memref_slice %arg6[%add3A_72, %dma_wait3A_73] : memref<40x125xi32, #tpu.memory_space<vmem>> -> memref<1x125xi32, #tpu.memory_space<vmem>>
        %dma_wait3A_75 = tpu.memref_squeeze %dma_wait3A_74 : memref<1x125xi32, #tpu.memory_space<vmem>> -> memref<125xi32, #tpu.memory_space<vmem>>
        %dma_wait3A_76 = arith.constant 0 : i32
        %dma_wait3A_77 = tpu.memref_slice %arg2[%mul3A_0, %dma_wait3A_76] : memref<20000x128xf32, #tpu.memory_space<hbm>> -> memref<10000x128xf32, #tpu.memory_space<hbm>>
        %dma_wait3A_78 = arith.constant 0 : i32
        %dma_wait3A_79 = arith.constant 0 : i32
        %dma_wait3A_80 = tpu.memref_slice %dma_wait3A_77[%dma_wait3A_78, %dma_wait3A_79] : memref<10000x128xf32, #tpu.memory_space<hbm>> -> memref<10000x128xf32, #tpu.memory_space<hbm>>
        tpu.wait_indirect_dma semaphore(%arg12 : memref<!tpu.dma_semaphore, #tpu.memory_space<semaphore_mem>>) src(%dma_wait3A_80 : memref<10000x128xf32, #tpu.memory_space<hbm>>) dst(%arg9 : memref<125x128xf32, #tpu.memory_space<vmem>>)
        %add3A_81 = arith.constant 1 : i32
        %add3A_82 = arith.addi %add3A_56, %add3A_81 : i32
        "tpu.region"() ({
          %run_scoped3A = tpu.sem_alloc : memref<!tpu.dma_semaphore, #tpu.memory_space<semaphore_mem>>
          %dma_start3A_90 = arith.constant 0 : i32
          %dma_start3A_91 = tpu.memref_slice %arg7[%add3A_82, %dma_start3A_90] : memref<40x125xi32, #tpu.memory_space<vmem>> -> memref<1x125xi32, #tpu.memory_space<vmem>>
          %dma_start3A_92 = tpu.memref_squeeze %dma_start3A_91 : memref<1x125xi32, #tpu.memory_space<vmem>> -> memref<125xi32, #tpu.memory_space<vmem>>
          %dma_start3A_93 = arith.constant 0 : i32
          %dma_start3A_94 = arith.constant 0 : i32
          %dma_start3A_95 = tpu.memref_slice %arg10[%dma_start3A_93, %dma_start3A_94] : memref<10000x128xf32, #tpu.memory_space<vmem_shared>> -> memref<10000x128xf32, #tpu.memory_space<vmem_shared>>
          tpu.enqueue_indirect_dma source(%arg9 : memref<125x128xf32, #tpu.memory_space<vmem>>) target(%dma_start3A_95 : memref<10000x128xf32, #tpu.memory_space<vmem_shared>>) offsets(%dma_start3A_92 : memref<125xi32, #tpu.memory_space<vmem>>) semaphore(%run_scoped3A : memref<!tpu.dma_semaphore, #tpu.memory_space<semaphore_mem>>) {add = true}
          %dma_wait3A_96 = arith.constant 0 : i32
          %dma_wait3A_97 = tpu.memref_slice %arg7[%add3A_82, %dma_wait3A_96] : memref<40x125xi32, #tpu.memory_space<vmem>> -> memref<1x125xi32, #tpu.memory_space<vmem>>
          %dma_wait3A_98 = tpu.memref_squeeze %dma_wait3A_97 : memref<1x125xi32, #tpu.memory_space<vmem>> -> memref<125xi32, #tpu.memory_space<vmem>>
          %dma_wait3A_99 = arith.constant 0 : i32
          %dma_wait3A_100 = arith.constant 0 : i32
          %dma_wait3A_101 = tpu.memref_slice %arg10[%dma_wait3A_99, %dma_wait3A_100] : memref<10000x128xf32, #tpu.memory_space<vmem_shared>> -> memref<10000x128xf32, #tpu.memory_space<vmem_shared>>
          tpu.wait_indirect_dma semaphore(%run_scoped3A : memref<!tpu.dma_semaphore, #tpu.memory_space<semaphore_mem>>) src(%arg9 : memref<125x128xf32, #tpu.memory_space<vmem>>) dst(%dma_wait3A_101 : memref<10000x128xf32, #tpu.memory_space<vmem_shared>>)
          tpu.yield
        }) : () -> ()
        %add3A_83 = arith.constant 3 : i32
        %add3A_84 = arith.addi %add3A_56, %add3A_83 : i32
        %lt3A_85 = arith.constant 40 : i32
        %lt3A_86 = arith.cmpi slt, %add3A_84, %lt3A_85 : i32
        %convert_element_type3A_87 = arith.extui %lt3A_86 : i1 to i32
        %cond3A_88 = arith.constant 0 : i32
        %cond3A_89 = arith.cmpi ne, %convert_element_type3A_87, %cond3A_88 : i32
        scf.if %cond3A_89 {
          %add3A_90 = arith.constant 3 : i32
          %add3A_91 = arith.addi %add3A_56, %add3A_90 : i32
          %dma_start3A_92 = arith.constant 0 : i32
          %dma_start3A_93 = tpu.memref_slice %arg6[%add3A_91, %dma_start3A_92] : memref<40x125xi32, #tpu.memory_space<vmem>> -> memref<1x125xi32, #tpu.memory_space<vmem>>
          %dma_start3A_94 = tpu.memref_squeeze %dma_start3A_93 : memref<1x125xi32, #tpu.memory_space<vmem>> -> memref<125xi32, #tpu.memory_space<vmem>>
          %dma_start3A_95 = arith.constant 0 : i32
          %dma_start3A_96 = tpu.memref_slice %arg2[%mul3A_0, %dma_start3A_95] : memref<20000x128xf32, #tpu.memory_space<hbm>> -> memref<10000x128xf32, #tpu.memory_space<hbm>>
          %dma_start3A_97 = arith.constant 0 : i32
          %dma_start3A_98 = arith.constant 0 : i32
          %dma_start3A_99 = tpu.memref_slice %dma_start3A_96[%dma_start3A_97, %dma_start3A_98] : memref<10000x128xf32, #tpu.memory_space<hbm>> -> memref<10000x128xf32, #tpu.memory_space<hbm>>
          tpu.enqueue_indirect_dma source(%dma_start3A_99 : memref<10000x128xf32, #tpu.memory_space<hbm>>) target(%arg9 : memref<125x128xf32, #tpu.memory_space<vmem>>) offsets(%dma_start3A_94 : memref<125xi32, #tpu.memory_space<vmem>>) semaphore(%arg12 : memref<!tpu.dma_semaphore, #tpu.memory_space<semaphore_mem>>)
        } else {
        }
      }
      %scan3A_51 = arith.constant 20 : i32
    }
    %scan3A_36 = arith.constant 2 : i32
    %barrier3A_37 = arith.constant 0 : index
    tpu.barrier barrier_id(%barrier3A_37)
    %mul3A_38 = arith.constant 10000 : i32
    %mul3A_39 = arith.muli %arg0, %mul3A_38 : i32
    %add3A = arith.addi %mul3A_39, %mul3A_2 : i32
    "tpu.region"() ({
      %run_scoped3A = tpu.sem_alloc : memref<!tpu.dma_semaphore, #tpu.memory_space<semaphore_mem>>
      %dma_start3A_40 = arith.constant 0 : i32
      %dma_start3A_41 = tpu.memref_slice %arg5[%add3A, %dma_start3A_40] : memref<20000x128xf32, #tpu.memory_space<hbm>> -> memref<625x128xf32, #tpu.memory_space<hbm>>
      %dma_start3A_42 = arith.constant 0 : i32
      %dma_start3A_43 = tpu.memref_slice %arg10[%mul3A_2, %dma_start3A_42] : memref<10000x128xf32, #tpu.memory_space<vmem_shared>> -> memref<625x128xf32, #tpu.memory_space<vmem_shared>>
      tpu.enqueue_dma source(%dma_start3A_43 : memref<625x128xf32, #tpu.memory_space<vmem_shared>>) target(%dma_start3A_41 : memref<625x128xf32, #tpu.memory_space<hbm>>) target_semaphore(%run_scoped3A : memref<!tpu.dma_semaphore, #tpu.memory_space<semaphore_mem>>)
      %dma_wait3A_44 = arith.constant 0 : i32
      %dma_wait3A_45 = tpu.memref_slice %arg5[%add3A, %dma_wait3A_44] : memref<20000x128xf32, #tpu.memory_space<hbm>> -> memref<625x128xf32, #tpu.memory_space<hbm>>
      %dma_wait3A_46 = arith.constant 0 : i32
      %dma_wait3A_47 = tpu.memref_slice %arg10[%mul3A_2, %dma_wait3A_46] : memref<10000x128xf32, #tpu.memory_space<vmem_shared>> -> memref<625x128xf32, #tpu.memory_space<vmem_shared>>
      tpu.wait_dma2 semaphore(%run_scoped3A : memref<!tpu.dma_semaphore, #tpu.memory_space<semaphore_mem>>) src(%dma_wait3A_47 : memref<625x128xf32, #tpu.memory_space<vmem_shared>>) dst(%dma_wait3A_45 : memref<625x128xf32, #tpu.memory_space<hbm>>)
      tpu.yield
    }) : () -> ()
    return
  }
}

#map = affine_map<(d0, d1) -> (0, 0)>
module attributes {stable_mosaic.version = 14 : i64} {
  func.func @seg_sum(%arg0: i32, %arg1: i32, %arg2: memref<20000x128xf32, #tpu.memory_space<hbm>>, %arg3: memref<1280x125xi32, #tpu.memory_space<hbm>>, %arg4: memref<1280x125xi32, #tpu.memory_space<hbm>>, %arg5: memref<20000x128xf32, #tpu.memory_space<hbm>>, %arg6: memref<40x125xi32, #tpu.memory_space<vmem>>, %arg7: memref<40x125xi32, #tpu.memory_space<vmem>>, %arg8: memref<125x128xf32, #tpu.memory_space<vmem>>, %arg9: memref<125x128xf32, #tpu.memory_space<vmem>>, %arg10: memref<10000x128xf32, #tpu.memory_space<vmem_shared>>, %arg11: memref<!tpu.dma_semaphore, #tpu.memory_space<semaphore_mem>>, %arg12: memref<!tpu.dma_semaphore, #tpu.memory_space<semaphore_mem>>, %arg13: memref<!tpu.dma_semaphore, #tpu.memory_space<semaphore_mem>>) attributes {dimension_semantics = [#tpu.dimension_semantics<core_parallel>, #tpu.dimension_semantics<subcore_parallel>], iteration_bounds = array<i64: 2, 16>, scalar_prefetch = 0 : i64, scratch_operands = 8 : i64, tpu.core_type = #tpu.core_type<sc_vector_subcore>, window_params = [{transform_indices = #map}, {transform_indices = #map}, {transform_indices = #map}, {transform_indices = #map}]} {
    %mul3A = arith.constant 10000 : i32
    %mul3A_0 = arith.muli %arg0, %mul3A : i32
    %mul3A_1 = arith.constant 625 : i32
    %mul3A_2 = arith.muli %arg1, %mul3A_1 : i32
    %mul3A_3 = arith.constant 80 : i32
    %mul3A_4 = arith.muli %arg1, %mul3A_3 : i32
    %dma_start3A = arith.constant 0 : i32
    %dma_start3A_5 = tpu.memref_slice %arg10[%mul3A_2, %dma_start3A] : memref<10000x128xf32, #tpu.memory_space<vmem_shared>> -> memref<625x128xf32, #tpu.memory_space<vmem_shared>>
    %dma_start3A_6 = arith.constant 0 : i32
    %dma_start3A_7 = tpu.memref_slice %arg2[%mul3A_0, %dma_start3A_6] : memref<20000x128xf32, #tpu.memory_space<hbm>> -> memref<10000x128xf32, #tpu.memory_space<hbm>>
    %dma_start3A_8 = arith.constant 0 : i32
    %dma_start3A_9 = tpu.memref_slice %dma_start3A_7[%mul3A_2, %dma_start3A_8] : memref<10000x128xf32, #tpu.memory_space<hbm>> -> memref<625x128xf32, #tpu.memory_space<hbm>>
    tpu.enqueue_dma source(%dma_start3A_9 : memref<625x128xf32, #tpu.memory_space<hbm>>) target(%dma_start3A_5 : memref<625x128xf32, #tpu.memory_space<vmem_shared>>) target_semaphore(%arg13 : memref<!tpu.dma_semaphore, #tpu.memory_space<semaphore_mem>>)
    "tpu.region"() ({
      %run_scoped3A = tpu.sem_alloc : memref<!tpu.dma_semaphore, #tpu.memory_space<semaphore_mem>>
      %dma_start3A_40 = arith.constant 0 : i32
      %dma_start3A_41 = tpu.memref_slice %arg3[%mul3A_4, %dma_start3A_40] : memref<1280x125xi32, #tpu.memory_space<hbm>> -> memref<40x125xi32, #tpu.memory_space<hbm>>
      %dma_start3A_42 = arith.constant 0 : i32
      %dma_start3A_43 = tpu.memref_slice %arg3[%mul3A_4, %dma_start3A_42] : memref<1280x125xi32, #tpu.memory_space<hbm>> -> memref<40x125xi32, #tpu.memory_space<hbm>>
      tpu.enqueue_dma source(%dma_start3A_43 : memref<40x125xi32, #tpu.memory_space<hbm>>) target(%arg6 : memref<40x125xi32, #tpu.memory_space<vmem>>) target_semaphore(%run_scoped3A : memref<!tpu.dma_semaphore, #tpu.memory_space<semaphore_mem>>)
      %dma_wait3A_44 = arith.constant 0 : i32
      %dma_wait3A_45 = tpu.memref_slice %arg3[%mul3A_4, %dma_wait3A_44] : memref<1280x125xi32, #tpu.memory_space<hbm>> -> memref<40x125xi32, #tpu.memory_space<hbm>>
      %dma_wait3A_46 = arith.constant 0 : i32
      %dma_wait3A_47 = tpu.memref_slice %arg3[%mul3A_4, %dma_wait3A_46] : memref<1280x125xi32, #tpu.memory_space<hbm>> -> memref<40x125xi32, #tpu.memory_space<hbm>>
      tpu.wait_dma2 semaphore(%run_scoped3A : memref<!tpu.dma_semaphore, #tpu.memory_space<semaphore_mem>>) src(%dma_wait3A_47 : memref<40x125xi32, #tpu.memory_space<hbm>>) dst(%arg6 : memref<40x125xi32, #tpu.memory_space<vmem>>)
      tpu.yield
    }) : () -> ()
    "tpu.region"() ({
      %run_scoped3A = tpu.sem_alloc : memref<!tpu.dma_semaphore, #tpu.memory_space<semaphore_mem>>
      %dma_start3A_40 = arith.constant 0 : i32
      %dma_start3A_41 = tpu.memref_slice %arg4[%mul3A_4, %dma_start3A_40] : memref<1280x125xi32, #tpu.memory_space<hbm>> -> memref<40x125xi32, #tpu.memory_space<hbm>>
      %dma_start3A_42 = arith.constant 0 : i32
      %dma_start3A_43 = tpu.memref_slice %arg4[%mul3A_4, %dma_start3A_42] : memref<1280x125xi32, #tpu.memory_space<hbm>> -> memref<40x125xi32, #tpu.memory_space<hbm>>
      tpu.enqueue_dma source(%dma_start3A_43 : memref<40x125xi32, #tpu.memory_space<hbm>>) target(%arg7 : memref<40x125xi32, #tpu.memory_space<vmem>>) target_semaphore(%run_scoped3A : memref<!tpu.dma_semaphore, #tpu.memory_space<semaphore_mem>>)
      %dma_wait3A_44 = arith.constant 0 : i32
      %dma_wait3A_45 = tpu.memref_slice %arg4[%mul3A_4, %dma_wait3A_44] : memref<1280x125xi32, #tpu.memory_space<hbm>> -> memref<40x125xi32, #tpu.memory_space<hbm>>
      %dma_wait3A_46 = arith.constant 0 : i32
      %dma_wait3A_47 = tpu.memref_slice %arg4[%mul3A_4, %dma_wait3A_46] : memref<1280x125xi32, #tpu.memory_space<hbm>> -> memref<40x125xi32, #tpu.memory_space<hbm>>
      tpu.wait_dma2 semaphore(%run_scoped3A : memref<!tpu.dma_semaphore, #tpu.memory_space<semaphore_mem>>) src(%dma_wait3A_47 : memref<40x125xi32, #tpu.memory_space<hbm>>) dst(%arg7 : memref<40x125xi32, #tpu.memory_space<vmem>>)
      tpu.yield
    }) : () -> ()
    %dma_start3A_10 = arith.constant 0 : i32
    %dma_start3A_11 = arith.constant 0 : i32
    %dma_start3A_12 = tpu.memref_slice %arg6[%dma_start3A_10, %dma_start3A_11] : memref<40x125xi32, #tpu.memory_space<vmem>> -> memref<1x125xi32, #tpu.memory_space<vmem>>
    %dma_start3A_13 = tpu.memref_squeeze %dma_start3A_12 : memref<1x125xi32, #tpu.memory_space<vmem>> -> memref<125xi32, #tpu.memory_space<vmem>>
    %dma_start3A_14 = arith.constant 0 : i32
    %dma_start3A_15 = tpu.memref_slice %arg2[%mul3A_0, %dma_start3A_14] : memref<20000x128xf32, #tpu.memory_space<hbm>> -> memref<10000x128xf32, #tpu.memory_space<hbm>>
    %dma_start3A_16 = arith.constant 0 : i32
    %dma_start3A_17 = arith.constant 0 : i32
    %dma_start3A_18 = tpu.memref_slice %dma_start3A_15[%dma_start3A_16, %dma_start3A_17] : memref<10000x128xf32, #tpu.memory_space<hbm>> -> memref<10000x128xf32, #tpu.memory_space<hbm>>
    tpu.enqueue_indirect_dma source(%dma_start3A_18 : memref<10000x128xf32, #tpu.memory_space<hbm>>) target(%arg8 : memref<125x128xf32, #tpu.memory_space<vmem>>) offsets(%dma_start3A_13 : memref<125xi32, #tpu.memory_space<vmem>>) semaphore(%arg11 : memref<!tpu.dma_semaphore, #tpu.memory_space<semaphore_mem>>)
    %dma_start3A_19 = arith.constant 1 : i32
    %dma_start3A_20 = arith.constant 0 : i32
    %dma_start3A_21 = tpu.memref_slice %arg6[%dma_start3A_19, %dma_start3A_20] : memref<40x125xi32, #tpu.memory_space<vmem>> -> memref<1x125xi32, #tpu.memory_space<vmem>>
    %dma_start3A_22 = tpu.memref_squeeze %dma_start3A_21 : memref<1x125xi32, #tpu.memory_space<vmem>> -> memref<125xi32, #tpu.memory_space<vmem>>
    %dma_start3A_23 = arith.constant 0 : i32
    %dma_start3A_24 = tpu.memref_slice %arg2[%mul3A_0, %dma_start3A_23] : memref<20000x128xf32, #tpu.memory_space<hbm>> -> memref<10000x128xf32, #tpu.memory_space<hbm>>
    %dma_start3A_25 = arith.constant 0 : i32
    %dma_start3A_26 = arith.constant 0 : i32
    %dma_start3A_27 = tpu.memref_slice %dma_start3A_24[%dma_start3A_25, %dma_start3A_26] : memref<10000x128xf32, #tpu.memory_space<hbm>> -> memref<10000x128xf32, #tpu.memory_space<hbm>>
    tpu.enqueue_indirect_dma source(%dma_start3A_27 : memref<10000x128xf32, #tpu.memory_space<hbm>>) target(%arg9 : memref<125x128xf32, #tpu.memory_space<vmem>>) offsets(%dma_start3A_22 : memref<125xi32, #tpu.memory_space<vmem>>) semaphore(%arg12 : memref<!tpu.dma_semaphore, #tpu.memory_space<semaphore_mem>>)
    %dma_wait3A = arith.constant 0 : i32
    %dma_wait3A_28 = tpu.memref_slice %arg10[%mul3A_2, %dma_wait3A] : memref<10000x128xf32, #tpu.memory_space<vmem_shared>> -> memref<625x128xf32, #tpu.memory_space<vmem_shared>>
    %dma_wait3A_29 = arith.constant 0 : i32
    %dma_wait3A_30 = tpu.memref_slice %arg2[%mul3A_0, %dma_wait3A_29] : memref<20000x128xf32, #tpu.memory_space<hbm>> -> memref<10000x128xf32, #tpu.memory_space<hbm>>
    %dma_wait3A_31 = arith.constant 0 : i32
    %dma_wait3A_32 = tpu.memref_slice %dma_wait3A_30[%mul3A_2, %dma_wait3A_31] : memref<10000x128xf32, #tpu.memory_space<hbm>> -> memref<625x128xf32, #tpu.memory_space<hbm>>
    tpu.wait_dma2 semaphore(%arg13 : memref<!tpu.dma_semaphore, #tpu.memory_space<semaphore_mem>>) src(%dma_wait3A_32 : memref<625x128xf32, #tpu.memory_space<hbm>>) dst(%dma_wait3A_28 : memref<625x128xf32, #tpu.memory_space<vmem_shared>>)
    %barrier3A = arith.constant 0 : index
    tpu.barrier barrier_id(%barrier3A)
    %scan3A = arith.constant 0 : i32
    %scan3A_33 = arith.constant 2 : i32
    %scan3A_34 = arith.addi %scan3A, %scan3A_33 : i32
    %scan3A_35 = arith.constant 1 : i32
    scf.for %scan3A_40 = %scan3A to %scan3A_34 step %scan3A_35  : i32 {
      %mul3A_41 = arith.constant 40 : i32
      %mul3A_42 = arith.muli %scan3A_40, %mul3A_41 : i32
      %add3A_43 = arith.constant 0 : i32
      %add3A_44 = arith.addi %add3A_43, %mul3A_42 : i32
      %gt3A = arith.constant 0 : i32
      %gt3A_45 = arith.cmpi sgt, %add3A_44, %gt3A : i32
      %convert_element_type3A = arith.extui %gt3A_45 : i1 to i32
      %cond3A = arith.constant 0 : i32
      %cond3A_46 = arith.cmpi ne, %convert_element_type3A, %cond3A : i32
      scf.if %cond3A_46 {
        %add3A_52 = arith.addi %mul3A_4, %add3A_44 : i32
        "tpu.region"() ({
          %run_scoped3A = tpu.sem_alloc : memref<!tpu.dma_semaphore, #tpu.memory_space<semaphore_mem>>
          %dma_start3A_72 = arith.constant 0 : i32
          %dma_start3A_73 = tpu.memref_slice %arg3[%add3A_52, %dma_start3A_72] : memref<1280x125xi32, #tpu.memory_space<hbm>> -> memref<40x125xi32, #tpu.memory_space<hbm>>
          %dma_start3A_74 = arith.constant 0 : i32
          %dma_start3A_75 = tpu.memref_slice %arg3[%add3A_52, %dma_start3A_74] : memref<1280x125xi32, #tpu.memory_space<hbm>> -> memref<40x125xi32, #tpu.memory_space<hbm>>
          tpu.enqueue_dma source(%dma_start3A_75 : memref<40x125xi32, #tpu.memory_space<hbm>>) target(%arg6 : memref<40x125xi32, #tpu.memory_space<vmem>>) target_semaphore(%run_scoped3A : memref<!tpu.dma_semaphore, #tpu.memory_space<semaphore_mem>>)
          %dma_wait3A_76 = arith.constant 0 : i32
          %dma_wait3A_77 = tpu.memref_slice %arg3[%add3A_52, %dma_wait3A_76] : memref<1280x125xi32, #tpu.memory_space<hbm>> -> memref<40x125xi32, #tpu.memory_space<hbm>>
          %dma_wait3A_78 = arith.constant 0 : i32
          %dma_wait3A_79 = tpu.memref_slice %arg3[%add3A_52, %dma_wait3A_78] : memref<1280x125xi32, #tpu.memory_space<hbm>> -> memref<40x125xi32, #tpu.memory_space<hbm>>
          tpu.wait_dma2 semaphore(%run_scoped3A : memref<!tpu.dma_semaphore, #tpu.memory_space<semaphore_mem>>) src(%dma_wait3A_79 : memref<40x125xi32, #tpu.memory_space<hbm>>) dst(%arg6 : memref<40x125xi32, #tpu.memory_space<vmem>>)
          tpu.yield
        }) : () -> ()
        %add3A_53 = arith.addi %mul3A_4, %add3A_44 : i32
        "tpu.region"() ({
          %run_scoped3A = tpu.sem_alloc : memref<!tpu.dma_semaphore, #tpu.memory_space<semaphore_mem>>
          %dma_start3A_72 = arith.constant 0 : i32
          %dma_start3A_73 = tpu.memref_slice %arg4[%add3A_53, %dma_start3A_72] : memref<1280x125xi32, #tpu.memory_space<hbm>> -> memref<40x125xi32, #tpu.memory_space<hbm>>
          %dma_start3A_74 = arith.constant 0 : i32
          %dma_start3A_75 = tpu.memref_slice %arg4[%add3A_53, %dma_start3A_74] : memref<1280x125xi32, #tpu.memory_space<hbm>> -> memref<40x125xi32, #tpu.memory_space<hbm>>
          tpu.enqueue_dma source(%dma_start3A_75 : memref<40x125xi32, #tpu.memory_space<hbm>>) target(%arg7 : memref<40x125xi32, #tpu.memory_space<vmem>>) target_semaphore(%run_scoped3A : memref<!tpu.dma_semaphore, #tpu.memory_space<semaphore_mem>>)
          %dma_wait3A_76 = arith.constant 0 : i32
          %dma_wait3A_77 = tpu.memref_slice %arg4[%add3A_53, %dma_wait3A_76] : memref<1280x125xi32, #tpu.memory_space<hbm>> -> memref<40x125xi32, #tpu.memory_space<hbm>>
          %dma_wait3A_78 = arith.constant 0 : i32
          %dma_wait3A_79 = tpu.memref_slice %arg4[%add3A_53, %dma_wait3A_78] : memref<1280x125xi32, #tpu.memory_space<hbm>> -> memref<40x125xi32, #tpu.memory_space<hbm>>
          tpu.wait_dma2 semaphore(%run_scoped3A : memref<!tpu.dma_semaphore, #tpu.memory_space<semaphore_mem>>) src(%dma_wait3A_79 : memref<40x125xi32, #tpu.memory_space<hbm>>) dst(%arg7 : memref<40x125xi32, #tpu.memory_space<vmem>>)
          tpu.yield
        }) : () -> ()
        %dma_start3A_54 = arith.constant 0 : i32
        %dma_start3A_55 = arith.constant 0 : i32
        %dma_start3A_56 = tpu.memref_slice %arg6[%dma_start3A_54, %dma_start3A_55] : memref<40x125xi32, #tpu.memory_space<vmem>> -> memref<1x125xi32, #tpu.memory_space<vmem>>
        %dma_start3A_57 = tpu.memref_squeeze %dma_start3A_56 : memref<1x125xi32, #tpu.memory_space<vmem>> -> memref<125xi32, #tpu.memory_space<vmem>>
        %dma_start3A_58 = arith.constant 0 : i32
        %dma_start3A_59 = tpu.memref_slice %arg2[%mul3A_0, %dma_start3A_58] : memref<20000x128xf32, #tpu.memory_space<hbm>> -> memref<10000x128xf32, #tpu.memory_space<hbm>>
        %dma_start3A_60 = arith.constant 0 : i32
        %dma_start3A_61 = arith.constant 0 : i32
        %dma_start3A_62 = tpu.memref_slice %dma_start3A_59[%dma_start3A_60, %dma_start3A_61] : memref<10000x128xf32, #tpu.memory_space<hbm>> -> memref<10000x128xf32, #tpu.memory_space<hbm>>
        tpu.enqueue_indirect_dma source(%dma_start3A_62 : memref<10000x128xf32, #tpu.memory_space<hbm>>) target(%arg8 : memref<125x128xf32, #tpu.memory_space<vmem>>) offsets(%dma_start3A_57 : memref<125xi32, #tpu.memory_space<vmem>>) semaphore(%arg11 : memref<!tpu.dma_semaphore, #tpu.memory_space<semaphore_mem>>)
        %dma_start3A_63 = arith.constant 1 : i32
        %dma_start3A_64 = arith.constant 0 : i32
        %dma_start3A_65 = tpu.memref_slice %arg6[%dma_start3A_63, %dma_start3A_64] : memref<40x125xi32, #tpu.memory_space<vmem>> -> memref<1x125xi32, #tpu.memory_space<vmem>>
        %dma_start3A_66 = tpu.memref_squeeze %dma_start3A_65 : memref<1x125xi32, #tpu.memory_space<vmem>> -> memref<125xi32, #tpu.memory_space<vmem>>
        %dma_start3A_67 = arith.constant 0 : i32
        %dma_start3A_68 = tpu.memref_slice %arg2[%mul3A_0, %dma_start3A_67] : memref<20000x128xf32, #tpu.memory_space<hbm>> -> memref<10000x128xf32, #tpu.memory_space<hbm>>
        %dma_start3A_69 = arith.constant 0 : i32
        %dma_start3A_70 = arith.constant 0 : i32
        %dma_start3A_71 = tpu.memref_slice %dma_start3A_68[%dma_start3A_69, %dma_start3A_70] : memref<10000x128xf32, #tpu.memory_space<hbm>> -> memref<10000x128xf32, #tpu.memory_space<hbm>>
        tpu.enqueue_indirect_dma source(%dma_start3A_71 : memref<10000x128xf32, #tpu.memory_space<hbm>>) target(%arg9 : memref<125x128xf32, #tpu.memory_space<vmem>>) offsets(%dma_start3A_66 : memref<125xi32, #tpu.memory_space<vmem>>) semaphore(%arg12 : memref<!tpu.dma_semaphore, #tpu.memory_space<semaphore_mem>>)
      } else {
      }
      %scan3A_47 = arith.constant 0 : i32
      %scan3A_48 = arith.constant 20 : i32
      %scan3A_49 = arith.addi %scan3A_47, %scan3A_48 : i32
      %scan3A_50 = arith.constant 1 : i32
      scf.for %scan3A_52 = %scan3A_47 to %scan3A_49 step %scan3A_50  : i32 {
        %mul3A_53 = arith.constant 2 : i32
        %mul3A_54 = arith.muli %scan3A_52, %mul3A_53 : i32
        %add3A_55 = arith.constant 0 : i32
        %add3A_56 = arith.addi %add3A_55, %mul3A_54 : i32
        %dma_wait3A_57 = arith.constant 0 : i32
        %dma_wait3A_58 = tpu.memref_slice %arg6[%add3A_56, %dma_wait3A_57] : memref<40x125xi32, #tpu.memory_space<vmem>> -> memref<1x125xi32, #tpu.memory_space<vmem>>
        %dma_wait3A_59 = tpu.memref_squeeze %dma_wait3A_58 : memref<1x125xi32, #tpu.memory_space<vmem>> -> memref<125xi32, #tpu.memory_space<vmem>>
        %dma_wait3A_60 = arith.constant 0 : i32
        %dma_wait3A_61 = tpu.memref_slice %arg2[%mul3A_0, %dma_wait3A_60] : memref<20000x128xf32, #tpu.memory_space<hbm>> -> memref<10000x128xf32, #tpu.memory_space<hbm>>
        %dma_wait3A_62 = arith.constant 0 : i32
        %dma_wait3A_63 = arith.constant 0 : i32
        %dma_wait3A_64 = tpu.memref_slice %dma_wait3A_61[%dma_wait3A_62, %dma_wait3A_63] : memref<10000x128xf32, #tpu.memory_space<hbm>> -> memref<10000x128xf32, #tpu.memory_space<hbm>>
        tpu.wait_indirect_dma semaphore(%arg11 : memref<!tpu.dma_semaphore, #tpu.memory_space<semaphore_mem>>) src(%dma_wait3A_64 : memref<10000x128xf32, #tpu.memory_space<hbm>>) dst(%arg8 : memref<125x128xf32, #tpu.memory_space<vmem>>)
        "tpu.region"() ({
          %run_scoped3A = tpu.sem_alloc : memref<!tpu.dma_semaphore, #tpu.memory_space<semaphore_mem>>
          %dma_start3A_90 = arith.constant 0 : i32
          %dma_start3A_91 = tpu.memref_slice %arg7[%add3A_56, %dma_start3A_90] : memref<40x125xi32, #tpu.memory_space<vmem>> -> memref<1x125xi32, #tpu.memory_space<vmem>>
          %dma_start3A_92 = tpu.memref_squeeze %dma_start3A_91 : memref<1x125xi32, #tpu.memory_space<vmem>> -> memref<125xi32, #tpu.memory_space<vmem>>
          %dma_start3A_93 = arith.constant 0 : i32
          %dma_start3A_94 = arith.constant 0 : i32
          %dma_start3A_95 = tpu.memref_slice %arg10[%dma_start3A_93, %dma_start3A_94] : memref<10000x128xf32, #tpu.memory_space<vmem_shared>> -> memref<10000x128xf32, #tpu.memory_space<vmem_shared>>
          tpu.enqueue_indirect_dma source(%arg8 : memref<125x128xf32, #tpu.memory_space<vmem>>) target(%dma_start3A_95 : memref<10000x128xf32, #tpu.memory_space<vmem_shared>>) offsets(%dma_start3A_92 : memref<125xi32, #tpu.memory_space<vmem>>) semaphore(%run_scoped3A : memref<!tpu.dma_semaphore, #tpu.memory_space<semaphore_mem>>) {add = true}
          %dma_wait3A_96 = arith.constant 0 : i32
          %dma_wait3A_97 = tpu.memref_slice %arg7[%add3A_56, %dma_wait3A_96] : memref<40x125xi32, #tpu.memory_space<vmem>> -> memref<1x125xi32, #tpu.memory_space<vmem>>
          %dma_wait3A_98 = tpu.memref_squeeze %dma_wait3A_97 : memref<1x125xi32, #tpu.memory_space<vmem>> -> memref<125xi32, #tpu.memory_space<vmem>>
          %dma_wait3A_99 = arith.constant 0 : i32
          %dma_wait3A_100 = arith.constant 0 : i32
          %dma_wait3A_101 = tpu.memref_slice %arg10[%dma_wait3A_99, %dma_wait3A_100] : memref<10000x128xf32, #tpu.memory_space<vmem_shared>> -> memref<10000x128xf32, #tpu.memory_space<vmem_shared>>
          tpu.wait_indirect_dma semaphore(%run_scoped3A : memref<!tpu.dma_semaphore, #tpu.memory_space<semaphore_mem>>) src(%arg8 : memref<125x128xf32, #tpu.memory_space<vmem>>) dst(%dma_wait3A_101 : memref<10000x128xf32, #tpu.memory_space<vmem_shared>>)
          tpu.yield
        }) : () -> ()
        %add3A_65 = arith.constant 2 : i32
        %add3A_66 = arith.addi %add3A_56, %add3A_65 : i32
        %lt3A = arith.constant 40 : i32
        %lt3A_67 = arith.cmpi slt, %add3A_66, %lt3A : i32
        %convert_element_type3A_68 = arith.extui %lt3A_67 : i1 to i32
        %cond3A_69 = arith.constant 0 : i32
        %cond3A_70 = arith.cmpi ne, %convert_element_type3A_68, %cond3A_69 : i32
        scf.if %cond3A_70 {
          %add3A_90 = arith.constant 2 : i32
          %add3A_91 = arith.addi %add3A_56, %add3A_90 : i32
          %dma_start3A_92 = arith.constant 0 : i32
          %dma_start3A_93 = tpu.memref_slice %arg6[%add3A_91, %dma_start3A_92] : memref<40x125xi32, #tpu.memory_space<vmem>> -> memref<1x125xi32, #tpu.memory_space<vmem>>
          %dma_start3A_94 = tpu.memref_squeeze %dma_start3A_93 : memref<1x125xi32, #tpu.memory_space<vmem>> -> memref<125xi32, #tpu.memory_space<vmem>>
          %dma_start3A_95 = arith.constant 0 : i32
          %dma_start3A_96 = tpu.memref_slice %arg2[%mul3A_0, %dma_start3A_95] : memref<20000x128xf32, #tpu.memory_space<hbm>> -> memref<10000x128xf32, #tpu.memory_space<hbm>>
          %dma_start3A_97 = arith.constant 0 : i32
          %dma_start3A_98 = arith.constant 0 : i32
          %dma_start3A_99 = tpu.memref_slice %dma_start3A_96[%dma_start3A_97, %dma_start3A_98] : memref<10000x128xf32, #tpu.memory_space<hbm>> -> memref<10000x128xf32, #tpu.memory_space<hbm>>
          tpu.enqueue_indirect_dma source(%dma_start3A_99 : memref<10000x128xf32, #tpu.memory_space<hbm>>) target(%arg8 : memref<125x128xf32, #tpu.memory_space<vmem>>) offsets(%dma_start3A_94 : memref<125xi32, #tpu.memory_space<vmem>>) semaphore(%arg11 : memref<!tpu.dma_semaphore, #tpu.memory_space<semaphore_mem>>)
        } else {
        }
        %add3A_71 = arith.constant 1 : i32
        %add3A_72 = arith.addi %add3A_56, %add3A_71 : i32
        %dma_wait3A_73 = arith.constant 0 : i32
        %dma_wait3A_74 = tpu.memref_slice %arg6[%add3A_72, %dma_wait3A_73] : memref<40x125xi32, #tpu.memory_space<vmem>> -> memref<1x125xi32, #tpu.memory_space<vmem>>
        %dma_wait3A_75 = tpu.memref_squeeze %dma_wait3A_74 : memref<1x125xi32, #tpu.memory_space<vmem>> -> memref<125xi32, #tpu.memory_space<vmem>>
        %dma_wait3A_76 = arith.constant 0 : i32
        %dma_wait3A_77 = tpu.memref_slice %arg2[%mul3A_0, %dma_wait3A_76] : memref<20000x128xf32, #tpu.memory_space<hbm>> -> memref<10000x128xf32, #tpu.memory_space<hbm>>
        %dma_wait3A_78 = arith.constant 0 : i32
        %dma_wait3A_79 = arith.constant 0 : i32
        %dma_wait3A_80 = tpu.memref_slice %dma_wait3A_77[%dma_wait3A_78, %dma_wait3A_79] : memref<10000x128xf32, #tpu.memory_space<hbm>> -> memref<10000x128xf32, #tpu.memory_space<hbm>>
        tpu.wait_indirect_dma semaphore(%arg12 : memref<!tpu.dma_semaphore, #tpu.memory_space<semaphore_mem>>) src(%dma_wait3A_80 : memref<10000x128xf32, #tpu.memory_space<hbm>>) dst(%arg9 : memref<125x128xf32, #tpu.memory_space<vmem>>)
        %add3A_81 = arith.constant 1 : i32
        %add3A_82 = arith.addi %add3A_56, %add3A_81 : i32
        "tpu.region"() ({
          %run_scoped3A = tpu.sem_alloc : memref<!tpu.dma_semaphore, #tpu.memory_space<semaphore_mem>>
          %dma_start3A_90 = arith.constant 0 : i32
          %dma_start3A_91 = tpu.memref_slice %arg7[%add3A_82, %dma_start3A_90] : memref<40x125xi32, #tpu.memory_space<vmem>> -> memref<1x125xi32, #tpu.memory_space<vmem>>
          %dma_start3A_92 = tpu.memref_squeeze %dma_start3A_91 : memref<1x125xi32, #tpu.memory_space<vmem>> -> memref<125xi32, #tpu.memory_space<vmem>>
          %dma_start3A_93 = arith.constant 0 : i32
          %dma_start3A_94 = arith.constant 0 : i32
          %dma_start3A_95 = tpu.memref_slice %arg10[%dma_start3A_93, %dma_start3A_94] : memref<10000x128xf32, #tpu.memory_space<vmem_shared>> -> memref<10000x128xf32, #tpu.memory_space<vmem_shared>>
          tpu.enqueue_indirect_dma source(%arg9 : memref<125x128xf32, #tpu.memory_space<vmem>>) target(%dma_start3A_95 : memref<10000x128xf32, #tpu.memory_space<vmem_shared>>) offsets(%dma_start3A_92 : memref<125xi32, #tpu.memory_space<vmem>>) semaphore(%run_scoped3A : memref<!tpu.dma_semaphore, #tpu.memory_space<semaphore_mem>>) {add = true}
          %dma_wait3A_96 = arith.constant 0 : i32
          %dma_wait3A_97 = tpu.memref_slice %arg7[%add3A_82, %dma_wait3A_96] : memref<40x125xi32, #tpu.memory_space<vmem>> -> memref<1x125xi32, #tpu.memory_space<vmem>>
          %dma_wait3A_98 = tpu.memref_squeeze %dma_wait3A_97 : memref<1x125xi32, #tpu.memory_space<vmem>> -> memref<125xi32, #tpu.memory_space<vmem>>
          %dma_wait3A_99 = arith.constant 0 : i32
          %dma_wait3A_100 = arith.constant 0 : i32
          %dma_wait3A_101 = tpu.memref_slice %arg10[%dma_wait3A_99, %dma_wait3A_100] : memref<10000x128xf32, #tpu.memory_space<vmem_shared>> -> memref<10000x128xf32, #tpu.memory_space<vmem_shared>>
          tpu.wait_indirect_dma semaphore(%run_scoped3A : memref<!tpu.dma_semaphore, #tpu.memory_space<semaphore_mem>>) src(%arg9 : memref<125x128xf32, #tpu.memory_space<vmem>>) dst(%dma_wait3A_101 : memref<10000x128xf32, #tpu.memory_space<vmem_shared>>)
          tpu.yield
        }) : () -> ()
        %add3A_83 = arith.constant 3 : i32
        %add3A_84 = arith.addi %add3A_56, %add3A_83 : i32
        %lt3A_85 = arith.constant 40 : i32
        %lt3A_86 = arith.cmpi slt, %add3A_84, %lt3A_85 : i32
        %convert_element_type3A_87 = arith.extui %lt3A_86 : i1 to i32
        %cond3A_88 = arith.constant 0 : i32
        %cond3A_89 = arith.cmpi ne, %convert_element_type3A_87, %cond3A_88 : i32
        scf.if %cond3A_89 {
          %add3A_90 = arith.constant 3 : i32
          %add3A_91 = arith.addi %add3A_56, %add3A_90 : i32
          %dma_start3A_92 = arith.constant 0 : i32
          %dma_start3A_93 = tpu.memref_slice %arg6[%add3A_91, %dma_start3A_92] : memref<40x125xi32, #tpu.memory_space<vmem>> -> memref<1x125xi32, #tpu.memory_space<vmem>>
          %dma_start3A_94 = tpu.memref_squeeze %dma_start3A_93 : memref<1x125xi32, #tpu.memory_space<vmem>> -> memref<125xi32, #tpu.memory_space<vmem>>
          %dma_start3A_95 = arith.constant 0 : i32
          %dma_start3A_96 = tpu.memref_slice %arg2[%mul3A_0, %dma_start3A_95] : memref<20000x128xf32, #tpu.memory_space<hbm>> -> memref<10000x128xf32, #tpu.memory_space<hbm>>
          %dma_start3A_97 = arith.constant 0 : i32
          %dma_start3A_98 = arith.constant 0 : i32
          %dma_start3A_99 = tpu.memref_slice %dma_start3A_96[%dma_start3A_97, %dma_start3A_98] : memref<10000x128xf32, #tpu.memory_space<hbm>> -> memref<10000x128xf32, #tpu.memory_space<hbm>>
          tpu.enqueue_indirect_dma source(%dma_start3A_99 : memref<10000x128xf32, #tpu.memory_space<hbm>>) target(%arg9 : memref<125x128xf32, #tpu.memory_space<vmem>>) offsets(%dma_start3A_94 : memref<125xi32, #tpu.memory_space<vmem>>) semaphore(%arg12 : memref<!tpu.dma_semaphore, #tpu.memory_space<semaphore_mem>>)
        } else {
        }
      }
      %scan3A_51 = arith.constant 20 : i32
    }
    %scan3A_36 = arith.constant 2 : i32
    %barrier3A_37 = arith.constant 0 : index
    tpu.barrier barrier_id(%barrier3A_37)
    %mul3A_38 = arith.constant 10000 : i32
    %mul3A_39 = arith.muli %arg0, %mul3A_38 : i32
    %add3A = arith.addi %mul3A_39, %mul3A_2 : i32
    "tpu.region"() ({
      %run_scoped3A = tpu.sem_alloc : memref<!tpu.dma_semaphore, #tpu.memory_space<semaphore_mem>>
      %dma_start3A_40 = arith.constant 0 : i32
      %dma_start3A_41 = tpu.memref_slice %arg5[%add3A, %dma_start3A_40] : memref<20000x128xf32, #tpu.memory_space<hbm>> -> memref<625x128xf32, #tpu.memory_space<hbm>>
      %dma_start3A_42 = arith.constant 0 : i32
      %dma_start3A_43 = tpu.memref_slice %arg10[%mul3A_2, %dma_start3A_42] : memref<10000x128xf32, #tpu.memory_space<vmem_shared>> -> memref<625x128xf32, #tpu.memory_space<vmem_shared>>
      tpu.enqueue_dma source(%dma_start3A_43 : memref<625x128xf32, #tpu.memory_space<vmem_shared>>) target(%dma_start3A_41 : memref<625x128xf32, #tpu.memory_space<hbm>>) target_semaphore(%run_scoped3A : memref<!tpu.dma_semaphore, #tpu.memory_space<semaphore_mem>>)
      %dma_wait3A_44 = arith.constant 0 : i32
      %dma_wait3A_45 = tpu.memref_slice %arg5[%add3A, %dma_wait3A_44] : memref<20000x128xf32, #tpu.memory_space<hbm>> -> memref<625x128xf32, #tpu.memory_space<hbm>>
      %dma_wait3A_46 = arith.constant 0 : i32
      %dma_wait3A_47 = tpu.memref_slice %arg10[%mul3A_2, %dma_wait3A_46] : memref<10000x128xf32, #tpu.memory_space<vmem_shared>> -> memref<625x128xf32, #tpu.memory_space<vmem_shared>>
      tpu.wait_dma2 semaphore(%run_scoped3A : memref<!tpu.dma_semaphore, #tpu.memory_space<semaphore_mem>>) src(%dma_wait3A_47 : memref<625x128xf32, #tpu.memory_space<vmem_shared>>) dst(%dma_wait3A_45 : memref<625x128xf32, #tpu.memory_space<hbm>>)
      tpu.yield
    }) : () -> ()
    return
  }
}

#map = affine_map<(d0, d1) -> (0, 0)>
module attributes {stable_mosaic.version = 14 : i64} {
  func.func @seg_sum(%arg0: i32, %arg1: i32, %arg2: memref<20000x128xf32, #tpu.memory_space<hbm>>, %arg3: memref<1280x125xi32, #tpu.memory_space<hbm>>, %arg4: memref<1280x125xi32, #tpu.memory_space<hbm>>, %arg5: memref<20000x128xf32, #tpu.memory_space<hbm>>, %arg6: memref<40x125xi32, #tpu.memory_space<vmem>>, %arg7: memref<40x125xi32, #tpu.memory_space<vmem>>, %arg8: memref<125x128xf32, #tpu.memory_space<vmem>>, %arg9: memref<125x128xf32, #tpu.memory_space<vmem>>, %arg10: memref<10000x128xf32, #tpu.memory_space<vmem_shared>>, %arg11: memref<!tpu.dma_semaphore, #tpu.memory_space<semaphore_mem>>, %arg12: memref<!tpu.dma_semaphore, #tpu.memory_space<semaphore_mem>>, %arg13: memref<!tpu.dma_semaphore, #tpu.memory_space<semaphore_mem>>) attributes {dimension_semantics = [#tpu.dimension_semantics<core_parallel>, #tpu.dimension_semantics<subcore_parallel>], iteration_bounds = array<i64: 2, 16>, scalar_prefetch = 0 : i64, scratch_operands = 8 : i64, tpu.core_type = #tpu.core_type<sc_vector_subcore>, window_params = [{transform_indices = #map}, {transform_indices = #map}, {transform_indices = #map}, {transform_indices = #map}]} {
    %mul3A = arith.constant 10000 : i32
    %mul3A_0 = arith.muli %arg0, %mul3A : i32
    %mul3A_1 = arith.constant 625 : i32
    %mul3A_2 = arith.muli %arg1, %mul3A_1 : i32
    %mul3A_3 = arith.constant 80 : i32
    %mul3A_4 = arith.muli %arg1, %mul3A_3 : i32
    %dma_start3A = arith.constant 0 : i32
    %dma_start3A_5 = tpu.memref_slice %arg10[%mul3A_2, %dma_start3A] : memref<10000x128xf32, #tpu.memory_space<vmem_shared>> -> memref<625x128xf32, #tpu.memory_space<vmem_shared>>
    %dma_start3A_6 = arith.constant 0 : i32
    %dma_start3A_7 = tpu.memref_slice %arg2[%mul3A_0, %dma_start3A_6] : memref<20000x128xf32, #tpu.memory_space<hbm>> -> memref<10000x128xf32, #tpu.memory_space<hbm>>
    %dma_start3A_8 = arith.constant 0 : i32
    %dma_start3A_9 = tpu.memref_slice %dma_start3A_7[%mul3A_2, %dma_start3A_8] : memref<10000x128xf32, #tpu.memory_space<hbm>> -> memref<625x128xf32, #tpu.memory_space<hbm>>
    tpu.enqueue_dma source(%dma_start3A_9 : memref<625x128xf32, #tpu.memory_space<hbm>>) target(%dma_start3A_5 : memref<625x128xf32, #tpu.memory_space<vmem_shared>>) target_semaphore(%arg13 : memref<!tpu.dma_semaphore, #tpu.memory_space<semaphore_mem>>)
    "tpu.region"() ({
      %run_scoped3A = tpu.sem_alloc : memref<!tpu.dma_semaphore, #tpu.memory_space<semaphore_mem>>
      %dma_start3A_40 = arith.constant 0 : i32
      %dma_start3A_41 = tpu.memref_slice %arg3[%mul3A_4, %dma_start3A_40] : memref<1280x125xi32, #tpu.memory_space<hbm>> -> memref<40x125xi32, #tpu.memory_space<hbm>>
      %dma_start3A_42 = arith.constant 0 : i32
      %dma_start3A_43 = tpu.memref_slice %arg3[%mul3A_4, %dma_start3A_42] : memref<1280x125xi32, #tpu.memory_space<hbm>> -> memref<40x125xi32, #tpu.memory_space<hbm>>
      tpu.enqueue_dma source(%dma_start3A_43 : memref<40x125xi32, #tpu.memory_space<hbm>>) target(%arg6 : memref<40x125xi32, #tpu.memory_space<vmem>>) target_semaphore(%run_scoped3A : memref<!tpu.dma_semaphore, #tpu.memory_space<semaphore_mem>>)
      %dma_wait3A_44 = arith.constant 0 : i32
      %dma_wait3A_45 = tpu.memref_slice %arg3[%mul3A_4, %dma_wait3A_44] : memref<1280x125xi32, #tpu.memory_space<hbm>> -> memref<40x125xi32, #tpu.memory_space<hbm>>
      %dma_wait3A_46 = arith.constant 0 : i32
      %dma_wait3A_47 = tpu.memref_slice %arg3[%mul3A_4, %dma_wait3A_46] : memref<1280x125xi32, #tpu.memory_space<hbm>> -> memref<40x125xi32, #tpu.memory_space<hbm>>
      tpu.wait_dma2 semaphore(%run_scoped3A : memref<!tpu.dma_semaphore, #tpu.memory_space<semaphore_mem>>) src(%dma_wait3A_47 : memref<40x125xi32, #tpu.memory_space<hbm>>) dst(%arg6 : memref<40x125xi32, #tpu.memory_space<vmem>>)
      tpu.yield
    }) : () -> ()
    "tpu.region"() ({
      %run_scoped3A = tpu.sem_alloc : memref<!tpu.dma_semaphore, #tpu.memory_space<semaphore_mem>>
      %dma_start3A_40 = arith.constant 0 : i32
      %dma_start3A_41 = tpu.memref_slice %arg4[%mul3A_4, %dma_start3A_40] : memref<1280x125xi32, #tpu.memory_space<hbm>> -> memref<40x125xi32, #tpu.memory_space<hbm>>
      %dma_start3A_42 = arith.constant 0 : i32
      %dma_start3A_43 = tpu.memref_slice %arg4[%mul3A_4, %dma_start3A_42] : memref<1280x125xi32, #tpu.memory_space<hbm>> -> memref<40x125xi32, #tpu.memory_space<hbm>>
      tpu.enqueue_dma source(%dma_start3A_43 : memref<40x125xi32, #tpu.memory_space<hbm>>) target(%arg7 : memref<40x125xi32, #tpu.memory_space<vmem>>) target_semaphore(%run_scoped3A : memref<!tpu.dma_semaphore, #tpu.memory_space<semaphore_mem>>)
      %dma_wait3A_44 = arith.constant 0 : i32
      %dma_wait3A_45 = tpu.memref_slice %arg4[%mul3A_4, %dma_wait3A_44] : memref<1280x125xi32, #tpu.memory_space<hbm>> -> memref<40x125xi32, #tpu.memory_space<hbm>>
      %dma_wait3A_46 = arith.constant 0 : i32
      %dma_wait3A_47 = tpu.memref_slice %arg4[%mul3A_4, %dma_wait3A_46] : memref<1280x125xi32, #tpu.memory_space<hbm>> -> memref<40x125xi32, #tpu.memory_space<hbm>>
      tpu.wait_dma2 semaphore(%run_scoped3A : memref<!tpu.dma_semaphore, #tpu.memory_space<semaphore_mem>>) src(%dma_wait3A_47 : memref<40x125xi32, #tpu.memory_space<hbm>>) dst(%arg7 : memref<40x125xi32, #tpu.memory_space<vmem>>)
      tpu.yield
    }) : () -> ()
    %dma_start3A_10 = arith.constant 0 : i32
    %dma_start3A_11 = arith.constant 0 : i32
    %dma_start3A_12 = tpu.memref_slice %arg6[%dma_start3A_10, %dma_start3A_11] : memref<40x125xi32, #tpu.memory_space<vmem>> -> memref<1x125xi32, #tpu.memory_space<vmem>>
    %dma_start3A_13 = tpu.memref_squeeze %dma_start3A_12 : memref<1x125xi32, #tpu.memory_space<vmem>> -> memref<125xi32, #tpu.memory_space<vmem>>
    %dma_start3A_14 = arith.constant 0 : i32
    %dma_start3A_15 = tpu.memref_slice %arg2[%mul3A_0, %dma_start3A_14] : memref<20000x128xf32, #tpu.memory_space<hbm>> -> memref<10000x128xf32, #tpu.memory_space<hbm>>
    %dma_start3A_16 = arith.constant 0 : i32
    %dma_start3A_17 = arith.constant 0 : i32
    %dma_start3A_18 = tpu.memref_slice %dma_start3A_15[%dma_start3A_16, %dma_start3A_17] : memref<10000x128xf32, #tpu.memory_space<hbm>> -> memref<10000x128xf32, #tpu.memory_space<hbm>>
    tpu.enqueue_indirect_dma source(%dma_start3A_18 : memref<10000x128xf32, #tpu.memory_space<hbm>>) target(%arg8 : memref<125x128xf32, #tpu.memory_space<vmem>>) offsets(%dma_start3A_13 : memref<125xi32, #tpu.memory_space<vmem>>) semaphore(%arg11 : memref<!tpu.dma_semaphore, #tpu.memory_space<semaphore_mem>>)
    %dma_start3A_19 = arith.constant 1 : i32
    %dma_start3A_20 = arith.constant 0 : i32
    %dma_start3A_21 = tpu.memref_slice %arg6[%dma_start3A_19, %dma_start3A_20] : memref<40x125xi32, #tpu.memory_space<vmem>> -> memref<1x125xi32, #tpu.memory_space<vmem>>
    %dma_start3A_22 = tpu.memref_squeeze %dma_start3A_21 : memref<1x125xi32, #tpu.memory_space<vmem>> -> memref<125xi32, #tpu.memory_space<vmem>>
    %dma_start3A_23 = arith.constant 0 : i32
    %dma_start3A_24 = tpu.memref_slice %arg2[%mul3A_0, %dma_start3A_23] : memref<20000x128xf32, #tpu.memory_space<hbm>> -> memref<10000x128xf32, #tpu.memory_space<hbm>>
    %dma_start3A_25 = arith.constant 0 : i32
    %dma_start3A_26 = arith.constant 0 : i32
    %dma_start3A_27 = tpu.memref_slice %dma_start3A_24[%dma_start3A_25, %dma_start3A_26] : memref<10000x128xf32, #tpu.memory_space<hbm>> -> memref<10000x128xf32, #tpu.memory_space<hbm>>
    tpu.enqueue_indirect_dma source(%dma_start3A_27 : memref<10000x128xf32, #tpu.memory_space<hbm>>) target(%arg9 : memref<125x128xf32, #tpu.memory_space<vmem>>) offsets(%dma_start3A_22 : memref<125xi32, #tpu.memory_space<vmem>>) semaphore(%arg12 : memref<!tpu.dma_semaphore, #tpu.memory_space<semaphore_mem>>)
    %dma_wait3A = arith.constant 0 : i32
    %dma_wait3A_28 = tpu.memref_slice %arg10[%mul3A_2, %dma_wait3A] : memref<10000x128xf32, #tpu.memory_space<vmem_shared>> -> memref<625x128xf32, #tpu.memory_space<vmem_shared>>
    %dma_wait3A_29 = arith.constant 0 : i32
    %dma_wait3A_30 = tpu.memref_slice %arg2[%mul3A_0, %dma_wait3A_29] : memref<20000x128xf32, #tpu.memory_space<hbm>> -> memref<10000x128xf32, #tpu.memory_space<hbm>>
    %dma_wait3A_31 = arith.constant 0 : i32
    %dma_wait3A_32 = tpu.memref_slice %dma_wait3A_30[%mul3A_2, %dma_wait3A_31] : memref<10000x128xf32, #tpu.memory_space<hbm>> -> memref<625x128xf32, #tpu.memory_space<hbm>>
    tpu.wait_dma2 semaphore(%arg13 : memref<!tpu.dma_semaphore, #tpu.memory_space<semaphore_mem>>) src(%dma_wait3A_32 : memref<625x128xf32, #tpu.memory_space<hbm>>) dst(%dma_wait3A_28 : memref<625x128xf32, #tpu.memory_space<vmem_shared>>)
    %barrier3A = arith.constant 0 : index
    tpu.barrier barrier_id(%barrier3A)
    %scan3A = arith.constant 0 : i32
    %scan3A_33 = arith.constant 2 : i32
    %scan3A_34 = arith.addi %scan3A, %scan3A_33 : i32
    %scan3A_35 = arith.constant 1 : i32
    scf.for %scan3A_40 = %scan3A to %scan3A_34 step %scan3A_35  : i32 {
      %mul3A_41 = arith.constant 40 : i32
      %mul3A_42 = arith.muli %scan3A_40, %mul3A_41 : i32
      %add3A_43 = arith.constant 0 : i32
      %add3A_44 = arith.addi %add3A_43, %mul3A_42 : i32
      %gt3A = arith.constant 0 : i32
      %gt3A_45 = arith.cmpi sgt, %add3A_44, %gt3A : i32
      %convert_element_type3A = arith.extui %gt3A_45 : i1 to i32
      %cond3A = arith.constant 0 : i32
      %cond3A_46 = arith.cmpi ne, %convert_element_type3A, %cond3A : i32
      scf.if %cond3A_46 {
        %add3A_52 = arith.addi %mul3A_4, %add3A_44 : i32
        "tpu.region"() ({
          %run_scoped3A = tpu.sem_alloc : memref<!tpu.dma_semaphore, #tpu.memory_space<semaphore_mem>>
          %dma_start3A_72 = arith.constant 0 : i32
          %dma_start3A_73 = tpu.memref_slice %arg3[%add3A_52, %dma_start3A_72] : memref<1280x125xi32, #tpu.memory_space<hbm>> -> memref<40x125xi32, #tpu.memory_space<hbm>>
          %dma_start3A_74 = arith.constant 0 : i32
          %dma_start3A_75 = tpu.memref_slice %arg3[%add3A_52, %dma_start3A_74] : memref<1280x125xi32, #tpu.memory_space<hbm>> -> memref<40x125xi32, #tpu.memory_space<hbm>>
          tpu.enqueue_dma source(%dma_start3A_75 : memref<40x125xi32, #tpu.memory_space<hbm>>) target(%arg6 : memref<40x125xi32, #tpu.memory_space<vmem>>) target_semaphore(%run_scoped3A : memref<!tpu.dma_semaphore, #tpu.memory_space<semaphore_mem>>)
          %dma_wait3A_76 = arith.constant 0 : i32
          %dma_wait3A_77 = tpu.memref_slice %arg3[%add3A_52, %dma_wait3A_76] : memref<1280x125xi32, #tpu.memory_space<hbm>> -> memref<40x125xi32, #tpu.memory_space<hbm>>
          %dma_wait3A_78 = arith.constant 0 : i32
          %dma_wait3A_79 = tpu.memref_slice %arg3[%add3A_52, %dma_wait3A_78] : memref<1280x125xi32, #tpu.memory_space<hbm>> -> memref<40x125xi32, #tpu.memory_space<hbm>>
          tpu.wait_dma2 semaphore(%run_scoped3A : memref<!tpu.dma_semaphore, #tpu.memory_space<semaphore_mem>>) src(%dma_wait3A_79 : memref<40x125xi32, #tpu.memory_space<hbm>>) dst(%arg6 : memref<40x125xi32, #tpu.memory_space<vmem>>)
          tpu.yield
        }) : () -> ()
        %add3A_53 = arith.addi %mul3A_4, %add3A_44 : i32
        "tpu.region"() ({
          %run_scoped3A = tpu.sem_alloc : memref<!tpu.dma_semaphore, #tpu.memory_space<semaphore_mem>>
          %dma_start3A_72 = arith.constant 0 : i32
          %dma_start3A_73 = tpu.memref_slice %arg4[%add3A_53, %dma_start3A_72] : memref<1280x125xi32, #tpu.memory_space<hbm>> -> memref<40x125xi32, #tpu.memory_space<hbm>>
          %dma_start3A_74 = arith.constant 0 : i32
          %dma_start3A_75 = tpu.memref_slice %arg4[%add3A_53, %dma_start3A_74] : memref<1280x125xi32, #tpu.memory_space<hbm>> -> memref<40x125xi32, #tpu.memory_space<hbm>>
          tpu.enqueue_dma source(%dma_start3A_75 : memref<40x125xi32, #tpu.memory_space<hbm>>) target(%arg7 : memref<40x125xi32, #tpu.memory_space<vmem>>) target_semaphore(%run_scoped3A : memref<!tpu.dma_semaphore, #tpu.memory_space<semaphore_mem>>)
          %dma_wait3A_76 = arith.constant 0 : i32
          %dma_wait3A_77 = tpu.memref_slice %arg4[%add3A_53, %dma_wait3A_76] : memref<1280x125xi32, #tpu.memory_space<hbm>> -> memref<40x125xi32, #tpu.memory_space<hbm>>
          %dma_wait3A_78 = arith.constant 0 : i32
          %dma_wait3A_79 = tpu.memref_slice %arg4[%add3A_53, %dma_wait3A_78] : memref<1280x125xi32, #tpu.memory_space<hbm>> -> memref<40x125xi32, #tpu.memory_space<hbm>>
          tpu.wait_dma2 semaphore(%run_scoped3A : memref<!tpu.dma_semaphore, #tpu.memory_space<semaphore_mem>>) src(%dma_wait3A_79 : memref<40x125xi32, #tpu.memory_space<hbm>>) dst(%arg7 : memref<40x125xi32, #tpu.memory_space<vmem>>)
          tpu.yield
        }) : () -> ()
        %dma_start3A_54 = arith.constant 0 : i32
        %dma_start3A_55 = arith.constant 0 : i32
        %dma_start3A_56 = tpu.memref_slice %arg6[%dma_start3A_54, %dma_start3A_55] : memref<40x125xi32, #tpu.memory_space<vmem>> -> memref<1x125xi32, #tpu.memory_space<vmem>>
        %dma_start3A_57 = tpu.memref_squeeze %dma_start3A_56 : memref<1x125xi32, #tpu.memory_space<vmem>> -> memref<125xi32, #tpu.memory_space<vmem>>
        %dma_start3A_58 = arith.constant 0 : i32
        %dma_start3A_59 = tpu.memref_slice %arg2[%mul3A_0, %dma_start3A_58] : memref<20000x128xf32, #tpu.memory_space<hbm>> -> memref<10000x128xf32, #tpu.memory_space<hbm>>
        %dma_start3A_60 = arith.constant 0 : i32
        %dma_start3A_61 = arith.constant 0 : i32
        %dma_start3A_62 = tpu.memref_slice %dma_start3A_59[%dma_start3A_60, %dma_start3A_61] : memref<10000x128xf32, #tpu.memory_space<hbm>> -> memref<10000x128xf32, #tpu.memory_space<hbm>>
        tpu.enqueue_indirect_dma source(%dma_start3A_62 : memref<10000x128xf32, #tpu.memory_space<hbm>>) target(%arg8 : memref<125x128xf32, #tpu.memory_space<vmem>>) offsets(%dma_start3A_57 : memref<125xi32, #tpu.memory_space<vmem>>) semaphore(%arg11 : memref<!tpu.dma_semaphore, #tpu.memory_space<semaphore_mem>>)
        %dma_start3A_63 = arith.constant 1 : i32
        %dma_start3A_64 = arith.constant 0 : i32
        %dma_start3A_65 = tpu.memref_slice %arg6[%dma_start3A_63, %dma_start3A_64] : memref<40x125xi32, #tpu.memory_space<vmem>> -> memref<1x125xi32, #tpu.memory_space<vmem>>
        %dma_start3A_66 = tpu.memref_squeeze %dma_start3A_65 : memref<1x125xi32, #tpu.memory_space<vmem>> -> memref<125xi32, #tpu.memory_space<vmem>>
        %dma_start3A_67 = arith.constant 0 : i32
        %dma_start3A_68 = tpu.memref_slice %arg2[%mul3A_0, %dma_start3A_67] : memref<20000x128xf32, #tpu.memory_space<hbm>> -> memref<10000x128xf32, #tpu.memory_space<hbm>>
        %dma_start3A_69 = arith.constant 0 : i32
        %dma_start3A_70 = arith.constant 0 : i32
        %dma_start3A_71 = tpu.memref_slice %dma_start3A_68[%dma_start3A_69, %dma_start3A_70] : memref<10000x128xf32, #tpu.memory_space<hbm>> -> memref<10000x128xf32, #tpu.memory_space<hbm>>
        tpu.enqueue_indirect_dma source(%dma_start3A_71 : memref<10000x128xf32, #tpu.memory_space<hbm>>) target(%arg9 : memref<125x128xf32, #tpu.memory_space<vmem>>) offsets(%dma_start3A_66 : memref<125xi32, #tpu.memory_space<vmem>>) semaphore(%arg12 : memref<!tpu.dma_semaphore, #tpu.memory_space<semaphore_mem>>)
      } else {
      }
      %scan3A_47 = arith.constant 0 : i32
      %scan3A_48 = arith.constant 20 : i32
      %scan3A_49 = arith.addi %scan3A_47, %scan3A_48 : i32
      %scan3A_50 = arith.constant 1 : i32
      scf.for %scan3A_52 = %scan3A_47 to %scan3A_49 step %scan3A_50  : i32 {
        %mul3A_53 = arith.constant 2 : i32
        %mul3A_54 = arith.muli %scan3A_52, %mul3A_53 : i32
        %add3A_55 = arith.constant 0 : i32
        %add3A_56 = arith.addi %add3A_55, %mul3A_54 : i32
        %dma_wait3A_57 = arith.constant 0 : i32
        %dma_wait3A_58 = tpu.memref_slice %arg6[%add3A_56, %dma_wait3A_57] : memref<40x125xi32, #tpu.memory_space<vmem>> -> memref<1x125xi32, #tpu.memory_space<vmem>>
        %dma_wait3A_59 = tpu.memref_squeeze %dma_wait3A_58 : memref<1x125xi32, #tpu.memory_space<vmem>> -> memref<125xi32, #tpu.memory_space<vmem>>
        %dma_wait3A_60 = arith.constant 0 : i32
        %dma_wait3A_61 = tpu.memref_slice %arg2[%mul3A_0, %dma_wait3A_60] : memref<20000x128xf32, #tpu.memory_space<hbm>> -> memref<10000x128xf32, #tpu.memory_space<hbm>>
        %dma_wait3A_62 = arith.constant 0 : i32
        %dma_wait3A_63 = arith.constant 0 : i32
        %dma_wait3A_64 = tpu.memref_slice %dma_wait3A_61[%dma_wait3A_62, %dma_wait3A_63] : memref<10000x128xf32, #tpu.memory_space<hbm>> -> memref<10000x128xf32, #tpu.memory_space<hbm>>
        tpu.wait_indirect_dma semaphore(%arg11 : memref<!tpu.dma_semaphore, #tpu.memory_space<semaphore_mem>>) src(%dma_wait3A_64 : memref<10000x128xf32, #tpu.memory_space<hbm>>) dst(%arg8 : memref<125x128xf32, #tpu.memory_space<vmem>>)
        "tpu.region"() ({
          %run_scoped3A = tpu.sem_alloc : memref<!tpu.dma_semaphore, #tpu.memory_space<semaphore_mem>>
          %dma_start3A_90 = arith.constant 0 : i32
          %dma_start3A_91 = tpu.memref_slice %arg7[%add3A_56, %dma_start3A_90] : memref<40x125xi32, #tpu.memory_space<vmem>> -> memref<1x125xi32, #tpu.memory_space<vmem>>
          %dma_start3A_92 = tpu.memref_squeeze %dma_start3A_91 : memref<1x125xi32, #tpu.memory_space<vmem>> -> memref<125xi32, #tpu.memory_space<vmem>>
          %dma_start3A_93 = arith.constant 0 : i32
          %dma_start3A_94 = arith.constant 0 : i32
          %dma_start3A_95 = tpu.memref_slice %arg10[%dma_start3A_93, %dma_start3A_94] : memref<10000x128xf32, #tpu.memory_space<vmem_shared>> -> memref<10000x128xf32, #tpu.memory_space<vmem_shared>>
          tpu.enqueue_indirect_dma source(%arg8 : memref<125x128xf32, #tpu.memory_space<vmem>>) target(%dma_start3A_95 : memref<10000x128xf32, #tpu.memory_space<vmem_shared>>) offsets(%dma_start3A_92 : memref<125xi32, #tpu.memory_space<vmem>>) semaphore(%run_scoped3A : memref<!tpu.dma_semaphore, #tpu.memory_space<semaphore_mem>>) {add = true}
          %dma_wait3A_96 = arith.constant 0 : i32
          %dma_wait3A_97 = tpu.memref_slice %arg7[%add3A_56, %dma_wait3A_96] : memref<40x125xi32, #tpu.memory_space<vmem>> -> memref<1x125xi32, #tpu.memory_space<vmem>>
          %dma_wait3A_98 = tpu.memref_squeeze %dma_wait3A_97 : memref<1x125xi32, #tpu.memory_space<vmem>> -> memref<125xi32, #tpu.memory_space<vmem>>
          %dma_wait3A_99 = arith.constant 0 : i32
          %dma_wait3A_100 = arith.constant 0 : i32
          %dma_wait3A_101 = tpu.memref_slice %arg10[%dma_wait3A_99, %dma_wait3A_100] : memref<10000x128xf32, #tpu.memory_space<vmem_shared>> -> memref<10000x128xf32, #tpu.memory_space<vmem_shared>>
          tpu.wait_indirect_dma semaphore(%run_scoped3A : memref<!tpu.dma_semaphore, #tpu.memory_space<semaphore_mem>>) src(%arg8 : memref<125x128xf32, #tpu.memory_space<vmem>>) dst(%dma_wait3A_101 : memref<10000x128xf32, #tpu.memory_space<vmem_shared>>)
          tpu.yield
        }) : () -> ()
        %add3A_65 = arith.constant 2 : i32
        %add3A_66 = arith.addi %add3A_56, %add3A_65 : i32
        %lt3A = arith.constant 40 : i32
        %lt3A_67 = arith.cmpi slt, %add3A_66, %lt3A : i32
        %convert_element_type3A_68 = arith.extui %lt3A_67 : i1 to i32
        %cond3A_69 = arith.constant 0 : i32
        %cond3A_70 = arith.cmpi ne, %convert_element_type3A_68, %cond3A_69 : i32
        scf.if %cond3A_70 {
          %add3A_90 = arith.constant 2 : i32
          %add3A_91 = arith.addi %add3A_56, %add3A_90 : i32
          %dma_start3A_92 = arith.constant 0 : i32
          %dma_start3A_93 = tpu.memref_slice %arg6[%add3A_91, %dma_start3A_92] : memref<40x125xi32, #tpu.memory_space<vmem>> -> memref<1x125xi32, #tpu.memory_space<vmem>>
          %dma_start3A_94 = tpu.memref_squeeze %dma_start3A_93 : memref<1x125xi32, #tpu.memory_space<vmem>> -> memref<125xi32, #tpu.memory_space<vmem>>
          %dma_start3A_95 = arith.constant 0 : i32
          %dma_start3A_96 = tpu.memref_slice %arg2[%mul3A_0, %dma_start3A_95] : memref<20000x128xf32, #tpu.memory_space<hbm>> -> memref<10000x128xf32, #tpu.memory_space<hbm>>
          %dma_start3A_97 = arith.constant 0 : i32
          %dma_start3A_98 = arith.constant 0 : i32
          %dma_start3A_99 = tpu.memref_slice %dma_start3A_96[%dma_start3A_97, %dma_start3A_98] : memref<10000x128xf32, #tpu.memory_space<hbm>> -> memref<10000x128xf32, #tpu.memory_space<hbm>>
          tpu.enqueue_indirect_dma source(%dma_start3A_99 : memref<10000x128xf32, #tpu.memory_space<hbm>>) target(%arg8 : memref<125x128xf32, #tpu.memory_space<vmem>>) offsets(%dma_start3A_94 : memref<125xi32, #tpu.memory_space<vmem>>) semaphore(%arg11 : memref<!tpu.dma_semaphore, #tpu.memory_space<semaphore_mem>>)
        } else {
        }
        %add3A_71 = arith.constant 1 : i32
        %add3A_72 = arith.addi %add3A_56, %add3A_71 : i32
        %dma_wait3A_73 = arith.constant 0 : i32
        %dma_wait3A_74 = tpu.memref_slice %arg6[%add3A_72, %dma_wait3A_73] : memref<40x125xi32, #tpu.memory_space<vmem>> -> memref<1x125xi32, #tpu.memory_space<vmem>>
        %dma_wait3A_75 = tpu.memref_squeeze %dma_wait3A_74 : memref<1x125xi32, #tpu.memory_space<vmem>> -> memref<125xi32, #tpu.memory_space<vmem>>
        %dma_wait3A_76 = arith.constant 0 : i32
        %dma_wait3A_77 = tpu.memref_slice %arg2[%mul3A_0, %dma_wait3A_76] : memref<20000x128xf32, #tpu.memory_space<hbm>> -> memref<10000x128xf32, #tpu.memory_space<hbm>>
        %dma_wait3A_78 = arith.constant 0 : i32
        %dma_wait3A_79 = arith.constant 0 : i32
        %dma_wait3A_80 = tpu.memref_slice %dma_wait3A_77[%dma_wait3A_78, %dma_wait3A_79] : memref<10000x128xf32, #tpu.memory_space<hbm>> -> memref<10000x128xf32, #tpu.memory_space<hbm>>
        tpu.wait_indirect_dma semaphore(%arg12 : memref<!tpu.dma_semaphore, #tpu.memory_space<semaphore_mem>>) src(%dma_wait3A_80 : memref<10000x128xf32, #tpu.memory_space<hbm>>) dst(%arg9 : memref<125x128xf32, #tpu.memory_space<vmem>>)
        %add3A_81 = arith.constant 1 : i32
        %add3A_82 = arith.addi %add3A_56, %add3A_81 : i32
        "tpu.region"() ({
          %run_scoped3A = tpu.sem_alloc : memref<!tpu.dma_semaphore, #tpu.memory_space<semaphore_mem>>
          %dma_start3A_90 = arith.constant 0 : i32
          %dma_start3A_91 = tpu.memref_slice %arg7[%add3A_82, %dma_start3A_90] : memref<40x125xi32, #tpu.memory_space<vmem>> -> memref<1x125xi32, #tpu.memory_space<vmem>>
          %dma_start3A_92 = tpu.memref_squeeze %dma_start3A_91 : memref<1x125xi32, #tpu.memory_space<vmem>> -> memref<125xi32, #tpu.memory_space<vmem>>
          %dma_start3A_93 = arith.constant 0 : i32
          %dma_start3A_94 = arith.constant 0 : i32
          %dma_start3A_95 = tpu.memref_slice %arg10[%dma_start3A_93, %dma_start3A_94] : memref<10000x128xf32, #tpu.memory_space<vmem_shared>> -> memref<10000x128xf32, #tpu.memory_space<vmem_shared>>
          tpu.enqueue_indirect_dma source(%arg9 : memref<125x128xf32, #tpu.memory_space<vmem>>) target(%dma_start3A_95 : memref<10000x128xf32, #tpu.memory_space<vmem_shared>>) offsets(%dma_start3A_92 : memref<125xi32, #tpu.memory_space<vmem>>) semaphore(%run_scoped3A : memref<!tpu.dma_semaphore, #tpu.memory_space<semaphore_mem>>) {add = true}
          %dma_wait3A_96 = arith.constant 0 : i32
          %dma_wait3A_97 = tpu.memref_slice %arg7[%add3A_82, %dma_wait3A_96] : memref<40x125xi32, #tpu.memory_space<vmem>> -> memref<1x125xi32, #tpu.memory_space<vmem>>
          %dma_wait3A_98 = tpu.memref_squeeze %dma_wait3A_97 : memref<1x125xi32, #tpu.memory_space<vmem>> -> memref<125xi32, #tpu.memory_space<vmem>>
          %dma_wait3A_99 = arith.constant 0 : i32
          %dma_wait3A_100 = arith.constant 0 : i32
          %dma_wait3A_101 = tpu.memref_slice %arg10[%dma_wait3A_99, %dma_wait3A_100] : memref<10000x128xf32, #tpu.memory_space<vmem_shared>> -> memref<10000x128xf32, #tpu.memory_space<vmem_shared>>
          tpu.wait_indirect_dma semaphore(%run_scoped3A : memref<!tpu.dma_semaphore, #tpu.memory_space<semaphore_mem>>) src(%arg9 : memref<125x128xf32, #tpu.memory_space<vmem>>) dst(%dma_wait3A_101 : memref<10000x128xf32, #tpu.memory_space<vmem_shared>>)
          tpu.yield
        }) : () -> ()
        %add3A_83 = arith.constant 3 : i32
        %add3A_84 = arith.addi %add3A_56, %add3A_83 : i32
        %lt3A_85 = arith.constant 40 : i32
        %lt3A_86 = arith.cmpi slt, %add3A_84, %lt3A_85 : i32
        %convert_element_type3A_87 = arith.extui %lt3A_86 : i1 to i32
        %cond3A_88 = arith.constant 0 : i32
        %cond3A_89 = arith.cmpi ne, %convert_element_type3A_87, %cond3A_88 : i32
        scf.if %cond3A_89 {
          %add3A_90 = arith.constant 3 : i32
          %add3A_91 = arith.addi %add3A_56, %add3A_90 : i32
          %dma_start3A_92 = arith.constant 0 : i32
          %dma_start3A_93 = tpu.memref_slice %arg6[%add3A_91, %dma_start3A_92] : memref<40x125xi32, #tpu.memory_space<vmem>> -> memref<1x125xi32, #tpu.memory_space<vmem>>
          %dma_start3A_94 = tpu.memref_squeeze %dma_start3A_93 : memref<1x125xi32, #tpu.memory_space<vmem>> -> memref<125xi32, #tpu.memory_space<vmem>>
          %dma_start3A_95 = arith.constant 0 : i32
          %dma_start3A_96 = tpu.memref_slice %arg2[%mul3A_0, %dma_start3A_95] : memref<20000x128xf32, #tpu.memory_space<hbm>> -> memref<10000x128xf32, #tpu.memory_space<hbm>>
          %dma_start3A_97 = arith.constant 0 : i32
          %dma_start3A_98 = arith.constant 0 : i32
          %dma_start3A_99 = tpu.memref_slice %dma_start3A_96[%dma_start3A_97, %dma_start3A_98] : memref<10000x128xf32, #tpu.memory_space<hbm>> -> memref<10000x128xf32, #tpu.memory_space<hbm>>
          tpu.enqueue_indirect_dma source(%dma_start3A_99 : memref<10000x128xf32, #tpu.memory_space<hbm>>) target(%arg9 : memref<125x128xf32, #tpu.memory_space<vmem>>) offsets(%dma_start3A_94 : memref<125xi32, #tpu.memory_space<vmem>>) semaphore(%arg12 : memref<!tpu.dma_semaphore, #tpu.memory_space<semaphore_mem>>)
        } else {
        }
      }
      %scan3A_51 = arith.constant 20 : i32
    }
    %scan3A_36 = arith.constant 2 : i32
    %barrier3A_37 = arith.constant 0 : index
    tpu.barrier barrier_id(%barrier3A_37)
    %mul3A_38 = arith.constant 10000 : i32
    %mul3A_39 = arith.muli %arg0, %mul3A_38 : i32
    %add3A = arith.addi %mul3A_39, %mul3A_2 : i32
    "tpu.region"() ({
      %run_scoped3A = tpu.sem_alloc : memref<!tpu.dma_semaphore, #tpu.memory_space<semaphore_mem>>
      %dma_start3A_40 = arith.constant 0 : i32
      %dma_start3A_41 = tpu.memref_slice %arg5[%add3A, %dma_start3A_40] : memref<20000x128xf32, #tpu.memory_space<hbm>> -> memref<625x128xf32, #tpu.memory_space<hbm>>
      %dma_start3A_42 = arith.constant 0 : i32
      %dma_start3A_43 = tpu.memref_slice %arg10[%mul3A_2, %dma_start3A_42] : memref<10000x128xf32, #tpu.memory_space<vmem_shared>> -> memref<625x128xf32, #tpu.memory_space<vmem_shared>>
      tpu.enqueue_dma source(%dma_start3A_43 : memref<625x128xf32, #tpu.memory_space<vmem_shared>>) target(%dma_start3A_41 : memref<625x128xf32, #tpu.memory_space<hbm>>) target_semaphore(%run_scoped3A : memref<!tpu.dma_semaphore, #tpu.memory_space<semaphore_mem>>)
      %dma_wait3A_44 = arith.constant 0 : i32
      %dma_wait3A_45 = tpu.memref_slice %arg5[%add3A, %dma_wait3A_44] : memref<20000x128xf32, #tpu.memory_space<hbm>> -> memref<625x128xf32, #tpu.memory_space<hbm>>
      %dma_wait3A_46 = arith.constant 0 : i32
      %dma_wait3A_47 = tpu.memref_slice %arg10[%mul3A_2, %dma_wait3A_46] : memref<10000x128xf32, #tpu.memory_space<vmem_shared>> -> memref<625x128xf32, #tpu.memory_space<vmem_shared>>
      tpu.wait_dma2 semaphore(%run_scoped3A : memref<!tpu.dma_semaphore, #tpu.memory_space<semaphore_mem>>) src(%dma_wait3A_47 : memref<625x128xf32, #tpu.memory_space<vmem_shared>>) dst(%dma_wait3A_45 : memref<625x128xf32, #tpu.memory_space<hbm>>)
      tpu.yield
    }) : () -> ()
    return
  }
}

module attributes {stable_mosaic.version = 14 : i64} {
  func.func @_layer_body(%arg0: i32, %arg1: i32, %arg2: memref<2000x128xf32, #tpu.memory_space<vmem>>, %arg3: memref<2000x128xf32, #tpu.memory_space<vmem>>, %arg4: memref<256x256xf32, #tpu.memory_space<vmem>>, %arg5: memref<1x256xf32, #tpu.memory_space<vmem>>, %arg6: memref<1x256xf32, #tpu.memory_space<vmem>>, %arg7: memref<1x256xf32, #tpu.memory_space<vmem>>, %arg8: memref<256x256xf32, #tpu.memory_space<vmem>>, %arg9: memref<1x256xf32, #tpu.memory_space<vmem>>, %arg10: memref<1x256xf32, #tpu.memory_space<vmem>>, %arg11: memref<1x256xf32, #tpu.memory_space<vmem>>, %arg12: memref<1x256xf32, #tpu.memory_space<vmem>>, %arg13: memref<1x256xf32, #tpu.memory_space<vmem>>, %arg14: memref<256x256xf32, #tpu.memory_space<vmem>>, %arg15: memref<1x256xf32, #tpu.memory_space<vmem>>, %arg16: memref<2000x128xf32, #tpu.memory_space<vmem>>, %arg17: memref<10000x256xf32, #tpu.memory_space<vmem>>, %arg18: memref<10000x256xf32, #tpu.memory_space<vmem>>, %arg19: memref<2x256xf32, #tpu.memory_space<vmem>>, %arg20: memref<2x256xf32, #tpu.memory_space<vmem>>) attributes {dimension_semantics = [#tpu.dimension_semantics<arbitrary>, #tpu.dimension_semantics<arbitrary>], iteration_bounds = array<i64: 4, 5>, scalar_prefetch = 0 : i64, scratch_operands = 4 : i64, tpu.core_type = #tpu.core_type<tc>, window_params = [{transform_indices = @transform_0, window_bounds = array<i64: 2000, 128>}, {transform_indices = @transform_1, window_bounds = array<i64: 2000, 128>}, {pipeline_mode = #tpu.pipeline_mode<synchronous>, transform_indices = @transform_2, window_bounds = array<i64: 256, 256>}, {pipeline_mode = #tpu.pipeline_mode<synchronous>, transform_indices = @transform_3, window_bounds = array<i64: 1, 256>}, {pipeline_mode = #tpu.pipeline_mode<synchronous>, transform_indices = @transform_4, window_bounds = array<i64: 1, 256>}, {pipeline_mode = #tpu.pipeline_mode<synchronous>, transform_indices = @transform_5, window_bounds = array<i64: 1, 256>}, {pipeline_mode = #tpu.pipeline_mode<synchronous>, transform_indices = @transform_6, window_bounds = array<i64: 256, 256>}, {pipeline_mode = #tpu.pipeline_mode<synchronous>, transform_indices = @transform_7, window_bounds = array<i64: 1, 256>}, {pipeline_mode = #tpu.pipeline_mode<synchronous>, transform_indices = @transform_8, window_bounds = array<i64: 1, 256>}, {pipeline_mode = #tpu.pipeline_mode<synchronous>, transform_indices = @transform_9, window_bounds = array<i64: 1, 256>}, {pipeline_mode = #tpu.pipeline_mode<synchronous>, transform_indices = @transform_10, window_bounds = array<i64: 1, 256>}, {pipeline_mode = #tpu.pipeline_mode<synchronous>, transform_indices = @transform_11, window_bounds = array<i64: 1, 256>}, {pipeline_mode = #tpu.pipeline_mode<synchronous>, transform_indices = @transform_12, window_bounds = array<i64: 256, 256>}, {pipeline_mode = #tpu.pipeline_mode<synchronous>, transform_indices = @transform_13, window_bounds = array<i64: 1, 256>}, {transform_indices = @transform_14, window_bounds = array<i64: 2000, 128>}]} {
    %mul3A = arith.constant 2000 : i32
    %mul3A_0 = arith.muli %arg1, %mul3A : i32
    %eq3A = arith.constant 0 : i32
    %eq3A_1 = arith.cmpi eq, %arg0, %eq3A : i32
    %convert_element_type3A = arith.extui %eq3A_1 : i1 to i32
    %cond3A = arith.constant 0 : i32
    %cond3A_2 = arith.cmpi ne, %convert_element_type3A, %cond3A : i32
    scf.if %cond3A_2 {
      %get3A = arith.constant 0 : index
      %get3A_12 = arith.constant 0 : index
      %get3A_13 = vector.load %arg2[%get3A, %get3A_12] : memref<2000x128xf32, #tpu.memory_space<vmem>>, vector<2000x128xf32>
      %get3A_14 = arith.constant 0 : index
      %get3A_15 = arith.constant 0 : index
      %get3A_16 = vector.load %arg4[%get3A_14, %get3A_15] : memref<256x256xf32, #tpu.memory_space<vmem>>, vector<256x128xf32>
      %dot_general3A = arith.constant dense<0.000000e+00> : vector<2000x256xf32>
      %dot_general3A_17 = tpu.matmul %get3A_13, %get3A_16, %dot_general3A {dimension_numbers = #tpu.dot_dimension_numbers<[1], [1], [0], [0], [0, 0, 1, 0], [], []>, transpose_lhs_hint = false} : vector<2000x128xf32>, vector<256x128xf32>, vector<2000x256xf32> -> vector<2000x256xf32>
      %get3A_18 = arith.constant 0 : index
      %get3A_19 = arith.constant 0 : index
      %get3A_20 = vector.load %arg3[%get3A_18, %get3A_19] : memref<2000x128xf32, #tpu.memory_space<vmem>>, vector<2000x128xf32>
      %get3A_21 = arith.constant 0 : index
      %get3A_22 = arith.constant 128 : index
      %get3A_23 = vector.load %arg4[%get3A_21, %get3A_22] : memref<256x256xf32, #tpu.memory_space<vmem>>, vector<256x128xf32>
      %dot_general3A_24 = arith.constant dense<0.000000e+00> : vector<2000x256xf32>
      %dot_general3A_25 = tpu.matmul %get3A_20, %get3A_23, %dot_general3A_24 {dimension_numbers = #tpu.dot_dimension_numbers<[1], [1], [0], [0], [0, 0, 1, 0], [], []>, transpose_lhs_hint = false} : vector<2000x128xf32>, vector<256x128xf32>, vector<2000x256xf32> -> vector<2000x256xf32>
      %add3A = arith.addf %dot_general3A_17, %dot_general3A_25 : vector<2000x256xf32>
      %get3A_26 = arith.constant 0 : index
      %get3A_27 = arith.constant 0 : index
      %get3A_28 = vector.load %arg5[%get3A_26, %get3A_27] : memref<1x256xf32, #tpu.memory_space<vmem>>, vector<1x256xf32>
      %add3A_29 = vector.broadcast %get3A_28 : vector<1x256xf32> to vector<2000x256xf32>
      %add3A_30 = arith.addf %add3A, %add3A_29 : vector<2000x256xf32>
      %swap3A = arith.index_cast %mul3A_0 : i32 to index
      %swap3A_31 = arith.constant 0 : index
      %swap3A_32 = vector.load %arg17[%swap3A, %swap3A_31] : memref<10000x256xf32, #tpu.memory_space<vmem>>, vector<2000x256xf32>
      tpu.vector_store %arg17[%swap3A, %swap3A_31], %add3A_30 {strides = array<i32>} : memref<10000x256xf32, #tpu.memory_space<vmem>>, vector<2000x256xf32>,
      %eq3A_33 = arith.constant 0 : i32
      %eq3A_34 = arith.cmpi eq, %arg1, %eq3A_33 : i32
      %reduce_sum3A = arith.constant dense<0.000000e+00> : vector<256xf32>
      %reduce_sum3A_35 = vector.multi_reduction <add>, %add3A_30, %reduce_sum3A [0] : vector<2000x256xf32> to vector<256xf32>
      %broadcast_in_dim3A = vector.shape_cast %reduce_sum3A_35 : vector<256xf32> to vector<1x256xf32>
      %mul3A_36 = arith.mulf %add3A_30, %add3A_30 : vector<2000x256xf32>
      %reduce_sum3A_37 = arith.constant dense<0.000000e+00> : vector<256xf32>
      %reduce_sum3A_38 = vector.multi_reduction <add>, %mul3A_36, %reduce_sum3A_37 [0] : vector<2000x256xf32> to vector<256xf32>
      %broadcast_in_dim3A_39 = vector.shape_cast %reduce_sum3A_38 : vector<256xf32> to vector<1x256xf32>
      %concatenate3A = tpu.concatenate %broadcast_in_dim3A, %broadcast_in_dim3A_39 in 0 : vector<1x256xf32>, vector<1x256xf32> -> vector<2x256xf32>
      %convert_element_type3A_40 = arith.extui %eq3A_34 : i1 to i32
      %cond3A_41 = arith.constant 0 : i32
      %cond3A_42 = arith.cmpi ne, %convert_element_type3A_40, %cond3A_41 : i32
      scf.if %cond3A_42 {
        %swap3A_47 = arith.constant 0 : index
        %swap3A_48 = arith.constant 0 : index
        %swap3A_49 = vector.load %arg19[%swap3A_47, %swap3A_48] : memref<2x256xf32, #tpu.memory_space<vmem>>, vector<2x256xf32>
        tpu.vector_store %arg19[%swap3A_47, %swap3A_48], %concatenate3A {strides = array<i32>} : memref<2x256xf32, #tpu.memory_space<vmem>>, vector<2x256xf32>,
      } else {
      }
      %not3A = arith.constant true
      %not3A_43 = arith.xori %eq3A_34, %not3A : i1
      %convert_element_type3A_44 = arith.extui %not3A_43 : i1 to i32
      %cond3A_45 = arith.constant 0 : i32
      %cond3A_46 = arith.cmpi ne, %convert_element_type3A_44, %cond3A_45 : i32
      scf.if %cond3A_46 {
        %get3A_47 = arith.constant 0 : index
        %get3A_48 = arith.constant 0 : index
        %get3A_49 = vector.load %arg19[%get3A_47, %get3A_48] : memref<2x256xf32, #tpu.memory_space<vmem>>, vector<2x256xf32>
        %add3A_50 = arith.addf %get3A_49, %concatenate3A : vector<2x256xf32>
        %swap3A_51 = arith.constant 0 : index
        %swap3A_52 = arith.constant 0 : index
        %swap3A_53 = vector.load %arg19[%swap3A_51, %swap3A_52] : memref<2x256xf32, #tpu.memory_space<vmem>>, vector<2x256xf32>
        tpu.vector_store %arg19[%swap3A_51, %swap3A_52], %add3A_50 {strides = array<i32>} : memref<2x256xf32, #tpu.memory_space<vmem>>, vector<2x256xf32>,
      } else {
      }
    } else {
    }
    %eq3A_3 = arith.constant 1 : i32
    %eq3A_4 = arith.cmpi eq, %arg0, %eq3A_3 : i32
    %convert_element_type3A_5 = arith.extui %eq3A_4 : i1 to i32
    %cond3A_6 = arith.constant 0 : i32
    %cond3A_7 = arith.cmpi ne, %convert_element_type3A_5, %cond3A_6 : i32
    scf.if %cond3A_7 {
      %get3A = arith.constant 0 : index
      %get3A_12 = arith.constant 0 : index
      %get3A_13 = vector.load %arg19[%get3A, %get3A_12] : memref<2x256xf32, #tpu.memory_space<vmem>>, vector<2x256xf32>
      %get3A_14 = arith.constant 0 : index
      %get3A_15 = arith.constant 0 : index
      %get3A_16 = vector.load %arg6[%get3A_14, %get3A_15] : memref<1x256xf32, #tpu.memory_space<vmem>>, vector<1x256xf32>
      %get3A_17 = arith.constant 0 : index
      %get3A_18 = arith.constant 0 : index
      %get3A_19 = vector.load %arg7[%get3A_17, %get3A_18] : memref<1x256xf32, #tpu.memory_space<vmem>>, vector<1x256xf32>
      %slice3A = vector.extract_strided_slice %get3A_13 {offsets = [0, 0], sizes = [1, 256], strides = [1, 1]} : vector<2x256xf32> to vector<1x256xf32>
      %mul3A_20 = arith.constant 9.99999974E-5 : f32
      %mul3A_21 = vector.broadcast %mul3A_20 : f32 to vector<1x256xf32>
      %mul3A_22 = arith.mulf %slice3A, %mul3A_21 : vector<1x256xf32>
      %slice3A_23 = vector.extract_strided_slice %get3A_13 {offsets = [1, 0], sizes = [1, 256], strides = [1, 1]} : vector<2x256xf32> to vector<1x256xf32>
      %mul3A_24 = arith.constant 9.99999974E-5 : f32
      %mul3A_25 = vector.broadcast %mul3A_24 : f32 to vector<1x256xf32>
      %mul3A_26 = arith.mulf %slice3A_23, %mul3A_25 : vector<1x256xf32>
      %mul3A_27 = arith.mulf %mul3A_22, %mul3A_22 : vector<1x256xf32>
      %sub3A = arith.subf %mul3A_26, %mul3A_27 : vector<1x256xf32>
      %add3A = arith.constant 9.99999974E-6 : f32
      %add3A_28 = vector.broadcast %add3A : f32 to vector<1x256xf32>
      %add3A_29 = arith.addf %sub3A, %add3A_28 : vector<1x256xf32>
      %sqrt3A = math.sqrt %add3A_29 : vector<1x256xf32>
      %div3A = arith.divf %get3A_16, %sqrt3A : vector<1x256xf32>
      %mul3A_30 = arith.mulf %mul3A_22, %div3A : vector<1x256xf32>
      %sub3A_31 = arith.subf %get3A_19, %mul3A_30 : vector<1x256xf32>
      %get3A_32 = arith.index_cast %mul3A_0 : i32 to index
      %get3A_33 = arith.constant 0 : index
      %get3A_34 = vector.load %arg17[%get3A_32, %get3A_33] : memref<10000x256xf32, #tpu.memory_space<vmem>>, vector<2000x256xf32>
      %mul3A_35 = vector.broadcast %div3A : vector<1x256xf32> to vector<2000x256xf32>
      %mul3A_36 = arith.mulf %get3A_34, %mul3A_35 : vector<2000x256xf32>
      %add3A_37 = vector.broadcast %sub3A_31 : vector<1x256xf32> to vector<2000x256xf32>
      %add3A_38 = arith.addf %mul3A_36, %add3A_37 : vector<2000x256xf32>
      %max3A = arith.constant 0.000000e+00 : f32
      %max3A_39 = vector.broadcast %max3A : f32 to vector<2000x256xf32>
      %max3A_40 = arith.maximumf %add3A_38, %max3A_39 : vector<2000x256xf32>
      %get3A_41 = arith.constant 0 : index
      %get3A_42 = arith.constant 0 : index
      %get3A_43 = vector.load %arg8[%get3A_41, %get3A_42] : memref<256x256xf32, #tpu.memory_space<vmem>>, vector<256x256xf32>
      %dot_general3A = arith.constant dense<0.000000e+00> : vector<2000x256xf32>
      %dot_general3A_44 = tpu.matmul %max3A_40, %get3A_43, %dot_general3A {dimension_numbers = #tpu.dot_dimension_numbers<[1], [1], [0], [0], [0, 0, 1, 0], [], []>, transpose_lhs_hint = false} : vector<2000x256xf32>, vector<256x256xf32>, vector<2000x256xf32> -> vector<2000x256xf32>
      %get3A_45 = arith.constant 0 : index
      %get3A_46 = arith.constant 0 : index
      %get3A_47 = vector.load %arg9[%get3A_45, %get3A_46] : memref<1x256xf32, #tpu.memory_space<vmem>>, vector<1x256xf32>
      %add3A_48 = vector.broadcast %get3A_47 : vector<1x256xf32> to vector<2000x256xf32>
      %add3A_49 = arith.addf %dot_general3A_44, %add3A_48 : vector<2000x256xf32>
      %swap3A = arith.index_cast %mul3A_0 : i32 to index
      %swap3A_50 = arith.constant 0 : index
      %swap3A_51 = vector.load %arg18[%swap3A, %swap3A_50] : memref<10000x256xf32, #tpu.memory_space<vmem>>, vector<2000x256xf32>
      tpu.vector_store %arg18[%swap3A, %swap3A_50], %add3A_49 {strides = array<i32>} : memref<10000x256xf32, #tpu.memory_space<vmem>>, vector<2000x256xf32>,
      %eq3A_52 = arith.constant 0 : i32
      %eq3A_53 = arith.cmpi eq, %arg1, %eq3A_52 : i32
      %reduce_sum3A = arith.constant dense<0.000000e+00> : vector<256xf32>
      %reduce_sum3A_54 = vector.multi_reduction <add>, %add3A_49, %reduce_sum3A [0] : vector<2000x256xf32> to vector<256xf32>
      %broadcast_in_dim3A = vector.shape_cast %reduce_sum3A_54 : vector<256xf32> to vector<1x256xf32>
      %mul3A_55 = arith.mulf %add3A_49, %add3A_49 : vector<2000x256xf32>
      %reduce_sum3A_56 = arith.constant dense<0.000000e+00> : vector<256xf32>
      %reduce_sum3A_57 = vector.multi_reduction <add>, %mul3A_55, %reduce_sum3A_56 [0] : vector<2000x256xf32> to vector<256xf32>
      %broadcast_in_dim3A_58 = vector.shape_cast %reduce_sum3A_57 : vector<256xf32> to vector<1x256xf32>
      %concatenate3A = tpu.concatenate %broadcast_in_dim3A, %broadcast_in_dim3A_58 in 0 : vector<1x256xf32>, vector<1x256xf32> -> vector<2x256xf32>
      %convert_element_type3A_59 = arith.extui %eq3A_53 : i1 to i32
      %cond3A_60 = arith.constant 0 : i32
      %cond3A_61 = arith.cmpi ne, %convert_element_type3A_59, %cond3A_60 : i32
      scf.if %cond3A_61 {
        %swap3A_66 = arith.constant 0 : index
        %swap3A_67 = arith.constant 0 : index
        %swap3A_68 = vector.load %arg20[%swap3A_66, %swap3A_67] : memref<2x256xf32, #tpu.memory_space<vmem>>, vector<2x256xf32>
        tpu.vector_store %arg20[%swap3A_66, %swap3A_67], %concatenate3A {strides = array<i32>} : memref<2x256xf32, #tpu.memory_space<vmem>>, vector<2x256xf32>,
      } else {
      }
      %not3A = arith.constant true
      %not3A_62 = arith.xori %eq3A_53, %not3A : i1
      %convert_element_type3A_63 = arith.extui %not3A_62 : i1 to i32
      %cond3A_64 = arith.constant 0 : i32
      %cond3A_65 = arith.cmpi ne, %convert_element_type3A_63, %cond3A_64 : i32
      scf.if %cond3A_65 {
        %get3A_66 = arith.constant 0 : index
        %get3A_67 = arith.constant 0 : index
        %get3A_68 = vector.load %arg20[%get3A_66, %get3A_67] : memref<2x256xf32, #tpu.memory_space<vmem>>, vector<2x256xf32>
        %add3A_69 = arith.addf %get3A_68, %concatenate3A : vector<2x256xf32>
        %swap3A_70 = arith.constant 0 : index
        %swap3A_71 = arith.constant 0 : index
        %swap3A_72 = vector.load %arg20[%swap3A_70, %swap3A_71] : memref<2x256xf32, #tpu.memory_space<vmem>>, vector<2x256xf32>
        tpu.vector_store %arg20[%swap3A_70, %swap3A_71], %add3A_69 {strides = array<i32>} : memref<2x256xf32, #tpu.memory_space<vmem>>, vector<2x256xf32>,
      } else {
      }
    } else {
    }
    %ge3A = arith.constant 2 : i32
    %ge3A_8 = arith.cmpi sge, %arg0, %ge3A : i32
    %convert_element_type3A_9 = arith.extui %ge3A_8 : i1 to i32
    %cond3A_10 = arith.constant 0 : i32
    %cond3A_11 = arith.cmpi ne, %convert_element_type3A_9, %cond3A_10 : i32
    scf.if %cond3A_11 {
      %get3A = arith.constant 0 : index
      %get3A_12 = arith.constant 0 : index
      %get3A_13 = vector.load %arg20[%get3A, %get3A_12] : memref<2x256xf32, #tpu.memory_space<vmem>>, vector<2x256xf32>
      %get3A_14 = arith.constant 0 : index
      %get3A_15 = arith.constant 0 : index
      %get3A_16 = vector.load %arg10[%get3A_14, %get3A_15] : memref<1x256xf32, #tpu.memory_space<vmem>>, vector<1x256xf32>
      %get3A_17 = arith.constant 0 : index
      %get3A_18 = arith.constant 0 : index
      %get3A_19 = vector.load %arg11[%get3A_17, %get3A_18] : memref<1x256xf32, #tpu.memory_space<vmem>>, vector<1x256xf32>
      %get3A_20 = arith.constant 0 : index
      %get3A_21 = arith.constant 0 : index
      %get3A_22 = vector.load %arg12[%get3A_20, %get3A_21] : memref<1x256xf32, #tpu.memory_space<vmem>>, vector<1x256xf32>
      %get3A_23 = arith.constant 0 : index
      %get3A_24 = arith.constant 0 : index
      %get3A_25 = vector.load %arg13[%get3A_23, %get3A_24] : memref<1x256xf32, #tpu.memory_space<vmem>>, vector<1x256xf32>
      %slice3A = vector.extract_strided_slice %get3A_13 {offsets = [0, 0], sizes = [1, 256], strides = [1, 1]} : vector<2x256xf32> to vector<1x256xf32>
      %mul3A_26 = arith.constant 9.99999974E-5 : f32
      %mul3A_27 = vector.broadcast %mul3A_26 : f32 to vector<1x256xf32>
      %mul3A_28 = arith.mulf %slice3A, %mul3A_27 : vector<1x256xf32>
      %slice3A_29 = vector.extract_strided_slice %get3A_13 {offsets = [1, 0], sizes = [1, 256], strides = [1, 1]} : vector<2x256xf32> to vector<1x256xf32>
      %mul3A_30 = arith.constant 9.99999974E-5 : f32
      %mul3A_31 = vector.broadcast %mul3A_30 : f32 to vector<1x256xf32>
      %mul3A_32 = arith.mulf %slice3A_29, %mul3A_31 : vector<1x256xf32>
      %mul3A_33 = arith.mulf %mul3A_28, %mul3A_28 : vector<1x256xf32>
      %sub3A = arith.subf %mul3A_32, %mul3A_33 : vector<1x256xf32>
      %add3A = arith.constant 9.99999974E-6 : f32
      %add3A_34 = vector.broadcast %add3A : f32 to vector<1x256xf32>
      %add3A_35 = arith.addf %sub3A, %add3A_34 : vector<1x256xf32>
      %sqrt3A = math.sqrt %add3A_35 : vector<1x256xf32>
      %div3A = arith.divf %get3A_16, %sqrt3A : vector<1x256xf32>
      %mul3A_36 = arith.mulf %mul3A_28, %div3A : vector<1x256xf32>
      %sub3A_37 = arith.subf %get3A_19, %mul3A_36 : vector<1x256xf32>
      %mul3A_38 = arith.mulf %div3A, %div3A : vector<1x256xf32>
      %mul3A_39 = arith.mulf %mul3A_38, %sub3A : vector<1x256xf32>
      %add3A_40 = arith.constant 9.99999974E-6 : f32
      %add3A_41 = vector.broadcast %add3A_40 : f32 to vector<1x256xf32>
      %add3A_42 = arith.addf %mul3A_39, %add3A_41 : vector<1x256xf32>
      %sqrt3A_43 = math.sqrt %add3A_42 : vector<1x256xf32>
      %div3A_44 = arith.divf %get3A_22, %sqrt3A_43 : vector<1x256xf32>
      %mul3A_45 = arith.mulf %get3A_19, %div3A_44 : vector<1x256xf32>
      %sub3A_46 = arith.subf %get3A_25, %mul3A_45 : vector<1x256xf32>
      %mul3A_47 = arith.mulf %div3A, %div3A_44 : vector<1x256xf32>
      %mul3A_48 = arith.mulf %sub3A_37, %div3A_44 : vector<1x256xf32>
      %add3A_49 = arith.addf %mul3A_48, %sub3A_46 : vector<1x256xf32>
      %eq3A_50 = arith.constant 2 : i32
      %eq3A_51 = arith.cmpi eq, %arg0, %eq3A_50 : i32
      %jit3A = arith.constant 0 : i32
      %jit3A_52 = arith.constant 128 : i32
      %select_n3A = arith.select %eq3A_51, %jit3A, %jit3A_52 : i32
      %eq3A_53 = arith.constant 2 : i32
      %eq3A_54 = arith.cmpi eq, %arg0, %eq3A_53 : i32
      %slice3A_55 = vector.extract_strided_slice %mul3A_47 {offsets = [0, 0], sizes = [1, 128], strides = [1, 1]} : vector<1x256xf32> to vector<1x128xf32>
      %slice3A_56 = vector.extract_strided_slice %mul3A_47 {offsets = [0, 128], sizes = [1, 128], strides = [1, 1]} : vector<1x256xf32> to vector<1x128xf32>
      %select_n3A_57 = arith.select %eq3A_54, %slice3A_55, %slice3A_56 : vector<1x128xf32>
      %slice3A_58 = vector.extract_strided_slice %add3A_49 {offsets = [0, 0], sizes = [1, 128], strides = [1, 1]} : vector<1x256xf32> to vector<1x128xf32>
      %slice3A_59 = vector.extract_strided_slice %add3A_49 {offsets = [0, 128], sizes = [1, 128], strides = [1, 1]} : vector<1x256xf32> to vector<1x128xf32>
      %select_n3A_60 = arith.select %eq3A_54, %slice3A_58, %slice3A_59 : vector<1x128xf32>
      %get3A_61 = arith.index_cast %mul3A_0 : i32 to index
      %get3A_62 = arith.index_cast %select_n3A : i32 to index
      %get3A_63 = vector.load %arg18[%get3A_61, %get3A_62] : memref<10000x256xf32, #tpu.memory_space<vmem>>, vector<2000x128xf32>
      %mul3A_64 = vector.broadcast %select_n3A_57 : vector<1x128xf32> to vector<2000x128xf32>
      %mul3A_65 = arith.mulf %get3A_63, %mul3A_64 : vector<2000x128xf32>
      %add3A_66 = vector.broadcast %select_n3A_60 : vector<1x128xf32> to vector<2000x128xf32>
      %add3A_67 = arith.addf %mul3A_65, %add3A_66 : vector<2000x128xf32>
      %max3A = arith.constant 0.000000e+00 : f32
      %max3A_68 = vector.broadcast %max3A : f32 to vector<2000x128xf32>
      %max3A_69 = arith.maximumf %add3A_67, %max3A_68 : vector<2000x128xf32>
      %swap3A = arith.constant 0 : index
      %swap3A_70 = arith.constant 0 : index
      %swap3A_71 = vector.load %arg16[%swap3A, %swap3A_70] : memref<2000x128xf32, #tpu.memory_space<vmem>>, vector<2000x128xf32>
      tpu.vector_store %arg16[%swap3A, %swap3A_70], %max3A_69 {strides = array<i32>} : memref<2000x128xf32, #tpu.memory_space<vmem>>, vector<2000x128xf32>,
    } else {
    }
    return
  }
  func.func @transform_0(%arg0: i32, %arg1: i32) -> (i32, i32) {
    %eq3A = arith.constant 0 : i32
    %eq3A_0 = arith.cmpi eq, %arg0, %eq3A : i32
    %jit3A = arith.constant 4 : i32
    %select_n3A = arith.select %eq3A_0, %arg1, %jit3A : i32
    %c0_i32 = arith.constant 0 : i32
    %c0_i32_1 = arith.constant 0 : i32
    return %select_n3A, %c0_i32 : i32, i32
  }
  func.func @transform_1(%arg0: i32, %arg1: i32) -> (i32, i32) {
    %eq3A = arith.constant 0 : i32
    %eq3A_0 = arith.cmpi eq, %arg0, %eq3A : i32
    %jit3A = arith.constant 4 : i32
    %select_n3A = arith.select %eq3A_0, %arg1, %jit3A : i32
    %add3A = arith.constant 5 : i32
    %add3A_1 = arith.addi %select_n3A, %add3A : i32
    %c0_i32 = arith.constant 0 : i32
    %c0_i32_2 = arith.constant 0 : i32
    return %add3A_1, %c0_i32 : i32, i32
  }
  func.func @transform_2(%arg0: i32, %arg1: i32) -> (i32, i32) {
    %c0_i32 = arith.constant 0 : i32
    %c0_i32_0 = arith.constant 0 : i32
    %c0_i32_1 = arith.constant 0 : i32
    return %c0_i32, %c0_i32_0 : i32, i32
  }
  func.func @transform_3(%arg0: i32, %arg1: i32) -> (i32, i32) {
    %c0_i32 = arith.constant 0 : i32
    %c0_i32_0 = arith.constant 0 : i32
    %c0_i32_1 = arith.constant 0 : i32
    return %c0_i32, %c0_i32_0 : i32, i32
  }
  func.func @transform_4(%arg0: i32, %arg1: i32) -> (i32, i32) {
    %c0_i32 = arith.constant 0 : i32
    %c0_i32_0 = arith.constant 0 : i32
    %c0_i32_1 = arith.constant 0 : i32
    return %c0_i32, %c0_i32_0 : i32, i32
  }
  func.func @transform_5(%arg0: i32, %arg1: i32) -> (i32, i32) {
    %c0_i32 = arith.constant 0 : i32
    %c0_i32_0 = arith.constant 0 : i32
    %c0_i32_1 = arith.constant 0 : i32
    return %c0_i32, %c0_i32_0 : i32, i32
  }
  func.func @transform_6(%arg0: i32, %arg1: i32) -> (i32, i32) {
    %c0_i32 = arith.constant 0 : i32
    %c0_i32_0 = arith.constant 0 : i32
    %c0_i32_1 = arith.constant 0 : i32
    return %c0_i32, %c0_i32_0 : i32, i32
  }
  func.func @transform_7(%arg0: i32, %arg1: i32) -> (i32, i32) {
    %c0_i32 = arith.constant 0 : i32
    %c0_i32_0 = arith.constant 0 : i32
    %c0_i32_1 = arith.constant 0 : i32
    return %c0_i32, %c0_i32_0 : i32, i32
  }
  func.func @transform_8(%arg0: i32, %arg1: i32) -> (i32, i32) {
    %c0_i32 = arith.constant 0 : i32
    %c0_i32_0 = arith.constant 0 : i32
    %c0_i32_1 = arith.constant 0 : i32
    return %c0_i32, %c0_i32_0 : i32, i32
  }
  func.func @transform_9(%arg0: i32, %arg1: i32) -> (i32, i32) {
    %c0_i32 = arith.constant 0 : i32
    %c0_i32_0 = arith.constant 0 : i32
    %c0_i32_1 = arith.constant 0 : i32
    return %c0_i32, %c0_i32_0 : i32, i32
  }
  func.func @transform_10(%arg0: i32, %arg1: i32) -> (i32, i32) {
    %c0_i32 = arith.constant 0 : i32
    %c0_i32_0 = arith.constant 0 : i32
    %c0_i32_1 = arith.constant 0 : i32
    return %c0_i32, %c0_i32_0 : i32, i32
  }
  func.func @transform_11(%arg0: i32, %arg1: i32) -> (i32, i32) {
    %c0_i32 = arith.constant 0 : i32
    %c0_i32_0 = arith.constant 0 : i32
    %c0_i32_1 = arith.constant 0 : i32
    return %c0_i32, %c0_i32_0 : i32, i32
  }
  func.func @transform_12(%arg0: i32, %arg1: i32) -> (i32, i32) {
    %c0_i32 = arith.constant 0 : i32
    %c0_i32_0 = arith.constant 0 : i32
    %c0_i32_1 = arith.constant 0 : i32
    return %c0_i32, %c0_i32_0 : i32, i32
  }
  func.func @transform_13(%arg0: i32, %arg1: i32) -> (i32, i32) {
    %c0_i32 = arith.constant 0 : i32
    %c0_i32_0 = arith.constant 0 : i32
    %c0_i32_1 = arith.constant 0 : i32
    return %c0_i32, %c0_i32_0 : i32, i32
  }
  func.func @transform_14(%arg0: i32, %arg1: i32) -> (i32, i32) {
    %lt3A = arith.constant 2 : i32
    %lt3A_0 = arith.cmpi slt, %arg0, %lt3A : i32
    %sub3A = arith.constant 2 : i32
    %sub3A_1 = arith.subi %arg0, %sub3A : i32
    %mul3A = arith.constant 5 : i32
    %mul3A_2 = arith.muli %sub3A_1, %mul3A : i32
    %add3A = arith.addi %mul3A_2, %arg1 : i32
    %jit3A = arith.constant 0 : i32
    %select_n3A = arith.select %lt3A_0, %jit3A, %add3A : i32
    %c0_i32 = arith.constant 0 : i32
    %c0_i32_3 = arith.constant 0 : i32
    return %select_n3A, %c0_i32 : i32, i32
  }
}

module attributes {stable_mosaic.version = 14 : i64} {
  func.func @_layer_body(%arg0: i32, %arg1: i32, %arg2: memref<2000x128xf32, #tpu.memory_space<vmem>>, %arg3: memref<2000x128xf32, #tpu.memory_space<vmem>>, %arg4: memref<256x256xf32, #tpu.memory_space<vmem>>, %arg5: memref<1x256xf32, #tpu.memory_space<vmem>>, %arg6: memref<1x256xf32, #tpu.memory_space<vmem>>, %arg7: memref<1x256xf32, #tpu.memory_space<vmem>>, %arg8: memref<256x256xf32, #tpu.memory_space<vmem>>, %arg9: memref<1x256xf32, #tpu.memory_space<vmem>>, %arg10: memref<1x256xf32, #tpu.memory_space<vmem>>, %arg11: memref<1x256xf32, #tpu.memory_space<vmem>>, %arg12: memref<1x256xf32, #tpu.memory_space<vmem>>, %arg13: memref<1x256xf32, #tpu.memory_space<vmem>>, %arg14: memref<256x256xf32, #tpu.memory_space<vmem>>, %arg15: memref<1x256xf32, #tpu.memory_space<vmem>>, %arg16: memref<2000x256xf32, #tpu.memory_space<vmem>>, %arg17: memref<10000x256xf32, #tpu.memory_space<vmem>>, %arg18: memref<10000x256xf32, #tpu.memory_space<vmem>>, %arg19: memref<2x256xf32, #tpu.memory_space<vmem>>, %arg20: memref<2x256xf32, #tpu.memory_space<vmem>>) attributes {dimension_semantics = [#tpu.dimension_semantics<arbitrary>, #tpu.dimension_semantics<arbitrary>], iteration_bounds = array<i64: 3, 5>, scalar_prefetch = 0 : i64, scratch_operands = 4 : i64, tpu.core_type = #tpu.core_type<tc>, window_params = [{transform_indices = @transform_0, window_bounds = array<i64: 2000, 128>}, {transform_indices = @transform_1, window_bounds = array<i64: 2000, 128>}, {pipeline_mode = #tpu.pipeline_mode<synchronous>, transform_indices = @transform_2, window_bounds = array<i64: 256, 256>}, {pipeline_mode = #tpu.pipeline_mode<synchronous>, transform_indices = @transform_3, window_bounds = array<i64: 1, 256>}, {pipeline_mode = #tpu.pipeline_mode<synchronous>, transform_indices = @transform_4, window_bounds = array<i64: 1, 256>}, {pipeline_mode = #tpu.pipeline_mode<synchronous>, transform_indices = @transform_5, window_bounds = array<i64: 1, 256>}, {pipeline_mode = #tpu.pipeline_mode<synchronous>, transform_indices = @transform_6, window_bounds = array<i64: 256, 256>}, {pipeline_mode = #tpu.pipeline_mode<synchronous>, transform_indices = @transform_7, window_bounds = array<i64: 1, 256>}, {pipeline_mode = #tpu.pipeline_mode<synchronous>, transform_indices = @transform_8, window_bounds = array<i64: 1, 256>}, {pipeline_mode = #tpu.pipeline_mode<synchronous>, transform_indices = @transform_9, window_bounds = array<i64: 1, 256>}, {pipeline_mode = #tpu.pipeline_mode<synchronous>, transform_indices = @transform_10, window_bounds = array<i64: 1, 256>}, {pipeline_mode = #tpu.pipeline_mode<synchronous>, transform_indices = @transform_11, window_bounds = array<i64: 1, 256>}, {pipeline_mode = #tpu.pipeline_mode<synchronous>, transform_indices = @transform_12, window_bounds = array<i64: 256, 256>}, {pipeline_mode = #tpu.pipeline_mode<synchronous>, transform_indices = @transform_13, window_bounds = array<i64: 1, 256>}, {transform_indices = @transform_14, window_bounds = array<i64: 2000, 256>}]} {
    %mul3A = arith.constant 2000 : i32
    %mul3A_0 = arith.muli %arg1, %mul3A : i32
    %eq3A = arith.constant 0 : i32
    %eq3A_1 = arith.cmpi eq, %arg0, %eq3A : i32
    %convert_element_type3A = arith.extui %eq3A_1 : i1 to i32
    %cond3A = arith.constant 0 : i32
    %cond3A_2 = arith.cmpi ne, %convert_element_type3A, %cond3A : i32
    scf.if %cond3A_2 {
      %get3A = arith.constant 0 : index
      %get3A_13 = arith.constant 0 : index
      %get3A_14 = vector.load %arg2[%get3A, %get3A_13] : memref<2000x128xf32, #tpu.memory_space<vmem>>, vector<2000x128xf32>
      %get3A_15 = arith.constant 0 : index
      %get3A_16 = arith.constant 0 : index
      %get3A_17 = vector.load %arg4[%get3A_15, %get3A_16] : memref<256x256xf32, #tpu.memory_space<vmem>>, vector<256x128xf32>
      %dot_general3A = arith.constant dense<0.000000e+00> : vector<2000x256xf32>
      %dot_general3A_18 = tpu.matmul %get3A_14, %get3A_17, %dot_general3A {dimension_numbers = #tpu.dot_dimension_numbers<[1], [1], [0], [0], [0, 0, 1, 0], [], []>, transpose_lhs_hint = false} : vector<2000x128xf32>, vector<256x128xf32>, vector<2000x256xf32> -> vector<2000x256xf32>
      %get3A_19 = arith.constant 0 : index
      %get3A_20 = arith.constant 0 : index
      %get3A_21 = vector.load %arg3[%get3A_19, %get3A_20] : memref<2000x128xf32, #tpu.memory_space<vmem>>, vector<2000x128xf32>
      %get3A_22 = arith.constant 0 : index
      %get3A_23 = arith.constant 128 : index
      %get3A_24 = vector.load %arg4[%get3A_22, %get3A_23] : memref<256x256xf32, #tpu.memory_space<vmem>>, vector<256x128xf32>
      %dot_general3A_25 = arith.constant dense<0.000000e+00> : vector<2000x256xf32>
      %dot_general3A_26 = tpu.matmul %get3A_21, %get3A_24, %dot_general3A_25 {dimension_numbers = #tpu.dot_dimension_numbers<[1], [1], [0], [0], [0, 0, 1, 0], [], []>, transpose_lhs_hint = false} : vector<2000x128xf32>, vector<256x128xf32>, vector<2000x256xf32> -> vector<2000x256xf32>
      %add3A = arith.addf %dot_general3A_18, %dot_general3A_26 : vector<2000x256xf32>
      %get3A_27 = arith.constant 0 : index
      %get3A_28 = arith.constant 0 : index
      %get3A_29 = vector.load %arg5[%get3A_27, %get3A_28] : memref<1x256xf32, #tpu.memory_space<vmem>>, vector<1x256xf32>
      %add3A_30 = vector.broadcast %get3A_29 : vector<1x256xf32> to vector<2000x256xf32>
      %add3A_31 = arith.addf %add3A, %add3A_30 : vector<2000x256xf32>
      %swap3A = arith.index_cast %mul3A_0 : i32 to index
      %swap3A_32 = arith.constant 0 : index
      %swap3A_33 = vector.load %arg17[%swap3A, %swap3A_32] : memref<10000x256xf32, #tpu.memory_space<vmem>>, vector<2000x256xf32>
      tpu.vector_store %arg17[%swap3A, %swap3A_32], %add3A_31 {strides = array<i32>} : memref<10000x256xf32, #tpu.memory_space<vmem>>, vector<2000x256xf32>,
      %eq3A_34 = arith.constant 0 : i32
      %eq3A_35 = arith.cmpi eq, %arg1, %eq3A_34 : i32
      %reduce_sum3A = arith.constant dense<0.000000e+00> : vector<256xf32>
      %reduce_sum3A_36 = vector.multi_reduction <add>, %add3A_31, %reduce_sum3A [0] : vector<2000x256xf32> to vector<256xf32>
      %broadcast_in_dim3A = vector.shape_cast %reduce_sum3A_36 : vector<256xf32> to vector<1x256xf32>
      %mul3A_37 = arith.mulf %add3A_31, %add3A_31 : vector<2000x256xf32>
      %reduce_sum3A_38 = arith.constant dense<0.000000e+00> : vector<256xf32>
      %reduce_sum3A_39 = vector.multi_reduction <add>, %mul3A_37, %reduce_sum3A_38 [0] : vector<2000x256xf32> to vector<256xf32>
      %broadcast_in_dim3A_40 = vector.shape_cast %reduce_sum3A_39 : vector<256xf32> to vector<1x256xf32>
      %concatenate3A = tpu.concatenate %broadcast_in_dim3A, %broadcast_in_dim3A_40 in 0 : vector<1x256xf32>, vector<1x256xf32> -> vector<2x256xf32>
      %convert_element_type3A_41 = arith.extui %eq3A_35 : i1 to i32
      %cond3A_42 = arith.constant 0 : i32
      %cond3A_43 = arith.cmpi ne, %convert_element_type3A_41, %cond3A_42 : i32
      scf.if %cond3A_43 {
        %swap3A_48 = arith.constant 0 : index
        %swap3A_49 = arith.constant 0 : index
        %swap3A_50 = vector.load %arg19[%swap3A_48, %swap3A_49] : memref<2x256xf32, #tpu.memory_space<vmem>>, vector<2x256xf32>
        tpu.vector_store %arg19[%swap3A_48, %swap3A_49], %concatenate3A {strides = array<i32>} : memref<2x256xf32, #tpu.memory_space<vmem>>, vector<2x256xf32>,
      } else {
      }
      %not3A = arith.constant true
      %not3A_44 = arith.xori %eq3A_35, %not3A : i1
      %convert_element_type3A_45 = arith.extui %not3A_44 : i1 to i32
      %cond3A_46 = arith.constant 0 : i32
      %cond3A_47 = arith.cmpi ne, %convert_element_type3A_45, %cond3A_46 : i32
      scf.if %cond3A_47 {
        %get3A_48 = arith.constant 0 : index
        %get3A_49 = arith.constant 0 : index
        %get3A_50 = vector.load %arg19[%get3A_48, %get3A_49] : memref<2x256xf32, #tpu.memory_space<vmem>>, vector<2x256xf32>
        %add3A_51 = arith.addf %get3A_50, %concatenate3A : vector<2x256xf32>
        %swap3A_52 = arith.constant 0 : index
        %swap3A_53 = arith.constant 0 : index
        %swap3A_54 = vector.load %arg19[%swap3A_52, %swap3A_53] : memref<2x256xf32, #tpu.memory_space<vmem>>, vector<2x256xf32>
        tpu.vector_store %arg19[%swap3A_52, %swap3A_53], %add3A_51 {strides = array<i32>} : memref<2x256xf32, #tpu.memory_space<vmem>>, vector<2x256xf32>,
      } else {
      }
    } else {
    }
    %eq3A_3 = arith.constant 1 : i32
    %eq3A_4 = arith.cmpi eq, %arg0, %eq3A_3 : i32
    %convert_element_type3A_5 = arith.extui %eq3A_4 : i1 to i32
    %cond3A_6 = arith.constant 0 : i32
    %cond3A_7 = arith.cmpi ne, %convert_element_type3A_5, %cond3A_6 : i32
    scf.if %cond3A_7 {
      %get3A = arith.constant 0 : index
      %get3A_13 = arith.constant 0 : index
      %get3A_14 = vector.load %arg19[%get3A, %get3A_13] : memref<2x256xf32, #tpu.memory_space<vmem>>, vector<2x256xf32>
      %get3A_15 = arith.constant 0 : index
      %get3A_16 = arith.constant 0 : index
      %get3A_17 = vector.load %arg6[%get3A_15, %get3A_16] : memref<1x256xf32, #tpu.memory_space<vmem>>, vector<1x256xf32>
      %get3A_18 = arith.constant 0 : index
      %get3A_19 = arith.constant 0 : index
      %get3A_20 = vector.load %arg7[%get3A_18, %get3A_19] : memref<1x256xf32, #tpu.memory_space<vmem>>, vector<1x256xf32>
      %slice3A = vector.extract_strided_slice %get3A_14 {offsets = [0, 0], sizes = [1, 256], strides = [1, 1]} : vector<2x256xf32> to vector<1x256xf32>
      %mul3A_21 = arith.constant 9.99999974E-5 : f32
      %mul3A_22 = vector.broadcast %mul3A_21 : f32 to vector<1x256xf32>
      %mul3A_23 = arith.mulf %slice3A, %mul3A_22 : vector<1x256xf32>
      %slice3A_24 = vector.extract_strided_slice %get3A_14 {offsets = [1, 0], sizes = [1, 256], strides = [1, 1]} : vector<2x256xf32> to vector<1x256xf32>
      %mul3A_25 = arith.constant 9.99999974E-5 : f32
      %mul3A_26 = vector.broadcast %mul3A_25 : f32 to vector<1x256xf32>
      %mul3A_27 = arith.mulf %slice3A_24, %mul3A_26 : vector<1x256xf32>
      %mul3A_28 = arith.mulf %mul3A_23, %mul3A_23 : vector<1x256xf32>
      %sub3A = arith.subf %mul3A_27, %mul3A_28 : vector<1x256xf32>
      %add3A = arith.constant 9.99999974E-6 : f32
      %add3A_29 = vector.broadcast %add3A : f32 to vector<1x256xf32>
      %add3A_30 = arith.addf %sub3A, %add3A_29 : vector<1x256xf32>
      %sqrt3A = math.sqrt %add3A_30 : vector<1x256xf32>
      %div3A = arith.divf %get3A_17, %sqrt3A : vector<1x256xf32>
      %mul3A_31 = arith.mulf %mul3A_23, %div3A : vector<1x256xf32>
      %sub3A_32 = arith.subf %get3A_20, %mul3A_31 : vector<1x256xf32>
      %get3A_33 = arith.index_cast %mul3A_0 : i32 to index
      %get3A_34 = arith.constant 0 : index
      %get3A_35 = vector.load %arg17[%get3A_33, %get3A_34] : memref<10000x256xf32, #tpu.memory_space<vmem>>, vector<2000x256xf32>
      %mul3A_36 = vector.broadcast %div3A : vector<1x256xf32> to vector<2000x256xf32>
      %mul3A_37 = arith.mulf %get3A_35, %mul3A_36 : vector<2000x256xf32>
      %add3A_38 = vector.broadcast %sub3A_32 : vector<1x256xf32> to vector<2000x256xf32>
      %add3A_39 = arith.addf %mul3A_37, %add3A_38 : vector<2000x256xf32>
      %max3A = arith.constant 0.000000e+00 : f32
      %max3A_40 = vector.broadcast %max3A : f32 to vector<2000x256xf32>
      %max3A_41 = arith.maximumf %add3A_39, %max3A_40 : vector<2000x256xf32>
      %get3A_42 = arith.constant 0 : index
      %get3A_43 = arith.constant 0 : index
      %get3A_44 = vector.load %arg8[%get3A_42, %get3A_43] : memref<256x256xf32, #tpu.memory_space<vmem>>, vector<256x256xf32>
      %dot_general3A = arith.constant dense<0.000000e+00> : vector<2000x256xf32>
      %dot_general3A_45 = tpu.matmul %max3A_41, %get3A_44, %dot_general3A {dimension_numbers = #tpu.dot_dimension_numbers<[1], [1], [0], [0], [0, 0, 1, 0], [], []>, transpose_lhs_hint = false} : vector<2000x256xf32>, vector<256x256xf32>, vector<2000x256xf32> -> vector<2000x256xf32>
      %get3A_46 = arith.constant 0 : index
      %get3A_47 = arith.constant 0 : index
      %get3A_48 = vector.load %arg9[%get3A_46, %get3A_47] : memref<1x256xf32, #tpu.memory_space<vmem>>, vector<1x256xf32>
      %add3A_49 = vector.broadcast %get3A_48 : vector<1x256xf32> to vector<2000x256xf32>
      %add3A_50 = arith.addf %dot_general3A_45, %add3A_49 : vector<2000x256xf32>
      %swap3A = arith.index_cast %mul3A_0 : i32 to index
      %swap3A_51 = arith.constant 0 : index
      %swap3A_52 = vector.load %arg18[%swap3A, %swap3A_51] : memref<10000x256xf32, #tpu.memory_space<vmem>>, vector<2000x256xf32>
      tpu.vector_store %arg18[%swap3A, %swap3A_51], %add3A_50 {strides = array<i32>} : memref<10000x256xf32, #tpu.memory_space<vmem>>, vector<2000x256xf32>,
      %eq3A_53 = arith.constant 0 : i32
      %eq3A_54 = arith.cmpi eq, %arg1, %eq3A_53 : i32
      %reduce_sum3A = arith.constant dense<0.000000e+00> : vector<256xf32>
      %reduce_sum3A_55 = vector.multi_reduction <add>, %add3A_50, %reduce_sum3A [0] : vector<2000x256xf32> to vector<256xf32>
      %broadcast_in_dim3A = vector.shape_cast %reduce_sum3A_55 : vector<256xf32> to vector<1x256xf32>
      %mul3A_56 = arith.mulf %add3A_50, %add3A_50 : vector<2000x256xf32>
      %reduce_sum3A_57 = arith.constant dense<0.000000e+00> : vector<256xf32>
      %reduce_sum3A_58 = vector.multi_reduction <add>, %mul3A_56, %reduce_sum3A_57 [0] : vector<2000x256xf32> to vector<256xf32>
      %broadcast_in_dim3A_59 = vector.shape_cast %reduce_sum3A_58 : vector<256xf32> to vector<1x256xf32>
      %concatenate3A = tpu.concatenate %broadcast_in_dim3A, %broadcast_in_dim3A_59 in 0 : vector<1x256xf32>, vector<1x256xf32> -> vector<2x256xf32>
      %convert_element_type3A_60 = arith.extui %eq3A_54 : i1 to i32
      %cond3A_61 = arith.constant 0 : i32
      %cond3A_62 = arith.cmpi ne, %convert_element_type3A_60, %cond3A_61 : i32
      scf.if %cond3A_62 {
        %swap3A_67 = arith.constant 0 : index
        %swap3A_68 = arith.constant 0 : index
        %swap3A_69 = vector.load %arg20[%swap3A_67, %swap3A_68] : memref<2x256xf32, #tpu.memory_space<vmem>>, vector<2x256xf32>
        tpu.vector_store %arg20[%swap3A_67, %swap3A_68], %concatenate3A {strides = array<i32>} : memref<2x256xf32, #tpu.memory_space<vmem>>, vector<2x256xf32>,
      } else {
      }
      %not3A = arith.constant true
      %not3A_63 = arith.xori %eq3A_54, %not3A : i1
      %convert_element_type3A_64 = arith.extui %not3A_63 : i1 to i32
      %cond3A_65 = arith.constant 0 : i32
      %cond3A_66 = arith.cmpi ne, %convert_element_type3A_64, %cond3A_65 : i32
      scf.if %cond3A_66 {
        %get3A_67 = arith.constant 0 : index
        %get3A_68 = arith.constant 0 : index
        %get3A_69 = vector.load %arg20[%get3A_67, %get3A_68] : memref<2x256xf32, #tpu.memory_space<vmem>>, vector<2x256xf32>
        %add3A_70 = arith.addf %get3A_69, %concatenate3A : vector<2x256xf32>
        %swap3A_71 = arith.constant 0 : index
        %swap3A_72 = arith.constant 0 : index
        %swap3A_73 = vector.load %arg20[%swap3A_71, %swap3A_72] : memref<2x256xf32, #tpu.memory_space<vmem>>, vector<2x256xf32>
        tpu.vector_store %arg20[%swap3A_71, %swap3A_72], %add3A_70 {strides = array<i32>} : memref<2x256xf32, #tpu.memory_space<vmem>>, vector<2x256xf32>,
      } else {
      }
    } else {
    }
    %eq3A_8 = arith.constant 2 : i32
    %eq3A_9 = arith.cmpi eq, %arg0, %eq3A_8 : i32
    %convert_element_type3A_10 = arith.extui %eq3A_9 : i1 to i32
    %cond3A_11 = arith.constant 0 : i32
    %cond3A_12 = arith.cmpi ne, %convert_element_type3A_10, %cond3A_11 : i32
    scf.if %cond3A_12 {
      %get3A = arith.constant 0 : index
      %get3A_13 = arith.constant 0 : index
      %get3A_14 = vector.load %arg20[%get3A, %get3A_13] : memref<2x256xf32, #tpu.memory_space<vmem>>, vector<2x256xf32>
      %get3A_15 = arith.constant 0 : index
      %get3A_16 = arith.constant 0 : index
      %get3A_17 = vector.load %arg10[%get3A_15, %get3A_16] : memref<1x256xf32, #tpu.memory_space<vmem>>, vector<1x256xf32>
      %get3A_18 = arith.constant 0 : index
      %get3A_19 = arith.constant 0 : index
      %get3A_20 = vector.load %arg11[%get3A_18, %get3A_19] : memref<1x256xf32, #tpu.memory_space<vmem>>, vector<1x256xf32>
      %get3A_21 = arith.constant 0 : index
      %get3A_22 = arith.constant 0 : index
      %get3A_23 = vector.load %arg12[%get3A_21, %get3A_22] : memref<1x256xf32, #tpu.memory_space<vmem>>, vector<1x256xf32>
      %get3A_24 = arith.constant 0 : index
      %get3A_25 = arith.constant 0 : index
      %get3A_26 = vector.load %arg13[%get3A_24, %get3A_25] : memref<1x256xf32, #tpu.memory_space<vmem>>, vector<1x256xf32>
      %slice3A = vector.extract_strided_slice %get3A_14 {offsets = [0, 0], sizes = [1, 256], strides = [1, 1]} : vector<2x256xf32> to vector<1x256xf32>
      %mul3A_27 = arith.constant 9.99999974E-5 : f32
      %mul3A_28 = vector.broadcast %mul3A_27 : f32 to vector<1x256xf32>
      %mul3A_29 = arith.mulf %slice3A, %mul3A_28 : vector<1x256xf32>
      %slice3A_30 = vector.extract_strided_slice %get3A_14 {offsets = [1, 0], sizes = [1, 256], strides = [1, 1]} : vector<2x256xf32> to vector<1x256xf32>
      %mul3A_31 = arith.constant 9.99999974E-5 : f32
      %mul3A_32 = vector.broadcast %mul3A_31 : f32 to vector<1x256xf32>
      %mul3A_33 = arith.mulf %slice3A_30, %mul3A_32 : vector<1x256xf32>
      %mul3A_34 = arith.mulf %mul3A_29, %mul3A_29 : vector<1x256xf32>
      %sub3A = arith.subf %mul3A_33, %mul3A_34 : vector<1x256xf32>
      %add3A = arith.constant 9.99999974E-6 : f32
      %add3A_35 = vector.broadcast %add3A : f32 to vector<1x256xf32>
      %add3A_36 = arith.addf %sub3A, %add3A_35 : vector<1x256xf32>
      %sqrt3A = math.sqrt %add3A_36 : vector<1x256xf32>
      %div3A = arith.divf %get3A_17, %sqrt3A : vector<1x256xf32>
      %mul3A_37 = arith.mulf %mul3A_29, %div3A : vector<1x256xf32>
      %sub3A_38 = arith.subf %get3A_20, %mul3A_37 : vector<1x256xf32>
      %mul3A_39 = arith.mulf %div3A, %div3A : vector<1x256xf32>
      %mul3A_40 = arith.mulf %mul3A_39, %sub3A : vector<1x256xf32>
      %add3A_41 = arith.constant 9.99999974E-6 : f32
      %add3A_42 = vector.broadcast %add3A_41 : f32 to vector<1x256xf32>
      %add3A_43 = arith.addf %mul3A_40, %add3A_42 : vector<1x256xf32>
      %sqrt3A_44 = math.sqrt %add3A_43 : vector<1x256xf32>
      %div3A_45 = arith.divf %get3A_23, %sqrt3A_44 : vector<1x256xf32>
      %mul3A_46 = arith.mulf %get3A_20, %div3A_45 : vector<1x256xf32>
      %sub3A_47 = arith.subf %get3A_26, %mul3A_46 : vector<1x256xf32>
      %mul3A_48 = arith.mulf %div3A, %div3A_45 : vector<1x256xf32>
      %mul3A_49 = arith.mulf %sub3A_38, %div3A_45 : vector<1x256xf32>
      %add3A_50 = arith.addf %mul3A_49, %sub3A_47 : vector<1x256xf32>
      %get3A_51 = arith.index_cast %mul3A_0 : i32 to index
      %get3A_52 = arith.constant 0 : index
      %get3A_53 = vector.load %arg18[%get3A_51, %get3A_52] : memref<10000x256xf32, #tpu.memory_space<vmem>>, vector<2000x256xf32>
      %mul3A_54 = vector.broadcast %mul3A_48 : vector<1x256xf32> to vector<2000x256xf32>
      %mul3A_55 = arith.mulf %get3A_53, %mul3A_54 : vector<2000x256xf32>
      %add3A_56 = vector.broadcast %add3A_50 : vector<1x256xf32> to vector<2000x256xf32>
      %add3A_57 = arith.addf %mul3A_55, %add3A_56 : vector<2000x256xf32>
      %max3A = arith.constant 0.000000e+00 : f32
      %max3A_58 = vector.broadcast %max3A : f32 to vector<2000x256xf32>
      %max3A_59 = arith.maximumf %add3A_57, %max3A_58 : vector<2000x256xf32>
      %get3A_60 = arith.constant 0 : index
      %get3A_61 = arith.constant 0 : index
      %get3A_62 = vector.load %arg14[%get3A_60, %get3A_61] : memref<256x256xf32, #tpu.memory_space<vmem>>, vector<256x256xf32>
      %dot_general3A = arith.constant dense<0.000000e+00> : vector<2000x256xf32>
      %dot_general3A_63 = tpu.matmul %max3A_59, %get3A_62, %dot_general3A {dimension_numbers = #tpu.dot_dimension_numbers<[1], [1], [0], [0], [0, 0, 1, 0], [], []>, transpose_lhs_hint = false} : vector<2000x256xf32>, vector<256x256xf32>, vector<2000x256xf32> -> vector<2000x256xf32>
      %get3A_64 = arith.constant 0 : index
      %get3A_65 = arith.constant 0 : index
      %get3A_66 = vector.load %arg15[%get3A_64, %get3A_65] : memref<1x256xf32, #tpu.memory_space<vmem>>, vector<1x256xf32>
      %add3A_67 = vector.broadcast %get3A_66 : vector<1x256xf32> to vector<2000x256xf32>
      %add3A_68 = arith.addf %dot_general3A_63, %add3A_67 : vector<2000x256xf32>
      %swap3A = arith.constant 0 : index
      %swap3A_69 = arith.constant 0 : index
      %swap3A_70 = vector.load %arg16[%swap3A, %swap3A_69] : memref<2000x256xf32, #tpu.memory_space<vmem>>, vector<2000x256xf32>
      tpu.vector_store %arg16[%swap3A, %swap3A_69], %add3A_68 {strides = array<i32>} : memref<2000x256xf32, #tpu.memory_space<vmem>>, vector<2000x256xf32>,
    } else {
    }
    return
  }
  func.func @transform_0(%arg0: i32, %arg1: i32) -> (i32, i32) {
    %eq3A = arith.constant 0 : i32
    %eq3A_0 = arith.cmpi eq, %arg0, %eq3A : i32
    %jit3A = arith.constant 4 : i32
    %select_n3A = arith.select %eq3A_0, %arg1, %jit3A : i32
    %c0_i32 = arith.constant 0 : i32
    %c0_i32_1 = arith.constant 0 : i32
    return %select_n3A, %c0_i32 : i32, i32
  }
  func.func @transform_1(%arg0: i32, %arg1: i32) -> (i32, i32) {
    %eq3A = arith.constant 0 : i32
    %eq3A_0 = arith.cmpi eq, %arg0, %eq3A : i32
    %jit3A = arith.constant 4 : i32
    %select_n3A = arith.select %eq3A_0, %arg1, %jit3A : i32
    %add3A = arith.constant 5 : i32
    %add3A_1 = arith.addi %select_n3A, %add3A : i32
    %c0_i32 = arith.constant 0 : i32
    %c0_i32_2 = arith.constant 0 : i32
    return %add3A_1, %c0_i32 : i32, i32
  }
  func.func @transform_2(%arg0: i32, %arg1: i32) -> (i32, i32) {
    %c0_i32 = arith.constant 0 : i32
    %c0_i32_0 = arith.constant 0 : i32
    %c0_i32_1 = arith.constant 0 : i32
    return %c0_i32, %c0_i32_0 : i32, i32
  }
  func.func @transform_3(%arg0: i32, %arg1: i32) -> (i32, i32) {
    %c0_i32 = arith.constant 0 : i32
    %c0_i32_0 = arith.constant 0 : i32
    %c0_i32_1 = arith.constant 0 : i32
    return %c0_i32, %c0_i32_0 : i32, i32
  }
  func.func @transform_4(%arg0: i32, %arg1: i32) -> (i32, i32) {
    %c0_i32 = arith.constant 0 : i32
    %c0_i32_0 = arith.constant 0 : i32
    %c0_i32_1 = arith.constant 0 : i32
    return %c0_i32, %c0_i32_0 : i32, i32
  }
  func.func @transform_5(%arg0: i32, %arg1: i32) -> (i32, i32) {
    %c0_i32 = arith.constant 0 : i32
    %c0_i32_0 = arith.constant 0 : i32
    %c0_i32_1 = arith.constant 0 : i32
    return %c0_i32, %c0_i32_0 : i32, i32
  }
  func.func @transform_6(%arg0: i32, %arg1: i32) -> (i32, i32) {
    %c0_i32 = arith.constant 0 : i32
    %c0_i32_0 = arith.constant 0 : i32
    %c0_i32_1 = arith.constant 0 : i32
    return %c0_i32, %c0_i32_0 : i32, i32
  }
  func.func @transform_7(%arg0: i32, %arg1: i32) -> (i32, i32) {
    %c0_i32 = arith.constant 0 : i32
    %c0_i32_0 = arith.constant 0 : i32
    %c0_i32_1 = arith.constant 0 : i32
    return %c0_i32, %c0_i32_0 : i32, i32
  }
  func.func @transform_8(%arg0: i32, %arg1: i32) -> (i32, i32) {
    %c0_i32 = arith.constant 0 : i32
    %c0_i32_0 = arith.constant 0 : i32
    %c0_i32_1 = arith.constant 0 : i32
    return %c0_i32, %c0_i32_0 : i32, i32
  }
  func.func @transform_9(%arg0: i32, %arg1: i32) -> (i32, i32) {
    %c0_i32 = arith.constant 0 : i32
    %c0_i32_0 = arith.constant 0 : i32
    %c0_i32_1 = arith.constant 0 : i32
    return %c0_i32, %c0_i32_0 : i32, i32
  }
  func.func @transform_10(%arg0: i32, %arg1: i32) -> (i32, i32) {
    %c0_i32 = arith.constant 0 : i32
    %c0_i32_0 = arith.constant 0 : i32
    %c0_i32_1 = arith.constant 0 : i32
    return %c0_i32, %c0_i32_0 : i32, i32
  }
  func.func @transform_11(%arg0: i32, %arg1: i32) -> (i32, i32) {
    %c0_i32 = arith.constant 0 : i32
    %c0_i32_0 = arith.constant 0 : i32
    %c0_i32_1 = arith.constant 0 : i32
    return %c0_i32, %c0_i32_0 : i32, i32
  }
  func.func @transform_12(%arg0: i32, %arg1: i32) -> (i32, i32) {
    %c0_i32 = arith.constant 0 : i32
    %c0_i32_0 = arith.constant 0 : i32
    %c0_i32_1 = arith.constant 0 : i32
    return %c0_i32, %c0_i32_0 : i32, i32
  }
  func.func @transform_13(%arg0: i32, %arg1: i32) -> (i32, i32) {
    %c0_i32 = arith.constant 0 : i32
    %c0_i32_0 = arith.constant 0 : i32
    %c0_i32_1 = arith.constant 0 : i32
    return %c0_i32, %c0_i32_0 : i32, i32
  }
  func.func @transform_14(%arg0: i32, %arg1: i32) -> (i32, i32) {
    %eq3A = arith.constant 2 : i32
    %eq3A_0 = arith.cmpi eq, %arg0, %eq3A : i32
    %jit3A = arith.constant 0 : i32
    %select_n3A = arith.select %eq3A_0, %arg1, %jit3A : i32
    %c0_i32 = arith.constant 0 : i32
    %c0_i32_1 = arith.constant 0 : i32
    return %select_n3A, %c0_i32 : i32, i32
  }
}

</mosaic_0001>

<sc_bundles>
// kernel: kernel.11.cloned.1.call-start
scs
__scs_entry_jumppad:
0x0: {  	(pc) =	sbr.rel $0x88, $3  }
0x1: {  	(tag) =	ssettag $0x0;
	lr =	simm.s32 $0x1  }
0x2: {  	[smem:$0x3F7F] =	sst lr;
	_ =	strace $0xD0000000  }
0x3: {  	_ = 	snop  }
0x4: {  	_ = 	snop  }
0x5: {  	_ = 	snop  }
0x6: {  	_ = 	snop  }
0x7: {  	_ = 	snop  }
__scs_overlays_trampoline_lowered:
0x8: {  	[smem:$0x3F8E] =	sst s0  }
0x9: {  	[smem:$0x3F8F] =	sst s1  }
0xa: {  	[smem:$0x3F90] =	sst s2  }
0xb: {  	[smem:$0x3F91] =	sst s3  }
0xc: {  	[smem:$0x3F92] =	sst s4  }
0xd: {  	[smem:$0x3F93] =	sst s5  }
0xe: {  	[smem:$0x3F94] =	sst s6  }
0xf: {  	[smem:$0x3F95] =	sst s7  }
0x10: {  	[smem:$0x3F96] =	sst s8  }
0x11: {  	[smem:$0x3F97] =	sst s9;
	s0 =	simm.s32 @!p0 $0x0  }
0x12: {  	s1 =	sld [smem:$0x3F7D];
	s0 =	simm.s32 @p0 $0x1  }
0x13: {  	[smem:$0x3F98] =	sst s0;
	s0 =	simm.s32 @!p1 $0x0  }
0x14: {  	s2 =	sld [smem:$0x3F7C];
	s0 =	simm.s32 @p1 $0x1  }
0x15: {  	[smem:$0x3F99] =	sst s0;
	s0 =	simm.s32 @!p2 $0x0  }
0x16: {  	s3 =	sld [smem:$0x3FDB];
	s0 =	simm.s32 @p2 $0x1  }
0x17: {  	s4 =	simm.s32 $0x1BF5;
	[smem:$0x3F9B] =	sst s0  }
0x18: {  	s0 =	sld [smem:$0x3F7E];
	_ =	swait.ge [sflag:s4], $0x0  }
0x19: {  	s7 =	sld [smem:$0x3F7F]  }
0x1a: {  	s8 =	sadd.s32 $0xFFFFE003, lr  }
0x1b: {  	s9 =	sadd.s32 $0xFFFFFEF7, lr;
	s5 =	simm.s32 $0xFFFFFFFF;
	p2 =	slt.u32 s8, $0xFFFFF086  }
0x1c: {  	p1 =	slt.u32 s9, $0xF7A;
	s5 =	simm.s32 @!p2 $0x0  }
0x1d: {  	s5 =	simm.s32 @p1 $0x1;
	p0 =	seq.s32 s7, s2  }
0x1e: {  	s7 =	smul.u32 @!p0 $0xF7A, s2;
	p2 =	seq.s32 @!p0 s5, $0x0  }
0x1f: {  	s9 =	smul.u32 $0xF7A, s1;
	s8 =	simm.s32 @!p0 $0x1BF5;
	p2 =	por !p2, p0  }
0x20: {  	[sflag:s8] =	ssyncset.s32 @!p0 $0xFFFFF086;
	s6 =	sadd.s32 @!p0 s3, s7;
	s7 =	simm.s32 @!p0 $0x108  }
0x21: {  	s3 =	sadd.s32 s3, s9;
	s6 =	sadd.s32 @!p0 $0x88, s6;
	s7 =	simm.s32 @p2 $0x1082  }
0x22: {  	[simem:s7], [sflag:s8] =	dma.local @!p0 [hbm:s6], $0xF7A  }
0x23: {  	s9 =	sor.u32 $0xD0000000, s2;
	s6 =	simm.s32 $0x108;
	_ =	swait.ge @!p0 [sflag:s8], $0x0  }
0x24: {  	s3 =	sadd.s32 $0x88, s3;
	s6 =	simm.s32 @!p1 $0x1082;
	[sflag:s4] =	ssyncset.s32 $0xFFFFF086  }
0x25: {  	[simem:s6], [sflag:s4] =	dma.local [hbm:s3], $0xF7A  }
0x26: {  	[smem:$0x3F7F] =	sst s1;
	(tag) =	ssettag s2;
	_ =	strace s9  }
0x27: {  	s1 =	sld [smem:$0x3F8F]  }
0x28: {  	s2 =	sld [smem:$0x3F90]  }
0x29: {  	s4 =	sld [smem:$0x3F92]  }
0x2a: {  	p0 =	seq.s32 s5, $0x0;
	s5 =	sld [smem:$0x3F93]  }
0x2b: {  	s6 =	sld [smem:$0x3F94]  }
0x2c: {  	s7 =	sld [smem:$0x3F95]  }
0x2d: {  	s3 =	simm.s32 $0x108;
	s8 =	sld [smem:$0x3F96]  }
0x2e: {  	s3 =	simm.s32 @!p0 $0x1082;
	s9 =	sld [smem:$0x3F97]  }
0x2f: {  	lr =	sadd.s32 s0, s3;
	s0 =	sld [smem:$0x3F8E]  }
0x30: {  	s3 =	sld [smem:$0x3F91]  }
0x31: {  	[smem:$0x3F9A] =	sst s10  }
0x32: {  	s10 =	sld [smem:$0x3F98];
	_ =	sdelay $0x3  }
0x33: {  	p0 =	seq.s32 s10, $0x1;
	s10 =	sld [smem:$0x3F9A];
	_ =	sdelay $0x3  }
0x34: {  	[smem:$0x3F9A] =	sst s10  }
0x35: {  	s10 =	sld [smem:$0x3F99];
	_ =	sdelay $0x3  }
0x36: {  	p1 =	seq.s32 s10, $0x1;
	s10 =	sld [smem:$0x3F9A];
	_ =	sdelay $0x3  }
0x37: {  	[smem:$0x3F9A] =	sst s10  }
0x38: {  	s10 =	sld [smem:$0x3F9B]  }
0x39: {  	_ = 	snop;
	(pc) =	sbr.ind lr, $3  }
0x3a: {  	_ = 	snop  }
0x3b: {  	_ = 	snop  }
0x3c: {  	p2 =	seq.s32 s10, $0x1;
	s10 =	sld [smem:$0x3F9A]  }
0x3d: {  	_ =	shalt  }
0x3e: {  	_ =	shalt  }
0x3f: {  	_ =	shalt  }
0x40: {  	_ =	shalt  }
0x41: {  	_ =	shalt  }
0x42: {  	_ =	shalt  }
0x43: {  	_ =	shalt  }
0x44: {  	_ =	shalt  }
0x45: {  	_ =	shalt  }
0x46: {  	_ =	shalt  }
0x47: {  	_ =	shalt  }
0x48: {  	_ =	shalt  }
0x49: {  	_ =	shalt  }
0x4a: {  	_ =	shalt  }
0x4b: {  	_ =	shalt  }
0x4c: {  	_ =	shalt  }
0x4d: {  	_ =	shalt  }
0x4e: {  	_ =	shalt  }
0x4f: {  	_ =	shalt  }
0x50: {  	_ =	shalt  }
0x51: {  	_ =	shalt  }
0x52: {  	_ =	shalt  }
0x53: {  	_ =	shalt  }
0x54: {  	_ =	shalt  }
0x55: {  	_ =	shalt  }
0x56: {  	_ =	shalt  }
0x57: {  	_ =	shalt  }
0x58: {  	_ =	shalt  }
0x59: {  	_ =	shalt  }
0x5a: {  	_ =	shalt  }
0x5b: {  	_ =	shalt  }
0x5c: {  	_ =	shalt  }
0x5d: {  	_ =	shalt  }
0x5e: {  	_ =	shalt  }
0x5f: {  	_ =	shalt  }
0x60: {  	_ =	shalt  }
0x61: {  	_ =	shalt  }
0x62: {  	_ =	shalt  }
0x63: {  	_ =	shalt  }
0x64: {  	_ =	shalt  }
0x65: {  	_ =	shalt  }
0x66: {  	_ =	shalt  }
0x67: {  	_ =	shalt  }
0x68: {  	_ =	shalt  }
0x69: {  	_ =	shalt  }
0x6a: {  	_ =	shalt  }
0x6b: {  	_ =	shalt  }
0x6c: {  	_ =	shalt  }
0x6d: {  	_ =	shalt  }
0x6e: {  	_ =	shalt  }
0x6f: {  	_ =	shalt  }
0x70: {  	_ =	shalt  }
0x71: {  	_ =	shalt  }
0x72: {  	_ =	shalt  }
0x73: {  	_ =	shalt  }
0x74: {  	_ =	shalt  }
0x75: {  	_ =	shalt  }
0x76: {  	_ =	shalt  }
0x77: {  	_ =	shalt  }
0x78: {  	_ =	shalt  }
0x79: {  	_ =	shalt  }
0x7a: {  	_ =	shalt  }
0x7b: {  	_ =	shalt  }
0x7c: {  	_ =	shalt  }
0x7d: {  	_ =	shalt  }
0x7e: {  	_ =	shalt  }
0x7f: {  	_ =	shalt  }
0x80: {  	_ =	shalt  }
0x81: {  	_ =	shalt  }
0x82: {  	_ =	shalt  }
0x83: {  	_ =	shalt  }
0x84: {  	_ =	shalt  }
0x85: {  	_ =	shalt  }
0x86: {  	_ =	shalt  }
0x87: {  	_ =	shalt  }
.Lfunc_end0:
.L_simem_size_0:
called_computation.1_lowered:
.L_overlay_start_0:
0x88: {  	s2 =	sld [smem:$0x3FD9]  }
0x89: {  	s3 =	sld [smem:$0x3FFE];
	_ =	sdelay $0x1  }
0x8a: {  	s1 =	srdreg.scid  }
0x8b: {  	s0 =	sand.u32 $0x1, s1  }
0x8c: {  	s17 =	sshll.u32 s0, $0xA;
	s2 =	sadd.s32 s3, s2  }
0x8d: {  	s2 =	sadd.s32 s2, s17  }
0x8e: {  	[smem:$0x3FA6] =	sst s2  }
0x8f: {  	_ = 	snop  }
0x90: {  	s2 =	sld [smem:$0x3FD0];
	(tm) =	ssettm $0x1  }
0x91: {  	s18 =	sld [smem:$0x3FFB];
	_ =	sdelay $0x3  }
0x92: {  	_ =	strace s18  }
0x93: {  	s3 =	sld [smem:$0x3FFC];
	_ =	sdelay $0x3  }
0x94: {  	_ =	strace s3  }
0x95: {  	s3 =	sld [smem:$0x3FFD];
	_ =	sdelay $0x3  }
0x96: {  	_ =	strace s3  }
0x97: {  	_ =	strace $0x8FFFFFFF  }
0x98: {  	s19 =	sld [smem:$0x3FDB];
	_ =	sdelay $0x1  }
0x99: {  	s4 =	simm.s32 $_scs_section_size  }
0x9a: {  	s5 =	simm.s32 $_size__tile_overlayer_lowered;
	s6 =	simm.s32 $_tile_overlayer_lowered  }
0x9b: {  	s22 =	simm.s32 $0x1BFF;
	s21 =	sshll.u32 s6, $0x1;
	s3 =	sadd.s32 s4, s19  }
0x9c: {  	s7 =	simm.s32 $0x0;
	s20 =	sshll.u32 s5, $0x1;
	s5 =	sadd.s32 s21, s3  }
0x9d: {  	[timem:s7], [sflag:s22] =	dma.local [hbm:s5], s20  }
0x9e: {  	_ =	swait.ge [sflag:s22], s20  }
0x9f: {  	s4 =	ssub.s32 $0x0, s20;
	[sflag:s22] =	ssyncset.done $0x0  }
0xa0: {  	[sflag:s22] =	ssyncadd.s32 s4;
	_ =	sdelay $0x1  }
0xa1: {  	s23 =	simm.s32 $0x1B8B  }
0xa2: {  	_ =	swait.ge [sflag:s23], $0x1  }
0xa3: {  	[sflag:s23] =	ssyncset.done $0x0  }
0xa4: {  	s25 =	simm.s32 $0x1B8E;
	s24 =	sld [smem:$0x3FFE];
	[sflag:s23] =	ssyncadd.s32 $0xFFFFFFFF  }
0xa5: {  	s26 =	simm.s32 $execute0_lowered;
	[smem:$0x3FD2] =	sst s25  }
0xa6: {  	s5 =	sshll.u32 s26, $0x1;
	_ =	strace $0x80000049;
	[dreg:$0x1] =	wrdreg $0xFFFFFFFF  }
0xa7: {  	s28 =	simm.s32 $_size_execute0_lowered;
	s3 =	sadd.s32 s3, s5;
	[dreg:$0x0] =	wrdreg $0x0  }
0xa8: {  	s5 =	sshll.u32 s28, $0x1;
	[dreg:$0x2] =	wrdreg s3  }
0xa9: {  	[dreg:$0x3] =	wrdreg s5  }
0xaa: {  	[dreg:$0x4] =	wrdreg $0xC0  }
0xab: {  	_ =	task [dreg:s7], $0x5FFFF  }
0xac: {  	[dreg:$0x1] =	wrdreg $0xFFFFFFFF  }
0xad: {  	[dreg:$0x0] =	wrdreg $0x60  }
0xae: {  	[dreg:$0x2] =	wrdreg s2  }
0xaf: {  	[dreg:$0x3] =	wrdreg s24  }
0xb0: {  	[dreg:$0x4] =	wrdreg $0xA5000  }
0xb1: {  	[dreg:$0x5] =	wrdreg $0x9  }
0xb2: {  	_ =	task.clear_ibuf [dreg:s7], $0x6FFFF;
	_ =	strace $0x90000049  }
0xb3: {  	s29 =	simm.s32 $0x9;
	_ =	strace $0x8000004B  }
0xb4: {  	_ =	swait.ge [sflag:s29], $0x1  }
0xb5: {  	[sflag:s29] =	ssyncadd.s32 $0xFFFFFFFF  }
0xb6: {  	_ =	strace $0x9000004B  }
0xb7: {  	_ =	sfence  }
0xb8: {  	s30 =	sld [smem:$0x0];
	_ =	sdelay $0x2  }
0xb9: {  	s31 =	sshll.u32 s1, $0xD;
	s1 =	sshrl.u32 s1, $0x2  }
0xba: {  	s3 =	sand.u32 $0x4000, s31;
	s1 =	sadd.s32 s1, s30  }
0xbb: {  	s0 =	sor.u32 s3, s0;
	s1 =	sshll.u32 s1, $0x11  }
0xbc: {  	s0 =	sor.u32 s1, s0  }
0xbd: {  	s0 =	sadd.s32 $0x8F2B, s0  }
0xbe: {  	[sflag:s0] =	ssyncadd.remote.s32 $0x1  }
0xbf: {  	_ =	sfence.sel $0xFFFF  }
0xc0: {  	[dreg:$0x0] =	wrdreg $0xFFFFFFFF;
	(pc) =	sbr.abs _section_cstart, $3  }
0xc1: {  	[dreg:$0x1] =	wrdreg $0xFFFFFFFF  }
0xc2: {  	_ =	task.clear_ibuf [dreg:s7], $0x2FFFF;
	_ =	strace $0x9FFFFFFF  }
0xc3: {  	(tm) =	ssettm $0x7FFFFFFF  }
tec
execute0_lowered:
.L_overlay_start_1:
0x0: {  	(tag) =	ssettag $0x1  }
0x1: {  	s4 =	rddreg [dreg:$0x0]  }
0x2: {  	s5 =	rddreg [dreg:$0x1]  }
0x3: {  	s1 =	rddreg [dreg:$0x2]  }
0x4: {  	s2 =	srdreg.scid;
	s0 =	rddreg [dreg:$0x3]  }
0x5: {  	s3 =	simm.s32 $0x0;
	s17 =	simm.s32 $0x7D;
	s18 =	simm.s32 $0x2800  }
0x6: {  	s19 =	simm.s32 $0x80;
	s20 =	simm.s32 $0x6680;
	s21 =	simm.s32 $0x3  }
0x7: {  	s22 =	simm.s32 $0x1;
	s23 =	simm.s32 $0x2;
	s24 =	simm.s32 $0x2700  }
0x8: {  	s25 =	simm.s32 $0x2780;
	s6 =	sand.u32 $0x1, s2;
	s2 =	stileid.u32  }
0x9: {  	s26 =	simm.s32 $0x0;
	[smem:$0x7FF] =	sst s3;
	s7 =	smul.u32 $0x27100, s6  }
0xa: {  	s12 =	sadd.s32 $0xA000, s5;
	s13 =	sadd.s32 $0x5000, s5;
	s8 =	smul.u32 $0x2710, s2  }
0xb: {  	_ =	strace $0x8000004A;
	s6 =	ssub.s32 $0x2, s6;
	s10 =	smul.u32 $0x13880, s2  }
0xc: {  	s15 =	smul.u32 $0x500, s2;
	s9 =	sshrl.u32 s6, $0x1;
	s8 =	sadd.s32 s8, s7  }
0xd: {  	s14 =	ssub.s32 s6, s9;
	s4 =	sadd.s32 s4, s7;
	s30 =	sshrl.u32 s10, $0x3  }
0xe: {  	s16 =	sadd.s32 s10, s1;
	s6 =	sshll.u32 s2, $0x6;
	s9 =	sadd.s32 s13, s15  }
0xf: {  	s31 =	sadd.s32 $0x280, s15;
	s11 =	sadd.s32 s8, s5;
	s5 =	sadd.s32 s30, s4  }
0x10: {  	s7 =	sor.u32 $0x1C03, s6;
	s8 =	sadd.s32 s12, s15;
	s12 =	sadd.s32 s12, s31  }
0x11: {  	s13 =	sadd.s32 s13, s31;
	s15 =	simm.s32 $0x4;
	s10 =	sadd.s32 $0xF000, s11  }
0x12: {  	s11 =	smax.u32 s14, $0x1;
	s14 =	sshrl.u32 s16, $0x3;
	s16 =	simm.s32 $0x1400  }
.LBB2_1:
0x13: {  	[spmem:s14], [sflag:s7] =	dma.local [hbm:s5], $0x2710  }
0x14: {  	[tilespmem:s3], [sflag:$0x4] =	stream.linear.gather [hbm4b:s8+s3], $0x1400, $0x38;
	[tilespmem:$0x1DD80] =	vst v63  }
0x15: {  	_ =	swait.ge [sflag:s15], $0x1400  }
0x16: {  	[sflag:s15] =	ssyncset.done $0x0  }
0x17: {  	[sflag:s15] =	ssyncadd.s32 $0xFFFFEC00  }
0x18: {  	[tilespmem:s16], [sflag:$0x4] =	stream.linear.gather [hbm4b:s9+s3], $0x1400, $0x38;
	[tilespmem:$0x1DD80] =	vst v63  }
0x19: {  	_ =	swait.ge [sflag:s15], $0x1400  }
0x1a: {  	[sflag:s15] =	ssyncset.done $0x0  }
0x1b: {  	[sflag:s15] =	ssyncadd.s32 $0xFFFFEC00  }
0x1c: {  	[tilespmem:s18], [sflag:$0x1] =	stream.indirect.gather [hbm4b:s4+s17], $0x80, s3, s17, $0xb8;
	[tilespmem:$0x1DD80] =	vst v63  }
0x1d: {  	_ = 	snop  }
0x1e: {  	[tilespmem:s20], [sflag:$0x2] =	stream.indirect.gather [hbm4b:s4+s17], $0x80, s19, s17, $0xb8;
	[tilespmem:$0x1DD80] =	vst v63  }
0x1f: {  	_ =	swait.ge [sflag:s21], $0x2710  }
0x20: {  	[sflag:s21] =	ssyncset.done $0x0  }
0x21: {  	[sflag:s21] =	ssyncadd.s32 $0xFFFFD8F0  }
0x22: {  	[bflag:$0x0] =	sbarrier.arrive $0xFFFF  }
0x23: {  	_ =	swait.ge [sflag:s22], $0x3E80  }
0x24: {  	[sflag:s22] =	ssyncset.done $0x0  }
0x25: {  	s28 =	simm.s32 $0x1400;
	[sflag:s22] =	ssyncadd.s32 $0xFFFFC180  }
0x26: {  	[spmem:s1] =	stream.indirect.scatter.add.f32 [tilespmem:s18], [sflag:$0x4], $0x80, s28, s17, $0xb8;
	[tilespmem:$0x1DD80] =	vst v63  }
0x27: {  	_ =	swait.ge [sflag:s15], $0x3E80  }
0x28: {  	[sflag:s15] =	ssyncset.done $0x0  }
0x29: {  	s28 =	simm.s32 $0x100;
	[sflag:s15] =	ssyncadd.s32 $0xFFFFC180  }
0x2a: {  	[tilespmem:s18], [sflag:$0x1] =	stream.indirect.gather [hbm4b:s4+s17], $0x80, s28, s17, $0xb8;
	[tilespmem:$0x1DD80] =	vst v63  }
0x2b: {  	_ =	swait.ge [sflag:s23], $0x3E80  }
0x2c: {  	[sflag:s23] =	ssyncset.done $0x0  }
0x2d: {  	s28 =	simm.s32 $0x1480;
	[sflag:s23] =	ssyncadd.s32 $0xFFFFC180  }
0x2e: {  	[spmem:s1] =	stream.indirect.scatter.add.f32 [tilespmem:s20], [sflag:$0x4], $0x80, s28, s17, $0xb8;
	[tilespmem:$0x1DD80] =	vst v63  }
0x2f: {  	_ =	swait.ge [sflag:s15], $0x3E80  }
0x30: {  	[sflag:s15] =	ssyncset.done $0x0  }
0x31: {  	s29 =	simm.s32 $0x180;
	s28 =	simm.s32 $0x400;
	[sflag:s15] =	ssyncadd.s32 $0xFFFFC180  }
.LBB2_2:
0x32: {  	[tilespmem:s20], [sflag:$0x2] =	stream.indirect.gather [hbm4b:s4+s17], $0x80, s29, s17, $0xb8;
	[tilespmem:$0x1DD80] =	vst v63  }
0x33: {  	s29 =	smov.u32 s28  }
0x34: {  	p0 =	sne.s32 s28, $0x4800;
	s28 =	sadd.s32 $0x400, s28;
	_ =	swait.ge [sflag:s22], $0x3E80  }
0x35: {  	s29 =	sshra.s32 s29, $0x2;
	[sflag:s22] =	ssyncset.done $0x0  }
0x36: {  	s30 =	sadd.s32 $0x1400, s29;
	[sflag:s22] =	ssyncadd.s32 $0xFFFFC180  }
0x37: {  	[spmem:s1] =	stream.indirect.scatter.add.f32 [tilespmem:s18], [sflag:$0x4], $0x80, s30, s17, $0xb8;
	[tilespmem:$0x1DD80] =	vst v63  }
0x38: {  	_ =	swait.ge [sflag:s15], $0x3E80  }
0x39: {  	[sflag:s15] =	ssyncset.done $0x0  }
0x3a: {  	s30 =	sadd.s32 $0x100, s29;
	[sflag:s15] =	ssyncadd.s32 $0xFFFFC180  }
0x3b: {  	[tilespmem:s18], [sflag:$0x1] =	stream.indirect.gather [hbm4b:s4+s17], $0x80, s30, s17, $0xb8;
	[tilespmem:$0x1DD80] =	vst v63  }
0x3c: {  	_ =	swait.ge [sflag:s23], $0x3E80  }
0x3d: {  	[sflag:s23] =	ssyncset.done $0x0  }
.Ltmp0:
0x3e: {  	s30 =	sadd.s32 $0x1480, s29;
	[sflag:s23] =	ssyncadd.s32 $0xFFFFC180;
	(pc) =	sbr.rel @p0 .LBB2_2-.Ltmp0, $4  }
0x3f: {  	[spmem:s1] =	stream.indirect.scatter.add.f32 [tilespmem:s20], [sflag:$0x4], $0x80, s30, s17, $0xb8;
	[tilespmem:$0x1DD80] =	vst v63  }
0x40: {  	_ =	swait.ge [sflag:s15], $0x3E80  }
0x41: {  	[sflag:s15] =	ssyncset.done $0x0  }
0x42: {  	s29 =	sadd.s32 $0x180, s29;
	[sflag:s15] =	ssyncadd.s32 $0xFFFFC180  }
0x43: {  	[tilespmem:s20], [sflag:$0x2] =	stream.indirect.gather [hbm4b:s4+s17], $0x80, s29, s17, $0xb8;
	[tilespmem:$0x1DD80] =	vst v63  }
0x44: {  	_ =	swait.ge [sflag:s22], $0x3E80  }
0x45: {  	[sflag:s22] =	ssyncset.done $0x0  }
0x46: {  	[sflag:s22] =	ssyncadd.s32 $0xFFFFC180  }
0x47: {  	[spmem:s1] =	stream.indirect.scatter.add.f32 [tilespmem:s18], [sflag:$0x4], $0x80, s24, s17, $0xb8;
	[tilespmem:$0x1DD80] =	vst v63  }
0x48: {  	_ =	swait.ge [sflag:s15], $0x3E80  }
0x49: {  	[sflag:s15] =	ssyncset.done $0x0  }
0x4a: {  	[sflag:s15] =	ssyncadd.s32 $0xFFFFC180  }
0x4b: {  	_ =	swait.ge [sflag:s23], $0x3E80  }
0x4c: {  	[sflag:s23] =	ssyncset.done $0x0  }
0x4d: {  	[sflag:s23] =	ssyncadd.s32 $0xFFFFC180  }
0x4e: {  	[spmem:s1] =	stream.indirect.scatter.add.f32 [tilespmem:s20], [sflag:$0x4], $0x80, s25, s17, $0xb8;
	[tilespmem:$0x1DD80] =	vst v63  }
0x4f: {  	_ =	swait.ge [sflag:s15], $0x3E80  }
0x50: {  	[sflag:s15] =	ssyncset.done $0x0  }
0x51: {  	s28 =	simm.s32 $0x0;
	[sflag:s15] =	ssyncadd.s32 $0xFFFFC180  }
0x52: {  	[tilespmem:s28], [sflag:$0x4] =	stream.linear.gather [hbm4b:s12+s28], $0x1400, $0x38;
	[tilespmem:$0x1DD80] =	vst v63  }
0x53: {  	_ =	swait.ge [sflag:s15], $0x1400  }
0x54: {  	[sflag:s15] =	ssyncset.done $0x0  }
0x55: {  	[sflag:s15] =	ssyncadd.s32 $0xFFFFEC00  }
0x56: {  	[tilespmem:s16], [sflag:$0x4] =	stream.linear.gather [hbm4b:s13+s28], $0x1400, $0x38;
	[tilespmem:$0x1DD80] =	vst v63  }
0x57: {  	_ =	swait.ge [sflag:s15], $0x1400  }
0x58: {  	[sflag:s15] =	ssyncset.done $0x0  }
0x59: {  	[sflag:s15] =	ssyncadd.s32 $0xFFFFEC00  }
0x5a: {  	[tilespmem:s18], [sflag:$0x1] =	stream.indirect.gather [hbm4b:s4+s17], $0x80, s28, s17, $0xb8;
	[tilespmem:$0x1DD80] =	vst v63  }
0x5b: {  	_ = 	snop  }
0x5c: {  	[tilespmem:s20], [sflag:$0x2] =	stream.indirect.gather [hbm4b:s4+s17], $0x80, s19, s17, $0xb8;
	[tilespmem:$0x1DD80] =	vst v63  }
0x5d: {  	_ =	swait.ge [sflag:s22], $0x3E80  }
0x5e: {  	[sflag:s22] =	ssyncset.done $0x0  }
0x5f: {  	s28 =	simm.s32 $0x1400;
	[sflag:s22] =	ssyncadd.s32 $0xFFFFC180  }
0x60: {  	[spmem:s1] =	stream.indirect.scatter.add.f32 [tilespmem:s18], [sflag:$0x4], $0x80, s28, s17, $0xb8;
	[tilespmem:$0x1DD80] =	vst v63  }
0x61: {  	_ =	swait.ge [sflag:s15], $0x3E80  }
0x62: {  	[sflag:s15] =	ssyncset.done $0x0  }
0x63: {  	s28 =	simm.s32 $0x100;
	[sflag:s15] =	ssyncadd.s32 $0xFFFFC180  }
0x64: {  	[tilespmem:s18], [sflag:$0x1] =	stream.indirect.gather [hbm4b:s4+s17], $0x80, s28, s17, $0xb8;
	[tilespmem:$0x1DD80] =	vst v63  }
0x65: {  	_ =	swait.ge [sflag:s23], $0x3E80  }
0x66: {  	[sflag:s23] =	ssyncset.done $0x0  }
0x67: {  	s28 =	simm.s32 $0x1480;
	[sflag:s23] =	ssyncadd.s32 $0xFFFFC180  }
0x68: {  	[spmem:s1] =	stream.indirect.scatter.add.f32 [tilespmem:s20], [sflag:$0x4], $0x80, s28, s17, $0xb8;
	[tilespmem:$0x1DD80] =	vst v63  }
0x69: {  	_ =	swait.ge [sflag:s15], $0x3E80  }
0x6a: {  	[sflag:s15] =	ssyncset.done $0x0  }
0x6b: {  	s29 =	simm.s32 $0x180;
	s28 =	simm.s32 $0x400;
	[sflag:s15] =	ssyncadd.s32 $0xFFFFC180  }
.LBB2_4:
0x6c: {  	[tilespmem:s20], [sflag:$0x2] =	stream.indirect.gather [hbm4b:s4+s17], $0x80, s29, s17, $0xb8;
	[tilespmem:$0x1DD80] =	vst v63  }
0x6d: {  	s29 =	smov.u32 s28  }
0x6e: {  	p0 =	sne.s32 s28, $0x4800;
	s28 =	sadd.s32 $0x400, s28;
	_ =	swait.ge [sflag:s22], $0x3E80  }
0x6f: {  	s29 =	sshra.s32 s29, $0x2;
	[sflag:s22] =	ssyncset.done $0x0  }
0x70: {  	s30 =	sadd.s32 $0x1400, s29;
	[sflag:s22] =	ssyncadd.s32 $0xFFFFC180  }
0x71: {  	[spmem:s1] =	stream.indirect.scatter.add.f32 [tilespmem:s18], [sflag:$0x4], $0x80, s30, s17, $0xb8;
	[tilespmem:$0x1DD80] =	vst v63  }
0x72: {  	_ =	swait.ge [sflag:s15], $0x3E80  }
0x73: {  	[sflag:s15] =	ssyncset.done $0x0  }
0x74: {  	s30 =	sadd.s32 $0x100, s29;
	[sflag:s15] =	ssyncadd.s32 $0xFFFFC180  }
0x75: {  	[tilespmem:s18], [sflag:$0x1] =	stream.indirect.gather [hbm4b:s4+s17], $0x80, s30, s17, $0xb8;
	[tilespmem:$0x1DD80] =	vst v63  }
0x76: {  	_ =	swait.ge [sflag:s23], $0x3E80  }
0x77: {  	[sflag:s23] =	ssyncset.done $0x0  }
.Ltmp1:
0x78: {  	s30 =	sadd.s32 $0x1480, s29;
	[sflag:s23] =	ssyncadd.s32 $0xFFFFC180;
	(pc) =	sbr.rel @p0 .LBB2_4-.Ltmp1, $4  }
0x79: {  	[spmem:s1] =	stream.indirect.scatter.add.f32 [tilespmem:s20], [sflag:$0x4], $0x80, s30, s17, $0xb8;
	[tilespmem:$0x1DD80] =	vst v63  }
0x7a: {  	_ =	swait.ge [sflag:s15], $0x3E80  }
0x7b: {  	[sflag:s15] =	ssyncset.done $0x0  }
0x7c: {  	s29 =	sadd.s32 $0x180, s29;
	[sflag:s15] =	ssyncadd.s32 $0xFFFFC180  }
0x7d: {  	[tilespmem:s20], [sflag:$0x2] =	stream.indirect.gather [hbm4b:s4+s17], $0x80, s29, s17, $0xb8;
	[tilespmem:$0x1DD80] =	vst v63  }
0x7e: {  	_ =	swait.ge [sflag:s22], $0x3E80  }
0x7f: {  	[sflag:s22] =	ssyncset.done $0x0  }
0x80: {  	[sflag:s22] =	ssyncadd.s32 $0xFFFFC180  }
0x81: {  	[spmem:s1] =	stream.indirect.scatter.add.f32 [tilespmem:s18], [sflag:$0x4], $0x80, s24, s17, $0xb8;
	[tilespmem:$0x1DD80] =	vst v63  }
0x82: {  	_ =	swait.ge [sflag:s15], $0x3E80  }
0x83: {  	[sflag:s15] =	ssyncset.done $0x0  }
0x84: {  	[sflag:s15] =	ssyncadd.s32 $0xFFFFC180  }
0x85: {  	_ =	swait.ge [sflag:s23], $0x3E80  }
0x86: {  	[sflag:s23] =	ssyncset.done $0x0  }
0x87: {  	[sflag:s23] =	ssyncadd.s32 $0xFFFFC180  }
0x88: {  	[spmem:s1] =	stream.indirect.scatter.add.f32 [tilespmem:s20], [sflag:$0x4], $0x80, s25, s17, $0xb8;
	[tilespmem:$0x1DD80] =	vst v63  }
0x89: {  	_ =	swait.ge [sflag:s15], $0x3E80  }
0x8a: {  	s26 =	sadd.s32 $0x1, s26;
	[sflag:s15] =	ssyncset.done $0x0  }
0x8b: {  	p0 =	sne.s32 s26, s11;
	[sflag:s15] =	ssyncadd.s32 $0xFFFFC180  }
.Ltmp2:
0x8c: {  	s28 =	sor.u32 $0x1C04, s6;
	[bflag:$0x0] =	sbarrier.arrive $0xFFFF;
	(pc) =	sbr.rel @p0 .LBB2_1-.Ltmp2, $4  }
0x8d: {  	[hbm:s10], [sflag:s28] =	dma.local [spmem:s14], $0x2710  }
0x8e: {  	_ =	swait.ge [sflag:s15], $0x2710  }
0x8f: {  	[sflag:s15] =	ssyncset.done $0x0  }
0x90: {  	[sflag:s15] =	ssyncadd.s32 $0xFFFFD8F0  }
0x91: {  	_ =	sfence.sel $0x180000  }
0x92: {  	[bflag:$0x0] =	sbarrier.arrive $0xFFFF  }
0x93: {  	p0 =	sne.s32 s2, $0x0;
	_ =	strace $0x9000004A  }
0x94: {  	s0 =	sadd.s32 @!p0 $0x100000, s0;
	[bflag:$0x2] =	sbarrier.arrive $0xFFFF  }
0x95: {  	[sflag:s0] =	ssyncadd.tile.s32 @!p0 $0x1;
	_ =	shalt  }
.Lfunc_end2:
_tile_overlayer_lowered:
.L_overlay_start_2:
0x96: {  	(tag) =	ssettag $0x2  }
0x97: {  	s0 =	rddreg [dreg:$0x0];
	s2 =	stileid.u32  }
0x98: {  	s1 =	rddreg [dreg:$0x1];
	p0 =	sne.s32 s2, $0x0  }
0x99: {  	s3 =	rddreg [dreg:$0x2];
	[bflag:$0x3] =	sbarrier.arrive $0xFFFF;
	s2 =	simm.s32 @!p0 $0x1C04  }
0x9a: {  	[timem:s3], [sflag:s2] =	dma.local @!p0 [hbm:s0], s1  }
0x9b: {  	s0 =	simm.s32 @!p0 $0x4  }
0x9c: {  	_ =	swait.ge @!p0 [sflag:s0], s1  }
0x9d: {  	s1 =	ssub.s32 @!p0 $0x0, s1;
	[sflag:s0] =	ssyncset.done @!p0 $0x0  }
0x9e: {  	[sflag:s0] =	ssyncadd.s32 @!p0 s1  }
0x9f: {  	[bflag:$0x3] =	sbarrier.arrive $0xFFFF  }
0xa0: {  	_ =	shalt  }

// kernel: kernel.14.cloned.1.call-start
scs
__scs_entry_jumppad:
0x0: {  	(pc) =	sbr.rel $0x88, $3  }
0x1: {  	(tag) =	ssettag $0x0;
	lr =	simm.s32 $0x1  }
0x2: {  	[smem:$0x3F7F] =	sst lr;
	_ =	strace $0xD0000000  }
0x3: {  	_ = 	snop  }
0x4: {  	_ = 	snop  }
0x5: {  	_ = 	snop  }
0x6: {  	_ = 	snop  }
0x7: {  	_ = 	snop  }
__scs_overlays_trampoline_lowered:
0x8: {  	[smem:$0x3F8E] =	sst s0  }
0x9: {  	[smem:$0x3F8F] =	sst s1  }
0xa: {  	[smem:$0x3F90] =	sst s2  }
0xb: {  	[smem:$0x3F91] =	sst s3  }
0xc: {  	[smem:$0x3F92] =	sst s4  }
0xd: {  	[smem:$0x3F93] =	sst s5  }
0xe: {  	[smem:$0x3F94] =	sst s6  }
0xf: {  	[smem:$0x3F95] =	sst s7  }
0x10: {  	[smem:$0x3F96] =	sst s8  }
0x11: {  	[smem:$0x3F97] =	sst s9;
	s0 =	simm.s32 @!p0 $0x0  }
0x12: {  	s1 =	sld [smem:$0x3F7D];
	s0 =	simm.s32 @p0 $0x1  }
0x13: {  	[smem:$0x3F98] =	sst s0;
	s0 =	simm.s32 @!p1 $0x0  }
0x14: {  	s2 =	sld [smem:$0x3F7C];
	s0 =	simm.s32 @p1 $0x1  }
0x15: {  	[smem:$0x3F99] =	sst s0;
	s0 =	simm.s32 @!p2 $0x0  }
0x16: {  	s3 =	sld [smem:$0x3FDB];
	s0 =	simm.s32 @p2 $0x1  }
0x17: {  	s4 =	simm.s32 $0x1BF5;
	[smem:$0x3F9B] =	sst s0  }
0x18: {  	s0 =	sld [smem:$0x3F7E];
	_ =	swait.ge [sflag:s4], $0x0  }
0x19: {  	s7 =	sld [smem:$0x3F7F]  }
0x1a: {  	s8 =	sadd.s32 $0xFFFFE003, lr  }
0x1b: {  	s9 =	sadd.s32 $0xFFFFFEF7, lr;
	s5 =	simm.s32 $0xFFFFFFFF;
	p2 =	slt.u32 s8, $0xFFFFF086  }
0x1c: {  	p1 =	slt.u32 s9, $0xF7A;
	s5 =	simm.s32 @!p2 $0x0  }
0x1d: {  	s5 =	simm.s32 @p1 $0x1;
	p0 =	seq.s32 s7, s2  }
0x1e: {  	s7 =	smul.u32 @!p0 $0xF7A, s2;
	p2 =	seq.s32 @!p0 s5, $0x0  }
0x1f: {  	s9 =	smul.u32 $0xF7A, s1;
	s8 =	simm.s32 @!p0 $0x1BF5;
	p2 =	por !p2, p0  }
0x20: {  	[sflag:s8] =	ssyncset.s32 @!p0 $0xFFFFF086;
	s6 =	sadd.s32 @!p0 s3, s7;
	s7 =	simm.s32 @!p0 $0x108  }
0x21: {  	s3 =	sadd.s32 s3, s9;
	s6 =	sadd.s32 @!p0 $0x88, s6;
	s7 =	simm.s32 @p2 $0x1082  }
0x22: {  	[simem:s7], [sflag:s8] =	dma.local @!p0 [hbm:s6], $0xF7A  }
0x23: {  	s9 =	sor.u32 $0xD0000000, s2;
	s6 =	simm.s32 $0x108;
	_ =	swait.ge @!p0 [sflag:s8], $0x0  }
0x24: {  	s3 =	sadd.s32 $0x88, s3;
	s6 =	simm.s32 @!p1 $0x1082;
	[sflag:s4] =	ssyncset.s32 $0xFFFFF086  }
0x25: {  	[simem:s6], [sflag:s4] =	dma.local [hbm:s3], $0xF7A  }
0x26: {  	[smem:$0x3F7F] =	sst s1;
	(tag) =	ssettag s2;
	_ =	strace s9  }
0x27: {  	s1 =	sld [smem:$0x3F8F]  }
0x28: {  	s2 =	sld [smem:$0x3F90]  }
0x29: {  	s4 =	sld [smem:$0x3F92]  }
0x2a: {  	p0 =	seq.s32 s5, $0x0;
	s5 =	sld [smem:$0x3F93]  }
0x2b: {  	s6 =	sld [smem:$0x3F94]  }
0x2c: {  	s7 =	sld [smem:$0x3F95]  }
0x2d: {  	s3 =	simm.s32 $0x108;
	s8 =	sld [smem:$0x3F96]  }
0x2e: {  	s3 =	simm.s32 @!p0 $0x1082;
	s9 =	sld [smem:$0x3F97]  }
0x2f: {  	lr =	sadd.s32 s0, s3;
	s0 =	sld [smem:$0x3F8E]  }
0x30: {  	s3 =	sld [smem:$0x3F91]  }
0x31: {  	[smem:$0x3F9A] =	sst s10  }
0x32: {  	s10 =	sld [smem:$0x3F98];
	_ =	sdelay $0x3  }
0x33: {  	p0 =	seq.s32 s10, $0x1;
	s10 =	sld [smem:$0x3F9A];
	_ =	sdelay $0x3  }
0x34: {  	[smem:$0x3F9A] =	sst s10  }
0x35: {  	s10 =	sld [smem:$0x3F99];
	_ =	sdelay $0x3  }
0x36: {  	p1 =	seq.s32 s10, $0x1;
	s10 =	sld [smem:$0x3F9A];
	_ =	sdelay $0x3  }
0x37: {  	[smem:$0x3F9A] =	sst s10  }
0x38: {  	s10 =	sld [smem:$0x3F9B]  }
0x39: {  	_ = 	snop;
	(pc) =	sbr.ind lr, $3  }
0x3a: {  	_ = 	snop  }
0x3b: {  	_ = 	snop  }
0x3c: {  	p2 =	seq.s32 s10, $0x1;
	s10 =	sld [smem:$0x3F9A]  }
0x3d: {  	_ =	shalt  }
0x3e: {  	_ =	shalt  }
0x3f: {  	_ =	shalt  }
0x40: {  	_ =	shalt  }
0x41: {  	_ =	shalt  }
0x42: {  	_ =	shalt  }
0x43: {  	_ =	shalt  }
0x44: {  	_ =	shalt  }
0x45: {  	_ =	shalt  }
0x46: {  	_ =	shalt  }
0x47: {  	_ =	shalt  }
0x48: {  	_ =	shalt  }
0x49: {  	_ =	shalt  }
0x4a: {  	_ =	shalt  }
0x4b: {  	_ =	shalt  }
0x4c: {  	_ =	shalt  }
0x4d: {  	_ =	shalt  }
0x4e: {  	_ =	shalt  }
0x4f: {  	_ =	shalt  }
0x50: {  	_ =	shalt  }
0x51: {  	_ =	shalt  }
0x52: {  	_ =	shalt  }
0x53: {  	_ =	shalt  }
0x54: {  	_ =	shalt  }
0x55: {  	_ =	shalt  }
0x56: {  	_ =	shalt  }
0x57: {  	_ =	shalt  }
0x58: {  	_ =	shalt  }
0x59: {  	_ =	shalt  }
0x5a: {  	_ =	shalt  }
0x5b: {  	_ =	shalt  }
0x5c: {  	_ =	shalt  }
0x5d: {  	_ =	shalt  }
0x5e: {  	_ =	shalt  }
0x5f: {  	_ =	shalt  }
0x60: {  	_ =	shalt  }
0x61: {  	_ =	shalt  }
0x62: {  	_ =	shalt  }
0x63: {  	_ =	shalt  }
0x64: {  	_ =	shalt  }
0x65: {  	_ =	shalt  }
0x66: {  	_ =	shalt  }
0x67: {  	_ =	shalt  }
0x68: {  	_ =	shalt  }
0x69: {  	_ =	shalt  }
0x6a: {  	_ =	shalt  }
0x6b: {  	_ =	shalt  }
0x6c: {  	_ =	shalt  }
0x6d: {  	_ =	shalt  }
0x6e: {  	_ =	shalt  }
0x6f: {  	_ =	shalt  }
0x70: {  	_ =	shalt  }
0x71: {  	_ =	shalt  }
0x72: {  	_ =	shalt  }
0x73: {  	_ =	shalt  }
0x74: {  	_ =	shalt  }
0x75: {  	_ =	shalt  }
0x76: {  	_ =	shalt  }
0x77: {  	_ =	shalt  }
0x78: {  	_ =	shalt  }
0x79: {  	_ =	shalt  }
0x7a: {  	_ =	shalt  }
0x7b: {  	_ =	shalt  }
0x7c: {  	_ =	shalt  }
0x7d: {  	_ =	shalt  }
0x7e: {  	_ =	shalt  }
0x7f: {  	_ =	shalt  }
0x80: {  	_ =	shalt  }
0x81: {  	_ =	shalt  }
0x82: {  	_ =	shalt  }
0x83: {  	_ =	shalt  }
0x84: {  	_ =	shalt  }
0x85: {  	_ =	shalt  }
0x86: {  	_ =	shalt  }
0x87: {  	_ =	shalt  }
.Lfunc_end0:
.L_simem_size_0:
called_computation.2_lowered:
.L_overlay_start_0:
0x88: {  	s2 =	sld [smem:$0x3FD9]  }
0x89: {  	s3 =	sld [smem:$0x3FFE];
	_ =	sdelay $0x1  }
0x8a: {  	s1 =	srdreg.scid  }
0x8b: {  	s0 =	sand.u32 $0x1, s1  }
0x8c: {  	s17 =	sshll.u32 s0, $0xA;
	s2 =	sadd.s32 s3, s2  }
0x8d: {  	s2 =	sadd.s32 s2, s17  }
0x8e: {  	[smem:$0x3FA6] =	sst s2  }
0x8f: {  	_ = 	snop  }
0x90: {  	s2 =	sld [smem:$0x3FD0];
	(tm) =	ssettm $0x1  }
0x91: {  	s18 =	sld [smem:$0x3FFB];
	_ =	sdelay $0x3  }
0x92: {  	_ =	strace s18  }
0x93: {  	s3 =	sld [smem:$0x3FFC];
	_ =	sdelay $0x3  }
0x94: {  	_ =	strace s3  }
0x95: {  	s3 =	sld [smem:$0x3FFD];
	_ =	sdelay $0x3  }
0x96: {  	_ =	strace s3  }
0x97: {  	_ =	strace $0x8FFFFFFF  }
0x98: {  	s19 =	sld [smem:$0x3FDB];
	_ =	sdelay $0x1  }
0x99: {  	s4 =	simm.s32 $_scs_section_size  }
0x9a: {  	s5 =	simm.s32 $_size__tile_overlayer_lowered;
	s6 =	simm.s32 $_tile_overlayer_lowered  }
0x9b: {  	s22 =	simm.s32 $0x1BFF;
	s21 =	sshll.u32 s6, $0x1;
	s3 =	sadd.s32 s4, s19  }
0x9c: {  	s7 =	simm.s32 $0x0;
	s20 =	sshll.u32 s5, $0x1;
	s5 =	sadd.s32 s21, s3  }
0x9d: {  	[timem:s7], [sflag:s22] =	dma.local [hbm:s5], s20  }
0x9e: {  	_ =	swait.ge [sflag:s22], s20  }
0x9f: {  	s4 =	ssub.s32 $0x0, s20;
	[sflag:s22] =	ssyncset.done $0x0  }
0xa0: {  	[sflag:s22] =	ssyncadd.s32 s4;
	_ =	sdelay $0x1  }
0xa1: {  	s23 =	simm.s32 $0x1B8B  }
0xa2: {  	_ =	swait.ge [sflag:s23], $0x1  }
0xa3: {  	[sflag:s23] =	ssyncset.done $0x0  }
0xa4: {  	s25 =	simm.s32 $0x1B8E;
	s24 =	sld [smem:$0x3FFE];
	[sflag:s23] =	ssyncadd.s32 $0xFFFFFFFF  }
0xa5: {  	s26 =	simm.s32 $execute0_lowered;
	[smem:$0x3FD2] =	sst s25  }
0xa6: {  	s5 =	sshll.u32 s26, $0x1;
	_ =	strace $0x8000004C;
	[dreg:$0x1] =	wrdreg $0xFFFFFFFF  }
0xa7: {  	s28 =	simm.s32 $_size_execute0_lowered;
	s3 =	sadd.s32 s3, s5;
	[dreg:$0x0] =	wrdreg $0x0  }
0xa8: {  	s5 =	sshll.u32 s28, $0x1;
	[dreg:$0x2] =	wrdreg s3  }
0xa9: {  	[dreg:$0x3] =	wrdreg s5  }
0xaa: {  	[dreg:$0x4] =	wrdreg $0xC0  }
0xab: {  	_ =	task [dreg:s7], $0x5FFFF  }
0xac: {  	[dreg:$0x1] =	wrdreg $0xFFFFFFFF  }
0xad: {  	[dreg:$0x0] =	wrdreg $0x60  }
0xae: {  	[dreg:$0x2] =	wrdreg s2  }
0xaf: {  	[dreg:$0x3] =	wrdreg s24  }
0xb0: {  	[dreg:$0x4] =	wrdreg $0xA5000  }
0xb1: {  	[dreg:$0x5] =	wrdreg $0x9  }
0xb2: {  	_ =	task.clear_ibuf [dreg:s7], $0x6FFFF;
	_ =	strace $0x9000004C  }
0xb3: {  	s29 =	simm.s32 $0x9;
	_ =	strace $0x8000004E  }
0xb4: {  	_ =	swait.ge [sflag:s29], $0x1  }
0xb5: {  	[sflag:s29] =	ssyncadd.s32 $0xFFFFFFFF  }
0xb6: {  	_ =	strace $0x9000004E  }
0xb7: {  	_ =	sfence  }
0xb8: {  	s30 =	sld [smem:$0x0];
	_ =	sdelay $0x2  }
0xb9: {  	s31 =	sshll.u32 s1, $0xD;
	s1 =	sshrl.u32 s1, $0x2  }
0xba: {  	s3 =	sand.u32 $0x4000, s31;
	s1 =	sadd.s32 s1, s30  }
0xbb: {  	s0 =	sor.u32 s3, s0;
	s1 =	sshll.u32 s1, $0x11  }
0xbc: {  	s0 =	sor.u32 s1, s0  }
0xbd: {  	s0 =	sadd.s32 $0x8F2B, s0  }
0xbe: {  	[sflag:s0] =	ssyncadd.remote.s32 $0x1  }
0xbf: {  	_ =	sfence.sel $0xFFFF  }
0xc0: {  	[dreg:$0x0] =	wrdreg $0xFFFFFFFF;
	(pc) =	sbr.abs _section_cstart, $3  }
0xc1: {  	[dreg:$0x1] =	wrdreg $0xFFFFFFFF  }
0xc2: {  	_ =	task.clear_ibuf [dreg:s7], $0x2FFFF;
	_ =	strace $0x9FFFFFFF  }
0xc3: {  	(tm) =	ssettm $0x7FFFFFFF  }
tec
execute0_lowered:
.L_overlay_start_1:
0x0: {  	(tag) =	ssettag $0x1  }
0x1: {  	s4 =	rddreg [dreg:$0x0]  }
0x2: {  	s5 =	rddreg [dreg:$0x1]  }
0x3: {  	s1 =	rddreg [dreg:$0x2]  }
0x4: {  	s2 =	srdreg.scid;
	s0 =	rddreg [dreg:$0x3]  }
0x5: {  	s3 =	simm.s32 $0x0;
	s17 =	simm.s32 $0x7D;
	s18 =	simm.s32 $0x2800  }
0x6: {  	s19 =	simm.s32 $0x80;
	s20 =	simm.s32 $0x6680;
	s21 =	simm.s32 $0x3  }
0x7: {  	s22 =	simm.s32 $0x1;
	s23 =	simm.s32 $0x2;
	s24 =	simm.s32 $0x2700  }
0x8: {  	s25 =	simm.s32 $0x2780;
	s6 =	sand.u32 $0x1, s2;
	s2 =	stileid.u32  }
0x9: {  	s26 =	simm.s32 $0x0;
	[smem:$0x7FF] =	sst s3;
	s7 =	smul.u32 $0x27100, s6  }
0xa: {  	s12 =	sadd.s32 $0xA000, s5;
	s13 =	sadd.s32 $0x5000, s5;
	s8 =	smul.u32 $0x2710, s2  }
0xb: {  	_ =	strace $0x8000004D;
	s6 =	ssub.s32 $0x2, s6;
	s10 =	smul.u32 $0x13880, s2  }
0xc: {  	s15 =	smul.u32 $0x500, s2;
	s9 =	sshrl.u32 s6, $0x1;
	s8 =	sadd.s32 s8, s7  }
0xd: {  	s14 =	ssub.s32 s6, s9;
	s4 =	sadd.s32 s4, s7;
	s30 =	sshrl.u32 s10, $0x3  }
0xe: {  	s16 =	sadd.s32 s10, s1;
	s6 =	sshll.u32 s2, $0x6;
	s9 =	sadd.s32 s13, s15  }
0xf: {  	s31 =	sadd.s32 $0x280, s15;
	s11 =	sadd.s32 s8, s5;
	s5 =	sadd.s32 s30, s4  }
0x10: {  	s7 =	sor.u32 $0x1C03, s6;
	s8 =	sadd.s32 s12, s15;
	s12 =	sadd.s32 s12, s31  }
0x11: {  	s13 =	sadd.s32 s13, s31;
	s15 =	simm.s32 $0x4;
	s10 =	sadd.s32 $0xF000, s11  }
0x12: {  	s11 =	smax.u32 s14, $0x1;
	s14 =	sshrl.u32 s16, $0x3;
	s16 =	simm.s32 $0x1400  }
.LBB2_1:
0x13: {  	[spmem:s14], [sflag:s7] =	dma.local [hbm:s5], $0x2710  }
0x14: {  	[tilespmem:s3], [sflag:$0x4] =	stream.linear.gather [hbm4b:s8+s3], $0x1400, $0x38;
	[tilespmem:$0x1DD80] =	vst v63  }
0x15: {  	_ =	swait.ge [sflag:s15], $0x1400  }
0x16: {  	[sflag:s15] =	ssyncset.done $0x0  }
0x17: {  	[sflag:s15] =	ssyncadd.s32 $0xFFFFEC00  }
0x18: {  	[tilespmem:s16], [sflag:$0x4] =	stream.linear.gather [hbm4b:s9+s3], $0x1400, $0x38;
	[tilespmem:$0x1DD80] =	vst v63  }
0x19: {  	_ =	swait.ge [sflag:s15], $0x1400  }
0x1a: {  	[sflag:s15] =	ssyncset.done $0x0  }
0x1b: {  	[sflag:s15] =	ssyncadd.s32 $0xFFFFEC00  }
0x1c: {  	[tilespmem:s18], [sflag:$0x1] =	stream.indirect.gather [hbm4b:s4+s17], $0x80, s3, s17, $0xb8;
	[tilespmem:$0x1DD80] =	vst v63  }
0x1d: {  	_ = 	snop  }
0x1e: {  	[tilespmem:s20], [sflag:$0x2] =	stream.indirect.gather [hbm4b:s4+s17], $0x80, s19, s17, $0xb8;
	[tilespmem:$0x1DD80] =	vst v63  }
0x1f: {  	_ =	swait.ge [sflag:s21], $0x2710  }
0x20: {  	[sflag:s21] =	ssyncset.done $0x0  }
0x21: {  	[sflag:s21] =	ssyncadd.s32 $0xFFFFD8F0  }
0x22: {  	[bflag:$0x0] =	sbarrier.arrive $0xFFFF  }
0x23: {  	_ =	swait.ge [sflag:s22], $0x3E80  }
0x24: {  	[sflag:s22] =	ssyncset.done $0x0  }
0x25: {  	s28 =	simm.s32 $0x1400;
	[sflag:s22] =	ssyncadd.s32 $0xFFFFC180  }
0x26: {  	[spmem:s1] =	stream.indirect.scatter.add.f32 [tilespmem:s18], [sflag:$0x4], $0x80, s28, s17, $0xb8;
	[tilespmem:$0x1DD80] =	vst v63  }
0x27: {  	_ =	swait.ge [sflag:s15], $0x3E80  }
0x28: {  	[sflag:s15] =	ssyncset.done $0x0  }
0x29: {  	s28 =	simm.s32 $0x100;
	[sflag:s15] =	ssyncadd.s32 $0xFFFFC180  }
0x2a: {  	[tilespmem:s18], [sflag:$0x1] =	stream.indirect.gather [hbm4b:s4+s17], $0x80, s28, s17, $0xb8;
	[tilespmem:$0x1DD80] =	vst v63  }
0x2b: {  	_ =	swait.ge [sflag:s23], $0x3E80  }
0x2c: {  	[sflag:s23] =	ssyncset.done $0x0  }
0x2d: {  	s28 =	simm.s32 $0x1480;
	[sflag:s23] =	ssyncadd.s32 $0xFFFFC180  }
0x2e: {  	[spmem:s1] =	stream.indirect.scatter.add.f32 [tilespmem:s20], [sflag:$0x4], $0x80, s28, s17, $0xb8;
	[tilespmem:$0x1DD80] =	vst v63  }
0x2f: {  	_ =	swait.ge [sflag:s15], $0x3E80  }
0x30: {  	[sflag:s15] =	ssyncset.done $0x0  }
0x31: {  	s29 =	simm.s32 $0x180;
	s28 =	simm.s32 $0x400;
	[sflag:s15] =	ssyncadd.s32 $0xFFFFC180  }
.LBB2_2:
0x32: {  	[tilespmem:s20], [sflag:$0x2] =	stream.indirect.gather [hbm4b:s4+s17], $0x80, s29, s17, $0xb8;
	[tilespmem:$0x1DD80] =	vst v63  }
0x33: {  	s29 =	smov.u32 s28  }
0x34: {  	p0 =	sne.s32 s28, $0x4800;
	s28 =	sadd.s32 $0x400, s28;
	_ =	swait.ge [sflag:s22], $0x3E80  }
0x35: {  	s29 =	sshra.s32 s29, $0x2;
	[sflag:s22] =	ssyncset.done $0x0  }
0x36: {  	s30 =	sadd.s32 $0x1400, s29;
	[sflag:s22] =	ssyncadd.s32 $0xFFFFC180  }
0x37: {  	[spmem:s1] =	stream.indirect.scatter.add.f32 [tilespmem:s18], [sflag:$0x4], $0x80, s30, s17, $0xb8;
	[tilespmem:$0x1DD80] =	vst v63  }
0x38: {  	_ =	swait.ge [sflag:s15], $0x3E80  }
0x39: {  	[sflag:s15] =	ssyncset.done $0x0  }
0x3a: {  	s30 =	sadd.s32 $0x100, s29;
	[sflag:s15] =	ssyncadd.s32 $0xFFFFC180  }
0x3b: {  	[tilespmem:s18], [sflag:$0x1] =	stream.indirect.gather [hbm4b:s4+s17], $0x80, s30, s17, $0xb8;
	[tilespmem:$0x1DD80] =	vst v63  }
0x3c: {  	_ =	swait.ge [sflag:s23], $0x3E80  }
0x3d: {  	[sflag:s23] =	ssyncset.done $0x0  }
.Ltmp0:
0x3e: {  	s30 =	sadd.s32 $0x1480, s29;
	[sflag:s23] =	ssyncadd.s32 $0xFFFFC180;
	(pc) =	sbr.rel @p0 .LBB2_2-.Ltmp0, $4  }
0x3f: {  	[spmem:s1] =	stream.indirect.scatter.add.f32 [tilespmem:s20], [sflag:$0x4], $0x80, s30, s17, $0xb8;
	[tilespmem:$0x1DD80] =	vst v63  }
0x40: {  	_ =	swait.ge [sflag:s15], $0x3E80  }
0x41: {  	[sflag:s15] =	ssyncset.done $0x0  }
0x42: {  	s29 =	sadd.s32 $0x180, s29;
	[sflag:s15] =	ssyncadd.s32 $0xFFFFC180  }
0x43: {  	[tilespmem:s20], [sflag:$0x2] =	stream.indirect.gather [hbm4b:s4+s17], $0x80, s29, s17, $0xb8;
	[tilespmem:$0x1DD80] =	vst v63  }
0x44: {  	_ =	swait.ge [sflag:s22], $0x3E80  }
0x45: {  	[sflag:s22] =	ssyncset.done $0x0  }
0x46: {  	[sflag:s22] =	ssyncadd.s32 $0xFFFFC180  }
0x47: {  	[spmem:s1] =	stream.indirect.scatter.add.f32 [tilespmem:s18], [sflag:$0x4], $0x80, s24, s17, $0xb8;
	[tilespmem:$0x1DD80] =	vst v63  }
0x48: {  	_ =	swait.ge [sflag:s15], $0x3E80  }
0x49: {  	[sflag:s15] =	ssyncset.done $0x0  }
0x4a: {  	[sflag:s15] =	ssyncadd.s32 $0xFFFFC180  }
0x4b: {  	_ =	swait.ge [sflag:s23], $0x3E80  }
0x4c: {  	[sflag:s23] =	ssyncset.done $0x0  }
0x4d: {  	[sflag:s23] =	ssyncadd.s32 $0xFFFFC180  }
0x4e: {  	[spmem:s1] =	stream.indirect.scatter.add.f32 [tilespmem:s20], [sflag:$0x4], $0x80, s25, s17, $0xb8;
	[tilespmem:$0x1DD80] =	vst v63  }
0x4f: {  	_ =	swait.ge [sflag:s15], $0x3E80  }
0x50: {  	[sflag:s15] =	ssyncset.done $0x0  }
0x51: {  	s28 =	simm.s32 $0x0;
	[sflag:s15] =	ssyncadd.s32 $0xFFFFC180  }
0x52: {  	[tilespmem:s28], [sflag:$0x4] =	stream.linear.gather [hbm4b:s12+s28], $0x1400, $0x38;
	[tilespmem:$0x1DD80] =	vst v63  }
0x53: {  	_ =	swait.ge [sflag:s15], $0x1400  }
0x54: {  	[sflag:s15] =	ssyncset.done $0x0  }
0x55: {  	[sflag:s15] =	ssyncadd.s32 $0xFFFFEC00  }
0x56: {  	[tilespmem:s16], [sflag:$0x4] =	stream.linear.gather [hbm4b:s13+s28], $0x1400, $0x38;
	[tilespmem:$0x1DD80] =	vst v63  }
0x57: {  	_ =	swait.ge [sflag:s15], $0x1400  }
0x58: {  	[sflag:s15] =	ssyncset.done $0x0  }
0x59: {  	[sflag:s15] =	ssyncadd.s32 $0xFFFFEC00  }
0x5a: {  	[tilespmem:s18], [sflag:$0x1] =	stream.indirect.gather [hbm4b:s4+s17], $0x80, s28, s17, $0xb8;
	[tilespmem:$0x1DD80] =	vst v63  }
0x5b: {  	_ = 	snop  }
0x5c: {  	[tilespmem:s20], [sflag:$0x2] =	stream.indirect.gather [hbm4b:s4+s17], $0x80, s19, s17, $0xb8;
	[tilespmem:$0x1DD80] =	vst v63  }
0x5d: {  	_ =	swait.ge [sflag:s22], $0x3E80  }
0x5e: {  	[sflag:s22] =	ssyncset.done $0x0  }
0x5f: {  	s28 =	simm.s32 $0x1400;
	[sflag:s22] =	ssyncadd.s32 $0xFFFFC180  }
0x60: {  	[spmem:s1] =	stream.indirect.scatter.add.f32 [tilespmem:s18], [sflag:$0x4], $0x80, s28, s17, $0xb8;
	[tilespmem:$0x1DD80] =	vst v63  }
0x61: {  	_ =	swait.ge [sflag:s15], $0x3E80  }
0x62: {  	[sflag:s15] =	ssyncset.done $0x0  }
0x63: {  	s28 =	simm.s32 $0x100;
	[sflag:s15] =	ssyncadd.s32 $0xFFFFC180  }
0x64: {  	[tilespmem:s18], [sflag:$0x1] =	stream.indirect.gather [hbm4b:s4+s17], $0x80, s28, s17, $0xb8;
	[tilespmem:$0x1DD80] =	vst v63  }
0x65: {  	_ =	swait.ge [sflag:s23], $0x3E80  }
0x66: {  	[sflag:s23] =	ssyncset.done $0x0  }
0x67: {  	s28 =	simm.s32 $0x1480;
	[sflag:s23] =	ssyncadd.s32 $0xFFFFC180  }
0x68: {  	[spmem:s1] =	stream.indirect.scatter.add.f32 [tilespmem:s20], [sflag:$0x4], $0x80, s28, s17, $0xb8;
	[tilespmem:$0x1DD80] =	vst v63  }
0x69: {  	_ =	swait.ge [sflag:s15], $0x3E80  }
0x6a: {  	[sflag:s15] =	ssyncset.done $0x0  }
0x6b: {  	s29 =	simm.s32 $0x180;
	s28 =	simm.s32 $0x400;
	[sflag:s15] =	ssyncadd.s32 $0xFFFFC180  }
.LBB2_4:
0x6c: {  	[tilespmem:s20], [sflag:$0x2] =	stream.indirect.gather [hbm4b:s4+s17], $0x80, s29, s17, $0xb8;
	[tilespmem:$0x1DD80] =	vst v63  }
0x6d: {  	s29 =	smov.u32 s28  }
0x6e: {  	p0 =	sne.s32 s28, $0x4800;
	s28 =	sadd.s32 $0x400, s28;
	_ =	swait.ge [sflag:s22], $0x3E80  }
0x6f: {  	s29 =	sshra.s32 s29, $0x2;
	[sflag:s22] =	ssyncset.done $0x0  }
0x70: {  	s30 =	sadd.s32 $0x1400, s29;
	[sflag:s22] =	ssyncadd.s32 $0xFFFFC180  }
0x71: {  	[spmem:s1] =	stream.indirect.scatter.add.f32 [tilespmem:s18], [sflag:$0x4], $0x80, s30, s17, $0xb8;
	[tilespmem:$0x1DD80] =	vst v63  }
0x72: {  	_ =	swait.ge [sflag:s15], $0x3E80  }
0x73: {  	[sflag:s15] =	ssyncset.done $0x0  }
0x74: {  	s30 =	sadd.s32 $0x100, s29;
	[sflag:s15] =	ssyncadd.s32 $0xFFFFC180  }
0x75: {  	[tilespmem:s18], [sflag:$0x1] =	stream.indirect.gather [hbm4b:s4+s17], $0x80, s30, s17, $0xb8;
	[tilespmem:$0x1DD80] =	vst v63  }
0x76: {  	_ =	swait.ge [sflag:s23], $0x3E80  }
0x77: {  	[sflag:s23] =	ssyncset.done $0x0  }
.Ltmp1:
0x78: {  	s30 =	sadd.s32 $0x1480, s29;
	[sflag:s23] =	ssyncadd.s32 $0xFFFFC180;
	(pc) =	sbr.rel @p0 .LBB2_4-.Ltmp1, $4  }
0x79: {  	[spmem:s1] =	stream.indirect.scatter.add.f32 [tilespmem:s20], [sflag:$0x4], $0x80, s30, s17, $0xb8;
	[tilespmem:$0x1DD80] =	vst v63  }
0x7a: {  	_ =	swait.ge [sflag:s15], $0x3E80  }
0x7b: {  	[sflag:s15] =	ssyncset.done $0x0  }
0x7c: {  	s29 =	sadd.s32 $0x180, s29;
	[sflag:s15] =	ssyncadd.s32 $0xFFFFC180  }
0x7d: {  	[tilespmem:s20], [sflag:$0x2] =	stream.indirect.gather [hbm4b:s4+s17], $0x80, s29, s17, $0xb8;
	[tilespmem:$0x1DD80] =	vst v63  }
0x7e: {  	_ =	swait.ge [sflag:s22], $0x3E80  }
0x7f: {  	[sflag:s22] =	ssyncset.done $0x0  }
0x80: {  	[sflag:s22] =	ssyncadd.s32 $0xFFFFC180  }
0x81: {  	[spmem:s1] =	stream.indirect.scatter.add.f32 [tilespmem:s18], [sflag:$0x4], $0x80, s24, s17, $0xb8;
	[tilespmem:$0x1DD80] =	vst v63  }
0x82: {  	_ =	swait.ge [sflag:s15], $0x3E80  }
0x83: {  	[sflag:s15] =	ssyncset.done $0x0  }
0x84: {  	[sflag:s15] =	ssyncadd.s32 $0xFFFFC180  }
0x85: {  	_ =	swait.ge [sflag:s23], $0x3E80  }
0x86: {  	[sflag:s23] =	ssyncset.done $0x0  }
0x87: {  	[sflag:s23] =	ssyncadd.s32 $0xFFFFC180  }
0x88: {  	[spmem:s1] =	stream.indirect.scatter.add.f32 [tilespmem:s20], [sflag:$0x4], $0x80, s25, s17, $0xb8;
	[tilespmem:$0x1DD80] =	vst v63  }
0x89: {  	_ =	swait.ge [sflag:s15], $0x3E80  }
0x8a: {  	s26 =	sadd.s32 $0x1, s26;
	[sflag:s15] =	ssyncset.done $0x0  }
0x8b: {  	p0 =	sne.s32 s26, s11;
	[sflag:s15] =	ssyncadd.s32 $0xFFFFC180  }
.Ltmp2:
0x8c: {  	s28 =	sor.u32 $0x1C04, s6;
	[bflag:$0x0] =	sbarrier.arrive $0xFFFF;
	(pc) =	sbr.rel @p0 .LBB2_1-.Ltmp2, $4  }
0x8d: {  	[hbm:s10], [sflag:s28] =	dma.local [spmem:s14], $0x2710  }
0x8e: {  	_ =	swait.ge [sflag:s15], $0x2710  }
0x8f: {  	[sflag:s15] =	ssyncset.done $0x0  }
0x90: {  	[sflag:s15] =	ssyncadd.s32 $0xFFFFD8F0  }
0x91: {  	_ =	sfence.sel $0x180000  }
0x92: {  	[bflag:$0x0] =	sbarrier.arrive $0xFFFF  }
0x93: {  	p0 =	sne.s32 s2, $0x0;
	_ =	strace $0x9000004D  }
0x94: {  	s0 =	sadd.s32 @!p0 $0x100000, s0;
	[bflag:$0x2] =	sbarrier.arrive $0xFFFF  }
0x95: {  	[sflag:s0] =	ssyncadd.tile.s32 @!p0 $0x1;
	_ =	shalt  }
.Lfunc_end2:
_tile_overlayer_lowered:
.L_overlay_start_2:
0x96: {  	(tag) =	ssettag $0x2  }
0x97: {  	s0 =	rddreg [dreg:$0x0];
	s2 =	stileid.u32  }
0x98: {  	s1 =	rddreg [dreg:$0x1];
	p0 =	sne.s32 s2, $0x0  }
0x99: {  	s3 =	rddreg [dreg:$0x2];
	[bflag:$0x3] =	sbarrier.arrive $0xFFFF;
	s2 =	simm.s32 @!p0 $0x1C04  }
0x9a: {  	[timem:s3], [sflag:s2] =	dma.local @!p0 [hbm:s0], s1  }
0x9b: {  	s0 =	simm.s32 @!p0 $0x4  }
0x9c: {  	_ =	swait.ge @!p0 [sflag:s0], s1  }
0x9d: {  	s1 =	ssub.s32 @!p0 $0x0, s1;
	[sflag:s0] =	ssyncset.done @!p0 $0x0  }
0x9e: {  	[sflag:s0] =	ssyncadd.s32 @!p0 s1  }
0x9f: {  	[bflag:$0x3] =	sbarrier.arrive $0xFFFF  }
0xa0: {  	_ =	shalt  }

// kernel: kernel.8.cloned.1.call-start
scs
__scs_entry_jumppad:
0x0: {  	(pc) =	sbr.rel $0x88, $3  }
0x1: {  	(tag) =	ssettag $0x0;
	lr =	simm.s32 $0x1  }
0x2: {  	[smem:$0x3F7F] =	sst lr;
	_ =	strace $0xD0000000  }
0x3: {  	_ = 	snop  }
0x4: {  	_ = 	snop  }
0x5: {  	_ = 	snop  }
0x6: {  	_ = 	snop  }
0x7: {  	_ = 	snop  }
__scs_overlays_trampoline_lowered:
0x8: {  	[smem:$0x3F8E] =	sst s0  }
0x9: {  	[smem:$0x3F8F] =	sst s1  }
0xa: {  	[smem:$0x3F90] =	sst s2  }
0xb: {  	[smem:$0x3F91] =	sst s3  }
0xc: {  	[smem:$0x3F92] =	sst s4  }
0xd: {  	[smem:$0x3F93] =	sst s5  }
0xe: {  	[smem:$0x3F94] =	sst s6  }
0xf: {  	[smem:$0x3F95] =	sst s7  }
0x10: {  	[smem:$0x3F96] =	sst s8  }
0x11: {  	[smem:$0x3F97] =	sst s9;
	s0 =	simm.s32 @!p0 $0x0  }
0x12: {  	s1 =	sld [smem:$0x3F7D];
	s0 =	simm.s32 @p0 $0x1  }
0x13: {  	[smem:$0x3F98] =	sst s0;
	s0 =	simm.s32 @!p1 $0x0  }
0x14: {  	s2 =	sld [smem:$0x3F7C];
	s0 =	simm.s32 @p1 $0x1  }
0x15: {  	[smem:$0x3F99] =	sst s0;
	s0 =	simm.s32 @!p2 $0x0  }
0x16: {  	s3 =	sld [smem:$0x3FDB];
	s0 =	simm.s32 @p2 $0x1  }
0x17: {  	s4 =	simm.s32 $0x1BF5;
	[smem:$0x3F9B] =	sst s0  }
0x18: {  	s0 =	sld [smem:$0x3F7E];
	_ =	swait.ge [sflag:s4], $0x0  }
0x19: {  	s7 =	sld [smem:$0x3F7F]  }
0x1a: {  	s8 =	sadd.s32 $0xFFFFE003, lr  }
0x1b: {  	s9 =	sadd.s32 $0xFFFFFEF7, lr;
	s5 =	simm.s32 $0xFFFFFFFF;
	p2 =	slt.u32 s8, $0xFFFFF086  }
0x1c: {  	p1 =	slt.u32 s9, $0xF7A;
	s5 =	simm.s32 @!p2 $0x0  }
0x1d: {  	s5 =	simm.s32 @p1 $0x1;
	p0 =	seq.s32 s7, s2  }
0x1e: {  	s7 =	smul.u32 @!p0 $0xF7A, s2;
	p2 =	seq.s32 @!p0 s5, $0x0  }
0x1f: {  	s9 =	smul.u32 $0xF7A, s1;
	s8 =	simm.s32 @!p0 $0x1BF5;
	p2 =	por !p2, p0  }
0x20: {  	[sflag:s8] =	ssyncset.s32 @!p0 $0xFFFFF086;
	s6 =	sadd.s32 @!p0 s3, s7;
	s7 =	simm.s32 @!p0 $0x108  }
0x21: {  	s3 =	sadd.s32 s3, s9;
	s6 =	sadd.s32 @!p0 $0x88, s6;
	s7 =	simm.s32 @p2 $0x1082  }
0x22: {  	[simem:s7], [sflag:s8] =	dma.local @!p0 [hbm:s6], $0xF7A  }
0x23: {  	s9 =	sor.u32 $0xD0000000, s2;
	s6 =	simm.s32 $0x108;
	_ =	swait.ge @!p0 [sflag:s8], $0x0  }
0x24: {  	s3 =	sadd.s32 $0x88, s3;
	s6 =	simm.s32 @!p1 $0x1082;
	[sflag:s4] =	ssyncset.s32 $0xFFFFF086  }
0x25: {  	[simem:s6], [sflag:s4] =	dma.local [hbm:s3], $0xF7A  }
0x26: {  	[smem:$0x3F7F] =	sst s1;
	(tag) =	ssettag s2;
	_ =	strace s9  }
0x27: {  	s1 =	sld [smem:$0x3F8F]  }
0x28: {  	s2 =	sld [smem:$0x3F90]  }
0x29: {  	s4 =	sld [smem:$0x3F92]  }
0x2a: {  	p0 =	seq.s32 s5, $0x0;
	s5 =	sld [smem:$0x3F93]  }
0x2b: {  	s6 =	sld [smem:$0x3F94]  }
0x2c: {  	s7 =	sld [smem:$0x3F95]  }
0x2d: {  	s3 =	simm.s32 $0x108;
	s8 =	sld [smem:$0x3F96]  }
0x2e: {  	s3 =	simm.s32 @!p0 $0x1082;
	s9 =	sld [smem:$0x3F97]  }
0x2f: {  	lr =	sadd.s32 s0, s3;
	s0 =	sld [smem:$0x3F8E]  }
0x30: {  	s3 =	sld [smem:$0x3F91]  }
0x31: {  	[smem:$0x3F9A] =	sst s10  }
0x32: {  	s10 =	sld [smem:$0x3F98];
	_ =	sdelay $0x3  }
0x33: {  	p0 =	seq.s32 s10, $0x1;
	s10 =	sld [smem:$0x3F9A];
	_ =	sdelay $0x3  }
0x34: {  	[smem:$0x3F9A] =	sst s10  }
0x35: {  	s10 =	sld [smem:$0x3F99];
	_ =	sdelay $0x3  }
0x36: {  	p1 =	seq.s32 s10, $0x1;
	s10 =	sld [smem:$0x3F9A];
	_ =	sdelay $0x3  }
0x37: {  	[smem:$0x3F9A] =	sst s10  }
0x38: {  	s10 =	sld [smem:$0x3F9B]  }
0x39: {  	_ = 	snop;
	(pc) =	sbr.ind lr, $3  }
0x3a: {  	_ = 	snop  }
0x3b: {  	_ = 	snop  }
0x3c: {  	p2 =	seq.s32 s10, $0x1;
	s10 =	sld [smem:$0x3F9A]  }
0x3d: {  	_ =	shalt  }
0x3e: {  	_ =	shalt  }
0x3f: {  	_ =	shalt  }
0x40: {  	_ =	shalt  }
0x41: {  	_ =	shalt  }
0x42: {  	_ =	shalt  }
0x43: {  	_ =	shalt  }
0x44: {  	_ =	shalt  }
0x45: {  	_ =	shalt  }
0x46: {  	_ =	shalt  }
0x47: {  	_ =	shalt  }
0x48: {  	_ =	shalt  }
0x49: {  	_ =	shalt  }
0x4a: {  	_ =	shalt  }
0x4b: {  	_ =	shalt  }
0x4c: {  	_ =	shalt  }
0x4d: {  	_ =	shalt  }
0x4e: {  	_ =	shalt  }
0x4f: {  	_ =	shalt  }
0x50: {  	_ =	shalt  }
0x51: {  	_ =	shalt  }
0x52: {  	_ =	shalt  }
0x53: {  	_ =	shalt  }
0x54: {  	_ =	shalt  }
0x55: {  	_ =	shalt  }
0x56: {  	_ =	shalt  }
0x57: {  	_ =	shalt  }
0x58: {  	_ =	shalt  }
0x59: {  	_ =	shalt  }
0x5a: {  	_ =	shalt  }
0x5b: {  	_ =	shalt  }
0x5c: {  	_ =	shalt  }
0x5d: {  	_ =	shalt  }
0x5e: {  	_ =	shalt  }
0x5f: {  	_ =	shalt  }
0x60: {  	_ =	shalt  }
0x61: {  	_ =	shalt  }
0x62: {  	_ =	shalt  }
0x63: {  	_ =	shalt  }
0x64: {  	_ =	shalt  }
0x65: {  	_ =	shalt  }
0x66: {  	_ =	shalt  }
0x67: {  	_ =	shalt  }
0x68: {  	_ =	shalt  }
0x69: {  	_ =	shalt  }
0x6a: {  	_ =	shalt  }
0x6b: {  	_ =	shalt  }
0x6c: {  	_ =	shalt  }
0x6d: {  	_ =	shalt  }
0x6e: {  	_ =	shalt  }
0x6f: {  	_ =	shalt  }
0x70: {  	_ =	shalt  }
0x71: {  	_ =	shalt  }
0x72: {  	_ =	shalt  }
0x73: {  	_ =	shalt  }
0x74: {  	_ =	shalt  }
0x75: {  	_ =	shalt  }
0x76: {  	_ =	shalt  }
0x77: {  	_ =	shalt  }
0x78: {  	_ =	shalt  }
0x79: {  	_ =	shalt  }
0x7a: {  	_ =	shalt  }
0x7b: {  	_ =	shalt  }
0x7c: {  	_ =	shalt  }
0x7d: {  	_ =	shalt  }
0x7e: {  	_ =	shalt  }
0x7f: {  	_ =	shalt  }
0x80: {  	_ =	shalt  }
0x81: {  	_ =	shalt  }
0x82: {  	_ =	shalt  }
0x83: {  	_ =	shalt  }
0x84: {  	_ =	shalt  }
0x85: {  	_ =	shalt  }
0x86: {  	_ =	shalt  }
0x87: {  	_ =	shalt  }
.Lfunc_end0:
.L_simem_size_0:
called_computation_lowered:
.L_overlay_start_0:
0x88: {  	s2 =	sld [smem:$0x3FD9]  }
0x89: {  	s3 =	sld [smem:$0x3FFE];
	_ =	sdelay $0x1  }
0x8a: {  	s1 =	srdreg.scid  }
0x8b: {  	s0 =	sand.u32 $0x1, s1  }
0x8c: {  	s17 =	sshll.u32 s0, $0xA;
	s2 =	sadd.s32 s3, s2  }
0x8d: {  	s2 =	sadd.s32 s2, s17  }
0x8e: {  	[smem:$0x3FA6] =	sst s2  }
0x8f: {  	_ = 	snop  }
0x90: {  	s2 =	sld [smem:$0x3FD0];
	(tm) =	ssettm $0x1  }
0x91: {  	s18 =	sld [smem:$0x3FFB];
	_ =	sdelay $0x3  }
0x92: {  	_ =	strace s18  }
0x93: {  	s3 =	sld [smem:$0x3FFC];
	_ =	sdelay $0x3  }
0x94: {  	_ =	strace s3  }
0x95: {  	s3 =	sld [smem:$0x3FFD];
	_ =	sdelay $0x3  }
0x96: {  	_ =	strace s3  }
0x97: {  	_ =	strace $0x8FFFFFFF  }
0x98: {  	s19 =	sld [smem:$0x3FDB];
	_ =	sdelay $0x1  }
0x99: {  	s4 =	simm.s32 $_scs_section_size  }
0x9a: {  	s5 =	simm.s32 $_size__tile_overlayer_lowered;
	s6 =	simm.s32 $_tile_overlayer_lowered  }
0x9b: {  	s22 =	simm.s32 $0x1BFF;
	s21 =	sshll.u32 s6, $0x1;
	s3 =	sadd.s32 s4, s19  }
0x9c: {  	s7 =	simm.s32 $0x0;
	s20 =	sshll.u32 s5, $0x1;
	s5 =	sadd.s32 s21, s3  }
0x9d: {  	[timem:s7], [sflag:s22] =	dma.local [hbm:s5], s20  }
0x9e: {  	_ =	swait.ge [sflag:s22], s20  }
0x9f: {  	s4 =	ssub.s32 $0x0, s20;
	[sflag:s22] =	ssyncset.done $0x0  }
0xa0: {  	[sflag:s22] =	ssyncadd.s32 s4;
	_ =	sdelay $0x1  }
0xa1: {  	s23 =	simm.s32 $0x1B8B  }
0xa2: {  	_ =	swait.ge [sflag:s23], $0x1  }
0xa3: {  	[sflag:s23] =	ssyncset.done $0x0  }
0xa4: {  	s25 =	simm.s32 $0x1B8E;
	s24 =	sld [smem:$0x3FFE];
	[sflag:s23] =	ssyncadd.s32 $0xFFFFFFFF  }
0xa5: {  	s26 =	simm.s32 $execute0_lowered;
	[smem:$0x3FD2] =	sst s25  }
0xa6: {  	s5 =	sshll.u32 s26, $0x1;
	_ =	strace $0x80000046;
	[dreg:$0x1] =	wrdreg $0xFFFFFFFF  }
0xa7: {  	s28 =	simm.s32 $_size_execute0_lowered;
	s3 =	sadd.s32 s3, s5;
	[dreg:$0x0] =	wrdreg $0x0  }
0xa8: {  	s5 =	sshll.u32 s28, $0x1;
	[dreg:$0x2] =	wrdreg s3  }
0xa9: {  	[dreg:$0x3] =	wrdreg s5  }
0xaa: {  	[dreg:$0x4] =	wrdreg $0xC0  }
0xab: {  	_ =	task [dreg:s7], $0x5FFFF  }
0xac: {  	[dreg:$0x1] =	wrdreg $0xFFFFFFFF  }
0xad: {  	[dreg:$0x0] =	wrdreg $0x60  }
0xae: {  	[dreg:$0x2] =	wrdreg s2  }
0xaf: {  	[dreg:$0x3] =	wrdreg s24  }
0xb0: {  	[dreg:$0x4] =	wrdreg $0xA5000  }
0xb1: {  	[dreg:$0x5] =	wrdreg $0x9  }
0xb2: {  	_ =	task.clear_ibuf [dreg:s7], $0x6FFFF;
	_ =	strace $0x90000046  }
0xb3: {  	s29 =	simm.s32 $0x9;
	_ =	strace $0x80000048  }
0xb4: {  	_ =	swait.ge [sflag:s29], $0x1  }
0xb5: {  	[sflag:s29] =	ssyncadd.s32 $0xFFFFFFFF  }
0xb6: {  	_ =	strace $0x90000048  }
0xb7: {  	_ =	sfence  }
0xb8: {  	s30 =	sld [smem:$0x0];
	_ =	sdelay $0x2  }
0xb9: {  	s31 =	sshll.u32 s1, $0xD;
	s1 =	sshrl.u32 s1, $0x2  }
0xba: {  	s3 =	sand.u32 $0x4000, s31;
	s1 =	sadd.s32 s1, s30  }
0xbb: {  	s0 =	sor.u32 s3, s0;
	s1 =	sshll.u32 s1, $0x11  }
0xbc: {  	s0 =	sor.u32 s1, s0  }
0xbd: {  	s0 =	sadd.s32 $0x8F2B, s0  }
0xbe: {  	[sflag:s0] =	ssyncadd.remote.s32 $0x1  }
0xbf: {  	_ =	sfence.sel $0xFFFF  }
0xc0: {  	[dreg:$0x0] =	wrdreg $0xFFFFFFFF;
	(pc) =	sbr.abs _section_cstart, $3  }
0xc1: {  	[dreg:$0x1] =	wrdreg $0xFFFFFFFF  }
0xc2: {  	_ =	task.clear_ibuf [dreg:s7], $0x2FFFF;
	_ =	strace $0x9FFFFFFF  }
0xc3: {  	(tm) =	ssettm $0x7FFFFFFF  }
tec
execute0_lowered:
.L_overlay_start_1:
0x0: {  	(tag) =	ssettag $0x1  }
0x1: {  	s4 =	rddreg [dreg:$0x0]  }
0x2: {  	s5 =	rddreg [dreg:$0x1]  }
0x3: {  	s1 =	rddreg [dreg:$0x2]  }
0x4: {  	s2 =	srdreg.scid;
	s0 =	rddreg [dreg:$0x3]  }
0x5: {  	s3 =	simm.s32 $0x0;
	s17 =	simm.s32 $0x7D;
	s18 =	simm.s32 $0x2800  }
0x6: {  	s19 =	simm.s32 $0x80;
	s20 =	simm.s32 $0x6680;
	s21 =	simm.s32 $0x3  }
0x7: {  	s22 =	simm.s32 $0x1;
	s23 =	simm.s32 $0x2;
	s24 =	simm.s32 $0x2700  }
0x8: {  	s25 =	simm.s32 $0x2780;
	s6 =	sand.u32 $0x1, s2;
	s2 =	stileid.u32  }
0x9: {  	s26 =	simm.s32 $0x0;
	[smem:$0x7FF] =	sst s3;
	s7 =	smul.u32 $0x27100, s6  }
0xa: {  	s12 =	sadd.s32 $0xA000, s5;
	s13 =	sadd.s32 $0x5000, s5;
	s8 =	smul.u32 $0x2710, s2  }
0xb: {  	_ =	strace $0x80000047;
	s6 =	ssub.s32 $0x2, s6;
	s10 =	smul.u32 $0x13880, s2  }
0xc: {  	s15 =	smul.u32 $0x500, s2;
	s9 =	sshrl.u32 s6, $0x1;
	s8 =	sadd.s32 s8, s7  }
0xd: {  	s14 =	ssub.s32 s6, s9;
	s4 =	sadd.s32 s4, s7;
	s30 =	sshrl.u32 s10, $0x3  }
0xe: {  	s16 =	sadd.s32 s10, s1;
	s6 =	sshll.u32 s2, $0x6;
	s9 =	sadd.s32 s13, s15  }
0xf: {  	s31 =	sadd.s32 $0x280, s15;
	s11 =	sadd.s32 s8, s5;
	s5 =	sadd.s32 s30, s4  }
0x10: {  	s7 =	sor.u32 $0x1C03, s6;
	s8 =	sadd.s32 s12, s15;
	s12 =	sadd.s32 s12, s31  }
0x11: {  	s13 =	sadd.s32 s13, s31;
	s15 =	simm.s32 $0x4;
	s10 =	sadd.s32 $0xF000, s11  }
0x12: {  	s11 =	smax.u32 s14, $0x1;
	s14 =	sshrl.u32 s16, $0x3;
	s16 =	simm.s32 $0x1400  }
.LBB2_1:
0x13: {  	[spmem:s14], [sflag:s7] =	dma.local [hbm:s5], $0x2710  }
0x14: {  	[tilespmem:s3], [sflag:$0x4] =	stream.linear.gather [hbm4b:s8+s3], $0x1400, $0x38;
	[tilespmem:$0x1DD80] =	vst v63  }
0x15: {  	_ =	swait.ge [sflag:s15], $0x1400  }
0x16: {  	[sflag:s15] =	ssyncset.done $0x0  }
0x17: {  	[sflag:s15] =	ssyncadd.s32 $0xFFFFEC00  }
0x18: {  	[tilespmem:s16], [sflag:$0x4] =	stream.linear.gather [hbm4b:s9+s3], $0x1400, $0x38;
	[tilespmem:$0x1DD80] =	vst v63  }
0x19: {  	_ =	swait.ge [sflag:s15], $0x1400  }
0x1a: {  	[sflag:s15] =	ssyncset.done $0x0  }
0x1b: {  	[sflag:s15] =	ssyncadd.s32 $0xFFFFEC00  }
0x1c: {  	[tilespmem:s18], [sflag:$0x1] =	stream.indirect.gather [hbm4b:s4+s17], $0x80, s3, s17, $0xb8;
	[tilespmem:$0x1DD80] =	vst v63  }
0x1d: {  	_ = 	snop  }
0x1e: {  	[tilespmem:s20], [sflag:$0x2] =	stream.indirect.gather [hbm4b:s4+s17], $0x80, s19, s17, $0xb8;
	[tilespmem:$0x1DD80] =	vst v63  }
0x1f: {  	_ =	swait.ge [sflag:s21], $0x2710  }
0x20: {  	[sflag:s21] =	ssyncset.done $0x0  }
0x21: {  	[sflag:s21] =	ssyncadd.s32 $0xFFFFD8F0  }
0x22: {  	[bflag:$0x0] =	sbarrier.arrive $0xFFFF  }
0x23: {  	_ =	swait.ge [sflag:s22], $0x3E80  }
0x24: {  	[sflag:s22] =	ssyncset.done $0x0  }
0x25: {  	s28 =	simm.s32 $0x1400;
	[sflag:s22] =	ssyncadd.s32 $0xFFFFC180  }
0x26: {  	[spmem:s1] =	stream.indirect.scatter.add.f32 [tilespmem:s18], [sflag:$0x4], $0x80, s28, s17, $0xb8;
	[tilespmem:$0x1DD80] =	vst v63  }
0x27: {  	_ =	swait.ge [sflag:s15], $0x3E80  }
0x28: {  	[sflag:s15] =	ssyncset.done $0x0  }
0x29: {  	s28 =	simm.s32 $0x100;
	[sflag:s15] =	ssyncadd.s32 $0xFFFFC180  }
0x2a: {  	[tilespmem:s18], [sflag:$0x1] =	stream.indirect.gather [hbm4b:s4+s17], $0x80, s28, s17, $0xb8;
	[tilespmem:$0x1DD80] =	vst v63  }
0x2b: {  	_ =	swait.ge [sflag:s23], $0x3E80  }
0x2c: {  	[sflag:s23] =	ssyncset.done $0x0  }
0x2d: {  	s28 =	simm.s32 $0x1480;
	[sflag:s23] =	ssyncadd.s32 $0xFFFFC180  }
0x2e: {  	[spmem:s1] =	stream.indirect.scatter.add.f32 [tilespmem:s20], [sflag:$0x4], $0x80, s28, s17, $0xb8;
	[tilespmem:$0x1DD80] =	vst v63  }
0x2f: {  	_ =	swait.ge [sflag:s15], $0x3E80  }
0x30: {  	[sflag:s15] =	ssyncset.done $0x0  }
0x31: {  	s29 =	simm.s32 $0x180;
	s28 =	simm.s32 $0x400;
	[sflag:s15] =	ssyncadd.s32 $0xFFFFC180  }
.LBB2_2:
0x32: {  	[tilespmem:s20], [sflag:$0x2] =	stream.indirect.gather [hbm4b:s4+s17], $0x80, s29, s17, $0xb8;
	[tilespmem:$0x1DD80] =	vst v63  }
0x33: {  	s29 =	smov.u32 s28  }
0x34: {  	p0 =	sne.s32 s28, $0x4800;
	s28 =	sadd.s32 $0x400, s28;
	_ =	swait.ge [sflag:s22], $0x3E80  }
0x35: {  	s29 =	sshra.s32 s29, $0x2;
	[sflag:s22] =	ssyncset.done $0x0  }
0x36: {  	s30 =	sadd.s32 $0x1400, s29;
	[sflag:s22] =	ssyncadd.s32 $0xFFFFC180  }
0x37: {  	[spmem:s1] =	stream.indirect.scatter.add.f32 [tilespmem:s18], [sflag:$0x4], $0x80, s30, s17, $0xb8;
	[tilespmem:$0x1DD80] =	vst v63  }
0x38: {  	_ =	swait.ge [sflag:s15], $0x3E80  }
0x39: {  	[sflag:s15] =	ssyncset.done $0x0  }
0x3a: {  	s30 =	sadd.s32 $0x100, s29;
	[sflag:s15] =	ssyncadd.s32 $0xFFFFC180  }
0x3b: {  	[tilespmem:s18], [sflag:$0x1] =	stream.indirect.gather [hbm4b:s4+s17], $0x80, s30, s17, $0xb8;
	[tilespmem:$0x1DD80] =	vst v63  }
0x3c: {  	_ =	swait.ge [sflag:s23], $0x3E80  }
0x3d: {  	[sflag:s23] =	ssyncset.done $0x0  }
.Ltmp0:
0x3e: {  	s30 =	sadd.s32 $0x1480, s29;
	[sflag:s23] =	ssyncadd.s32 $0xFFFFC180;
	(pc) =	sbr.rel @p0 .LBB2_2-.Ltmp0, $4  }
0x3f: {  	[spmem:s1] =	stream.indirect.scatter.add.f32 [tilespmem:s20], [sflag:$0x4], $0x80, s30, s17, $0xb8;
	[tilespmem:$0x1DD80] =	vst v63  }
0x40: {  	_ =	swait.ge [sflag:s15], $0x3E80  }
0x41: {  	[sflag:s15] =	ssyncset.done $0x0  }
0x42: {  	s29 =	sadd.s32 $0x180, s29;
	[sflag:s15] =	ssyncadd.s32 $0xFFFFC180  }
0x43: {  	[tilespmem:s20], [sflag:$0x2] =	stream.indirect.gather [hbm4b:s4+s17], $0x80, s29, s17, $0xb8;
	[tilespmem:$0x1DD80] =	vst v63  }
0x44: {  	_ =	swait.ge [sflag:s22], $0x3E80  }
0x45: {  	[sflag:s22] =	ssyncset.done $0x0  }
0x46: {  	[sflag:s22] =	ssyncadd.s32 $0xFFFFC180  }
0x47: {  	[spmem:s1] =	stream.indirect.scatter.add.f32 [tilespmem:s18], [sflag:$0x4], $0x80, s24, s17, $0xb8;
	[tilespmem:$0x1DD80] =	vst v63  }
0x48: {  	_ =	swait.ge [sflag:s15], $0x3E80  }
0x49: {  	[sflag:s15] =	ssyncset.done $0x0  }
0x4a: {  	[sflag:s15] =	ssyncadd.s32 $0xFFFFC180  }
0x4b: {  	_ =	swait.ge [sflag:s23], $0x3E80  }
0x4c: {  	[sflag:s23] =	ssyncset.done $0x0  }
0x4d: {  	[sflag:s23] =	ssyncadd.s32 $0xFFFFC180  }
0x4e: {  	[spmem:s1] =	stream.indirect.scatter.add.f32 [tilespmem:s20], [sflag:$0x4], $0x80, s25, s17, $0xb8;
	[tilespmem:$0x1DD80] =	vst v63  }
0x4f: {  	_ =	swait.ge [sflag:s15], $0x3E80  }
0x50: {  	[sflag:s15] =	ssyncset.done $0x0  }
0x51: {  	s28 =	simm.s32 $0x0;
	[sflag:s15] =	ssyncadd.s32 $0xFFFFC180  }
0x52: {  	[tilespmem:s28], [sflag:$0x4] =	stream.linear.gather [hbm4b:s12+s28], $0x1400, $0x38;
	[tilespmem:$0x1DD80] =	vst v63  }
0x53: {  	_ =	swait.ge [sflag:s15], $0x1400  }
0x54: {  	[sflag:s15] =	ssyncset.done $0x0  }
0x55: {  	[sflag:s15] =	ssyncadd.s32 $0xFFFFEC00  }
0x56: {  	[tilespmem:s16], [sflag:$0x4] =	stream.linear.gather [hbm4b:s13+s28], $0x1400, $0x38;
	[tilespmem:$0x1DD80] =	vst v63  }
0x57: {  	_ =	swait.ge [sflag:s15], $0x1400  }
0x58: {  	[sflag:s15] =	ssyncset.done $0x0  }
0x59: {  	[sflag:s15] =	ssyncadd.s32 $0xFFFFEC00  }
0x5a: {  	[tilespmem:s18], [sflag:$0x1] =	stream.indirect.gather [hbm4b:s4+s17], $0x80, s28, s17, $0xb8;
	[tilespmem:$0x1DD80] =	vst v63  }
0x5b: {  	_ = 	snop  }
0x5c: {  	[tilespmem:s20], [sflag:$0x2] =	stream.indirect.gather [hbm4b:s4+s17], $0x80, s19, s17, $0xb8;
	[tilespmem:$0x1DD80] =	vst v63  }
0x5d: {  	_ =	swait.ge [sflag:s22], $0x3E80  }
0x5e: {  	[sflag:s22] =	ssyncset.done $0x0  }
0x5f: {  	s28 =	simm.s32 $0x1400;
	[sflag:s22] =	ssyncadd.s32 $0xFFFFC180  }
0x60: {  	[spmem:s1] =	stream.indirect.scatter.add.f32 [tilespmem:s18], [sflag:$0x4], $0x80, s28, s17, $0xb8;
	[tilespmem:$0x1DD80] =	vst v63  }
0x61: {  	_ =	swait.ge [sflag:s15], $0x3E80  }
0x62: {  	[sflag:s15] =	ssyncset.done $0x0  }
0x63: {  	s28 =	simm.s32 $0x100;
	[sflag:s15] =	ssyncadd.s32 $0xFFFFC180  }
0x64: {  	[tilespmem:s18], [sflag:$0x1] =	stream.indirect.gather [hbm4b:s4+s17], $0x80, s28, s17, $0xb8;
	[tilespmem:$0x1DD80] =	vst v63  }
0x65: {  	_ =	swait.ge [sflag:s23], $0x3E80  }
0x66: {  	[sflag:s23] =	ssyncset.done $0x0  }
0x67: {  	s28 =	simm.s32 $0x1480;
	[sflag:s23] =	ssyncadd.s32 $0xFFFFC180  }
0x68: {  	[spmem:s1] =	stream.indirect.scatter.add.f32 [tilespmem:s20], [sflag:$0x4], $0x80, s28, s17, $0xb8;
	[tilespmem:$0x1DD80] =	vst v63  }
0x69: {  	_ =	swait.ge [sflag:s15], $0x3E80  }
0x6a: {  	[sflag:s15] =	ssyncset.done $0x0  }
0x6b: {  	s29 =	simm.s32 $0x180;
	s28 =	simm.s32 $0x400;
	[sflag:s15] =	ssyncadd.s32 $0xFFFFC180  }
.LBB2_4:
0x6c: {  	[tilespmem:s20], [sflag:$0x2] =	stream.indirect.gather [hbm4b:s4+s17], $0x80, s29, s17, $0xb8;
	[tilespmem:$0x1DD80] =	vst v63  }
0x6d: {  	s29 =	smov.u32 s28  }
0x6e: {  	p0 =	sne.s32 s28, $0x4800;
	s28 =	sadd.s32 $0x400, s28;
	_ =	swait.ge [sflag:s22], $0x3E80  }
0x6f: {  	s29 =	sshra.s32 s29, $0x2;
	[sflag:s22] =	ssyncset.done $0x0  }
0x70: {  	s30 =	sadd.s32 $0x1400, s29;
	[sflag:s22] =	ssyncadd.s32 $0xFFFFC180  }
0x71: {  	[spmem:s1] =	stream.indirect.scatter.add.f32 [tilespmem:s18], [sflag:$0x4], $0x80, s30, s17, $0xb8;
	[tilespmem:$0x1DD80] =	vst v63  }
0x72: {  	_ =	swait.ge [sflag:s15], $0x3E80  }
0x73: {  	[sflag:s15] =	ssyncset.done $0x0  }
0x74: {  	s30 =	sadd.s32 $0x100, s29;
	[sflag:s15] =	ssyncadd.s32 $0xFFFFC180  }
0x75: {  	[tilespmem:s18], [sflag:$0x1] =	stream.indirect.gather [hbm4b:s4+s17], $0x80, s30, s17, $0xb8;
	[tilespmem:$0x1DD80] =	vst v63  }
0x76: {  	_ =	swait.ge [sflag:s23], $0x3E80  }
0x77: {  	[sflag:s23] =	ssyncset.done $0x0  }
.Ltmp1:
0x78: {  	s30 =	sadd.s32 $0x1480, s29;
	[sflag:s23] =	ssyncadd.s32 $0xFFFFC180;
	(pc) =	sbr.rel @p0 .LBB2_4-.Ltmp1, $4  }
0x79: {  	[spmem:s1] =	stream.indirect.scatter.add.f32 [tilespmem:s20], [sflag:$0x4], $0x80, s30, s17, $0xb8;
	[tilespmem:$0x1DD80] =	vst v63  }
0x7a: {  	_ =	swait.ge [sflag:s15], $0x3E80  }
0x7b: {  	[sflag:s15] =	ssyncset.done $0x0  }
0x7c: {  	s29 =	sadd.s32 $0x180, s29;
	[sflag:s15] =	ssyncadd.s32 $0xFFFFC180  }
0x7d: {  	[tilespmem:s20], [sflag:$0x2] =	stream.indirect.gather [hbm4b:s4+s17], $0x80, s29, s17, $0xb8;
	[tilespmem:$0x1DD80] =	vst v63  }
0x7e: {  	_ =	swait.ge [sflag:s22], $0x3E80  }
0x7f: {  	[sflag:s22] =	ssyncset.done $0x0  }
0x80: {  	[sflag:s22] =	ssyncadd.s32 $0xFFFFC180  }
0x81: {  	[spmem:s1] =	stream.indirect.scatter.add.f32 [tilespmem:s18], [sflag:$0x4], $0x80, s24, s17, $0xb8;
	[tilespmem:$0x1DD80] =	vst v63  }
0x82: {  	_ =	swait.ge [sflag:s15], $0x3E80  }
0x83: {  	[sflag:s15] =	ssyncset.done $0x0  }
0x84: {  	[sflag:s15] =	ssyncadd.s32 $0xFFFFC180  }
0x85: {  	_ =	swait.ge [sflag:s23], $0x3E80  }
0x86: {  	[sflag:s23] =	ssyncset.done $0x0  }
0x87: {  	[sflag:s23] =	ssyncadd.s32 $0xFFFFC180  }
0x88: {  	[spmem:s1] =	stream.indirect.scatter.add.f32 [tilespmem:s20], [sflag:$0x4], $0x80, s25, s17, $0xb8;
	[tilespmem:$0x1DD80] =	vst v63  }
0x89: {  	_ =	swait.ge [sflag:s15], $0x3E80  }
0x8a: {  	s26 =	sadd.s32 $0x1, s26;
	[sflag:s15] =	ssyncset.done $0x0  }
0x8b: {  	p0 =	sne.s32 s26, s11;
	[sflag:s15] =	ssyncadd.s32 $0xFFFFC180  }
.Ltmp2:
0x8c: {  	s28 =	sor.u32 $0x1C04, s6;
	[bflag:$0x0] =	sbarrier.arrive $0xFFFF;
	(pc) =	sbr.rel @p0 .LBB2_1-.Ltmp2, $4  }
0x8d: {  	[hbm:s10], [sflag:s28] =	dma.local [spmem:s14], $0x2710  }
0x8e: {  	_ =	swait.ge [sflag:s15], $0x2710  }
0x8f: {  	[sflag:s15] =	ssyncset.done $0x0  }
0x90: {  	[sflag:s15] =	ssyncadd.s32 $0xFFFFD8F0  }
0x91: {  	_ =	sfence.sel $0x180000  }
0x92: {  	[bflag:$0x0] =	sbarrier.arrive $0xFFFF  }
0x93: {  	p0 =	sne.s32 s2, $0x0;
	_ =	strace $0x90000047  }
0x94: {  	s0 =	sadd.s32 @!p0 $0x100000, s0;
	[bflag:$0x2] =	sbarrier.arrive $0xFFFF  }
0x95: {  	[sflag:s0] =	ssyncadd.tile.s32 @!p0 $0x1;
	_ =	shalt  }
.Lfunc_end2:
_tile_overlayer_lowered:
.L_overlay_start_2:
0x96: {  	(tag) =	ssettag $0x2  }
0x97: {  	s0 =	rddreg [dreg:$0x0];
	s2 =	stileid.u32  }
0x98: {  	s1 =	rddreg [dreg:$0x1];
	p0 =	sne.s32 s2, $0x0  }
0x99: {  	s3 =	rddreg [dreg:$0x2];
	[bflag:$0x3] =	sbarrier.arrive $0xFFFF;
	s2 =	simm.s32 @!p0 $0x1C04  }
0x9a: {  	[timem:s3], [sflag:s2] =	dma.local @!p0 [hbm:s0], s1  }
0x9b: {  	s0 =	simm.s32 @!p0 $0x4  }
0x9c: {  	_ =	swait.ge @!p0 [sflag:s0], s1  }
0x9d: {  	s1 =	ssub.s32 @!p0 $0x0, s1;
	[sflag:s0] =	ssyncset.done @!p0 $0x0  }
0x9e: {  	[sflag:s0] =	ssyncadd.s32 @!p0 s1  }
0x9f: {  	[bflag:$0x3] =	sbarrier.arrive $0xFFFF  }
0xa0: {  	_ =	shalt  }

</sc_bundles>
